<compile_context>
chip_gen: v7x
topology: tpu7x:2x2x1
jax: 0.10.2.dev20260603
libtpu: 0.0.44.dev20260713+nightly
codegen_flags: <defaults>
</compile_context>

<pallas_src>
import functools

import jax
import jax.numpy as jnp
from jax import lax
from jax.experimental import pallas as pl
from jax.experimental.pallas import tpu as pltpu
from jax.experimental.pallas import tpu_sc as plsc

N_NODES = 10000
N_EDGES = 320000
D_FEAT = 128
NPAD = 10240
NW = 32
CHUNK = 128
NCHUNKS = N_EDGES // CHUNK
BASE_CH = NCHUNKS // NW
EXTRA = NCHUNKS - BASE_CH * NW
NPT = NPAD // 16
DROWS = NPAD // 128


def _make_sc_agg(with_deg, NSLOT):
    mesh = plsc.VectorSubcoreMesh(core_axis_name="c", subcore_axis_name="s")
    out_type = [jax.ShapeDtypeStruct((2, N_NODES, D_FEAT), jnp.float32)]
    scratch = [
        [pltpu.VMEM((CHUNK,), jnp.int32) for _ in range(NSLOT)],
        [pltpu.VMEM((CHUNK,), jnp.int32) for _ in range(NSLOT)],
        [pltpu.VMEM((CHUNK, D_FEAT), jnp.float32) for _ in range(NSLOT)],
        pltpu.VMEM_SHARED((N_NODES, D_FEAT), jnp.float32),
        [pltpu.SemaphoreType.DMA for _ in range(NSLOT)],
        [pltpu.SemaphoreType.DMA for _ in range(NSLOT)],
        [pltpu.SemaphoreType.DMA for _ in range(NSLOT)],
    ]
    if with_deg:
        out_type.append(jax.ShapeDtypeStruct((2, DROWS, D_FEAT), jnp.float32))
        scratch += [
            pltpu.VMEM((DROWS, D_FEAT), jnp.float32),
            pltpu.VMEM((DROWS,), jnp.int32),
            pltpu.VMEM_SHARED((DROWS, D_FEAT), jnp.float32),
        ]

    @functools.partial(
        pl.kernel, mesh=mesh, out_type=out_type, scratch_types=scratch,
        compiler_params=pltpu.CompilerParams(needs_layout_passes=False))
    def agg(xp_hbm, edge_hbm, *rest):
        if with_deg:
            (out_hbm, deg_hbm, src_s, dst_s, rows_s, acc,
             is_s, gs_s, ss_s, deg_v, iota_v, deg_acc) = rest
        else:
            (out_hbm, src_s, dst_s, rows_s, acc, is_s, gs_s, ss_s) = rest
        rows_v = rows_s[0]
        cid = lax.axis_index("c")
        sid = lax.axis_index("s")
        wid = sid * 2 + cid

        def zrow(i, carry):
            for j in range(D_FEAT // 16):
                rows_v[i, pl.ds(j * 16, 16)] = jnp.zeros((16,), jnp.float32)
            return carry
        lax.fori_loop(0, CHUNK, zrow, 0)
        r0 = pl.multiple_of(sid * 624, 8)

        @pl.when(sid < 15)
        def _():
            for m in range(4):
                pltpu.sync_copy(rows_v.at[pl.ds(0, CHUNK)],
                                acc.at[pl.ds(r0 + m * CHUNK, CHUNK)])
            pltpu.sync_copy(rows_v.at[pl.ds(0, 112)],
                            acc.at[pl.ds(r0 + 512, 112)])

        @pl.when(sid == 15)
        def _():
            for m in range(5):
                pltpu.sync_copy(rows_v.at[pl.ds(0, CHUNK)],
                                acc.at[pl.ds(9360 + m * CHUNK, CHUNK)])
        if with_deg:
            def zdeg(i, carry):
                for j in range(D_FEAT // 16):
                    deg_v[i, pl.ds(j * 16, 16)] = jnp.zeros((16,), jnp.float32)
                return carry
            lax.fori_loop(0, DROWS, zdeg, 0)
            for m in range(DROWS // 16):
                iota_v[pl.ds(m * 16, 16)] = (
                    lax.iota(jnp.int32, 16) + m * 16)

            @pl.when(sid == 0)
            def _():
                pltpu.sync_copy(rows_v.at[pl.ds(0, DROWS)], deg_acc)
        plsc.subcore_barrier()

        cstart = wid * BASE_CH + jnp.minimum(wid, EXTRA)
        nch = jnp.where(wid < EXTRA, BASE_CH + 1, BASE_CH)

        def idx_slices(c):
            eb = pl.multiple_of((cstart + c) * CHUNK, CHUNK)
            return (edge_hbm.at[0, pl.ds(eb, CHUNK)],
                    edge_hbm.at[1, pl.ds(eb, CHUNK)])

        def idx_start(c, s):
            sr, dr = idx_slices(c)
            pltpu.async_copy(sr, src_s[s], is_s[s])
            pltpu.async_copy(dr, dst_s[s], is_s[s])

        def idx_wait(c, s):
            sr, dr = idx_slices(c)
            pltpu.make_async_copy(sr, src_s[s], is_s[s]).wait()
            pltpu.make_async_copy(dr, dst_s[s], is_s[s]).wait()

        def deg_update(dstx):
            if with_deg:
                for j in range(CHUNK // 16):
                    d16 = dstx[pl.ds(j * 16, 16)]
                    cnt, mlast = plsc.scan_count(d16)
                    plsc.addupdate_scatter(
                        deg_v,
                        [lax.shift_right_logical(d16, 7),
                         jnp.bitwise_and(d16, 127)],
                        cnt.astype(jnp.float32), mask=mlast)

        srcA, srcB = src_s[0], src_s[1]
        dstA, dstB = dst_s[0], dst_s[1]
        rowsA, rowsB = rows_s[0], rows_s[1]
        isA, isB = is_s[0], is_s[1]
        gsA, gsB = gs_s[0], gs_s[1]
        ssA, ssB = ss_s[0], ss_s[1]

        idx_start(0, 0)
        idx_wait(0, 0)
        pltpu.async_copy(xp_hbm.at[srcA], rowsA, gsA)

        def body(i, carry):
            a = 2 * i

            @pl.when(i > 0)
            def _():
                pltpu.make_async_copy(rowsB, acc.at[dstB], ssB).wait()
            idx_start(a + 1, 1)
            pltpu.make_async_copy(xp_hbm.at[srcA], rowsA, gsA).wait()
            pltpu.async_copy(rowsA, acc.at[dstA], ssA, add=True)
            deg_update(dstA)
            idx_wait(a + 1, 1)
            pltpu.async_copy(xp_hbm.at[srcB], rowsB, gsB)
            pltpu.make_async_copy(rowsA, acc.at[dstA], ssA).wait()

            @pl.when(a + 2 < nch)
            def _(a=a):
                idx_start(a + 2, 0)
                idx_wait(a + 2, 0)
                pltpu.async_copy(xp_hbm.at[srcA], rowsA, gsA)
            pltpu.make_async_copy(xp_hbm.at[srcB], rowsB, gsB).wait()
            pltpu.async_copy(rowsB, acc.at[dstB], ssB, add=True)
            deg_update(dstB)
            return carry
        lax.fori_loop(0, BASE_CH // 2, body, 0)

        pltpu.make_async_copy(rowsB, acc.at[dstB], ssB).wait()

        @pl.when(nch > BASE_CH)
        def _():
            pltpu.make_async_copy(xp_hbm.at[srcA], rowsA, gsA).wait()
            pltpu.sync_copy(rowsA, acc.at[dstA], add=True)
            deg_update(dstA)

        if with_deg:
            pltpu.sync_copy(deg_v, deg_acc.at[iota_v], add=True)
        plsc.subcore_barrier()

        @pl.when(sid < 15)
        def _():
            pltpu.sync_copy(acc.at[pl.ds(r0, 624)],
                            out_hbm.at[cid, pl.ds(r0, 624)])

        @pl.when(sid == 15)
        def _():
            pltpu.sync_copy(acc.at[pl.ds(9360, 640)],
                            out_hbm.at[cid, pl.ds(9360, 640)])
        if with_deg:
            @pl.when(sid < 10)
            def _():
                dr = pl.multiple_of(sid * 8, 8)
                pltpu.sync_copy(deg_acc.at[pl.ds(dr, 8)],
                                deg_hbm.at[cid, pl.ds(dr, 8)])

    return agg


_sc_agg_deg = _make_sc_agg(True, 2)
_sc_agg_plain = _make_sc_agg(False, 2)



_BM = 2000


def _tc1_body(parts_ref, deg_ref, x_ref, wl_ref, bl_ref, wr_ref, o_ref):
    p = parts_ref[...]
    s = p[0] + p[1]
    d = deg_ref[...]
    deg = jnp.maximum(d[0] + d[1], 1.0)
    mean = s / deg
    acc = jnp.dot(mean, wl_ref[...], preferred_element_type=jnp.float32)
    acc = acc + jnp.dot(x_ref[...], wr_ref[...],
                        preferred_element_type=jnp.float32)
    acc = acc + bl_ref[...]
    o_ref[...] = jnp.maximum(acc, 0.0)


def _tc2_body(parts_ref, deg_ref, h_ref, wl_ref, bl_ref, wr_ref, o_ref):
    p = parts_ref[...]
    s = p[0] + p[1]
    d = deg_ref[...]
    deg = jnp.maximum(d[0] + d[1], 1.0)
    mean = s / deg
    acc = jnp.dot(mean, wl_ref[...], preferred_element_type=jnp.float32)
    acc = acc + jnp.dot(h_ref[...], wr_ref[...],
                        preferred_element_type=jnp.float32)
    o_ref[...] = acc + bl_ref[...]


def _tc_layer(body, parts, deg3, xin, wlT, bl, wrT):
    grid = N_NODES // _BM
    return pl.pallas_call(
        body,
        grid=(grid,),
        in_specs=[
            pl.BlockSpec((2, _BM, D_FEAT), lambda i: (0, i, 0)),
            pl.BlockSpec((2, _BM, 1), lambda i: (0, i, 0)),
            pl.BlockSpec((_BM, D_FEAT), lambda i: (i, 0)),
            pl.BlockSpec((D_FEAT, D_FEAT), lambda i: (0, 0)),
            pl.BlockSpec((1, D_FEAT), lambda i: (0, 0)),
            pl.BlockSpec((D_FEAT, D_FEAT), lambda i: (0, 0)),
        ],
        out_specs=pl.BlockSpec((_BM, D_FEAT), lambda i: (i, 0)),
        out_shape=jax.ShapeDtypeStruct((N_NODES, D_FEAT), jnp.float32),
    )(parts, deg3, xin, wlT, bl, wrT)


def kernel(x, edge_index, W1l, b1l, W1r, W2l, b2l, W2r):
    edges = edge_index.astype(jnp.int32)

    parts1, degp = _sc_agg_deg(x, edges)
    deg3 = degp.reshape(2, NPAD, 1)
    h = _tc_layer(_tc1_body, parts1, deg3, x,
                  W1l.T, b1l.reshape(1, D_FEAT), W1r.T)
    parts2, = _sc_agg_plain(h, edges)
    out = _tc_layer(_tc2_body, parts2, deg3, h,
                    W2l.T, b2l.reshape(1, D_FEAT), W2r.T)
    return out

# --- scband reference (transcript-rebuilt; emitter-appended) ---
"""Pipeline reference for scband-graph-sage-4861902979554 (READ-ONLY COPY).

The authoritative reference and input builder live on the scoring server;
editing this copy changes nothing except your own understanding.
"""

import jax, jax.numpy as jnp
import numpy as np

N = 10000
E = 320000
D = 128
H = 128

def setup_inputs(seed: int = 0) -> dict:
    key = jax.random.key(seed)
    ks = jax.random.split(key, 9)
    x = jax.random.normal(ks[0], (N, D), dtype=jnp.float32)
    edge_index = jax.random.randint(ks[1], (2, E), 0, N, dtype=jnp.int64)
    s1 = 1.0 / np.sqrt(D)
    s2 = 1.0 / np.sqrt(H)
    W1l = jax.random.uniform(ks[2], (H, D), jnp.float32, -s1, s1)
    b1l = jax.random.uniform(ks[3], (H,), jnp.float32, -s1, s1)
    W1r = jax.random.uniform(ks[4], (H, D), jnp.float32, -s1, s1)
    W2l = jax.random.uniform(ks[5], (H, H), jnp.float32, -s2, s2)
    b2l = jax.random.uniform(ks[6], (H,), jnp.float32, -s2, s2)
    W2r = jax.random.uniform(ks[7], (H, H), jnp.float32, -s2, s2)
    return {"x": x, "edge_index": edge_index, "W1l": W1l, "b1l": b1l, "W1r": W1r, "W2l": W2l, "b2l": b2l, "W2r": W2r}

def _sage_conv(x, edge_index, Wl, bl, Wr, num_nodes):
    src = edge_index[0]
    dst = edge_index[1]
    msgs = jnp.take(x, src, axis=0)
    agg_sum = jax.ops.segment_sum(msgs, dst, num_segments=num_nodes)
    deg = jax.ops.segment_sum(jnp.ones((edge_index.shape[1],), dtype=x.dtype), dst, num_segments=num_nodes)
    mean = agg_sum / jnp.clip(deg, 1.0, None)[:, None]
    return mean @ Wl.T + bl + x @ Wr.T

def reference(x, edge_index, W1l, b1l, W1r, W2l, b2l, W2r):
    h = _sage_conv(x, edge_index, W1l, b1l, W1r, N)
    h = jax.nn.relu(h)
    out = _sage_conv(h, edge_index, W2l, b2l, W2r, N)
    return out

if __name__ == "__main__":
    import jax
    _d = setup_inputs()
    print(jax.jit(kernel)(*tuple(_d.values())))

</pallas_src>

<mosaic_0001>
#map = affine_map<(d0, d1) -> (0, 0)>
#map1 = affine_map<(d0, d1) -> (0, 0, 0)>
module attributes {stable_mosaic.version = 14 : i64} {
  func.func @agg(%arg0: i32, %arg1: i32, %arg2: memref<10000x128xf32, #tpu.memory_space<hbm>>, %arg3: memref<2x320000xi32, #tpu.memory_space<hbm>>, %arg4: memref<2x10000x128xf32, #tpu.memory_space<hbm>>, %arg5: memref<2x80x128xf32, #tpu.memory_space<hbm>>, %arg6: memref<128xi32, #tpu.memory_space<vmem>>, %arg7: memref<128xi32, #tpu.memory_space<vmem>>, %arg8: memref<128xi32, #tpu.memory_space<vmem>>, %arg9: memref<128xi32, #tpu.memory_space<vmem>>, %arg10: memref<128x128xf32, #tpu.memory_space<vmem>>, %arg11: memref<128x128xf32, #tpu.memory_space<vmem>>, %arg12: memref<10000x128xf32, #tpu.memory_space<vmem_shared>>, %arg13: memref<!tpu.dma_semaphore, #tpu.memory_space<semaphore_mem>>, %arg14: memref<!tpu.dma_semaphore, #tpu.memory_space<semaphore_mem>>, %arg15: memref<!tpu.dma_semaphore, #tpu.memory_space<semaphore_mem>>, %arg16: memref<!tpu.dma_semaphore, #tpu.memory_space<semaphore_mem>>, %arg17: memref<!tpu.dma_semaphore, #tpu.memory_space<semaphore_mem>>, %arg18: memref<!tpu.dma_semaphore, #tpu.memory_space<semaphore_mem>>, %arg19: memref<80x128xf32, #tpu.memory_space<vmem>>, %arg20: memref<80xi32, #tpu.memory_space<vmem>>, %arg21: memref<80x128xf32, #tpu.memory_space<vmem_shared>>) attributes {dimension_semantics = [#tpu.dimension_semantics<core_parallel>, #tpu.dimension_semantics<subcore_parallel>], iteration_bounds = array<i64: 2, 16>, scalar_prefetch = 0 : i64, scratch_operands = 16 : i64, tpu.core_type = #tpu.core_type<sc_vector_subcore>, window_params = [{transform_indices = #map}, {transform_indices = #map}, {transform_indices = #map1}, {transform_indices = #map1}]} {
    %mul3A = arith.constant 2 : i32
    %mul3A_0 = arith.muli %arg1, %mul3A : i32
    %add3A = arith.addi %mul3A_0, %arg0 : i32
    %scan3A = arith.constant 0 : i32
    %scan3A_1 = arith.constant 0 : i32
    %scan3A_2 = arith.constant 128 : i32
    %scan3A_3 = arith.addi %scan3A_1, %scan3A_2 : i32
    %scan3A_4 = arith.constant 1 : i32
    scf.for %scan3A_120 = %scan3A_1 to %scan3A_3 step %scan3A_4  : i32 {
      %broadcast_in_dim3A = arith.constant 0.000000e+00 : f32
      %broadcast_in_dim3A_121 = vector.broadcast %broadcast_in_dim3A : f32 to vector<16xf32>
      %swap3A_122 = arith.index_cast %scan3A_120 : i32 to index
      %swap3A_123 = arith.constant 0 : index
      %swap3A_124 = tpu.vector_load %arg10[%swap3A_122, %swap3A_123] {strides = array<i32>} : memref<128x128xf32, #tpu.memory_space<vmem>>, vector<16xf32>,
      tpu.vector_store %arg10[%swap3A_122, %swap3A_123], %broadcast_in_dim3A_121 {strides = array<i32>} : memref<128x128xf32, #tpu.memory_space<vmem>>, vector<16xf32>,
      %broadcast_in_dim3A_125 = arith.constant 0.000000e+00 : f32
      %broadcast_in_dim3A_126 = vector.broadcast %broadcast_in_dim3A_125 : f32 to vector<16xf32>
      %swap3A_127 = arith.index_cast %scan3A_120 : i32 to index
      %swap3A_128 = arith.constant 16 : index
      %swap3A_129 = tpu.vector_load %arg10[%swap3A_127, %swap3A_128] {strides = array<i32>} : memref<128x128xf32, #tpu.memory_space<vmem>>, vector<16xf32>,
      tpu.vector_store %arg10[%swap3A_127, %swap3A_128], %broadcast_in_dim3A_126 {strides = array<i32>} : memref<128x128xf32, #tpu.memory_space<vmem>>, vector<16xf32>,
      %broadcast_in_dim3A_130 = arith.constant 0.000000e+00 : f32
      %broadcast_in_dim3A_131 = vector.broadcast %broadcast_in_dim3A_130 : f32 to vector<16xf32>
      %swap3A_132 = arith.index_cast %scan3A_120 : i32 to index
      %swap3A_133 = arith.constant 32 : index
      %swap3A_134 = tpu.vector_load %arg10[%swap3A_132, %swap3A_133] {strides = array<i32>} : memref<128x128xf32, #tpu.memory_space<vmem>>, vector<16xf32>,
      tpu.vector_store %arg10[%swap3A_132, %swap3A_133], %broadcast_in_dim3A_131 {strides = array<i32>} : memref<128x128xf32, #tpu.memory_space<vmem>>, vector<16xf32>,
      %broadcast_in_dim3A_135 = arith.constant 0.000000e+00 : f32
      %broadcast_in_dim3A_136 = vector.broadcast %broadcast_in_dim3A_135 : f32 to vector<16xf32>
      %swap3A_137 = arith.index_cast %scan3A_120 : i32 to index
      %swap3A_138 = arith.constant 48 : index
      %swap3A_139 = tpu.vector_load %arg10[%swap3A_137, %swap3A_138] {strides = array<i32>} : memref<128x128xf32, #tpu.memory_space<vmem>>, vector<16xf32>,
      tpu.vector_store %arg10[%swap3A_137, %swap3A_138], %broadcast_in_dim3A_136 {strides = array<i32>} : memref<128x128xf32, #tpu.memory_space<vmem>>, vector<16xf32>,
      %broadcast_in_dim3A_140 = arith.constant 0.000000e+00 : f32
      %broadcast_in_dim3A_141 = vector.broadcast %broadcast_in_dim3A_140 : f32 to vector<16xf32>
      %swap3A_142 = arith.index_cast %scan3A_120 : i32 to index
      %swap3A_143 = arith.constant 64 : index
      %swap3A_144 = tpu.vector_load %arg10[%swap3A_142, %swap3A_143] {strides = array<i32>} : memref<128x128xf32, #tpu.memory_space<vmem>>, vector<16xf32>,
      tpu.vector_store %arg10[%swap3A_142, %swap3A_143], %broadcast_in_dim3A_141 {strides = array<i32>} : memref<128x128xf32, #tpu.memory_space<vmem>>, vector<16xf32>,
      %broadcast_in_dim3A_145 = arith.constant 0.000000e+00 : f32
      %broadcast_in_dim3A_146 = vector.broadcast %broadcast_in_dim3A_145 : f32 to vector<16xf32>
      %swap3A_147 = arith.index_cast %scan3A_120 : i32 to index
      %swap3A_148 = arith.constant 80 : index
      %swap3A_149 = tpu.vector_load %arg10[%swap3A_147, %swap3A_148] {strides = array<i32>} : memref<128x128xf32, #tpu.memory_space<vmem>>, vector<16xf32>,
      tpu.vector_store %arg10[%swap3A_147, %swap3A_148], %broadcast_in_dim3A_146 {strides = array<i32>} : memref<128x128xf32, #tpu.memory_space<vmem>>, vector<16xf32>,
      %broadcast_in_dim3A_150 = arith.constant 0.000000e+00 : f32
      %broadcast_in_dim3A_151 = vector.broadcast %broadcast_in_dim3A_150 : f32 to vector<16xf32>
      %swap3A_152 = arith.index_cast %scan3A_120 : i32 to index
      %swap3A_153 = arith.constant 96 : index
      %swap3A_154 = tpu.vector_load %arg10[%swap3A_152, %swap3A_153] {strides = array<i32>} : memref<128x128xf32, #tpu.memory_space<vmem>>, vector<16xf32>,
      tpu.vector_store %arg10[%swap3A_152, %swap3A_153], %broadcast_in_dim3A_151 {strides = array<i32>} : memref<128x128xf32, #tpu.memory_space<vmem>>, vector<16xf32>,
      %broadcast_in_dim3A_155 = arith.constant 0.000000e+00 : f32
      %broadcast_in_dim3A_156 = vector.broadcast %broadcast_in_dim3A_155 : f32 to vector<16xf32>
      %swap3A_157 = arith.index_cast %scan3A_120 : i32 to index
      %swap3A_158 = arith.constant 112 : index
      %swap3A_159 = tpu.vector_load %arg10[%swap3A_157, %swap3A_158] {strides = array<i32>} : memref<128x128xf32, #tpu.memory_space<vmem>>, vector<16xf32>,
      tpu.vector_store %arg10[%swap3A_157, %swap3A_158], %broadcast_in_dim3A_156 {strides = array<i32>} : memref<128x128xf32, #tpu.memory_space<vmem>>, vector<16xf32>,
    }
    %scan3A_5 = arith.constant 128 : i32
    %mul3A_6 = arith.constant 624 : i32
    %mul3A_7 = arith.muli %arg1, %mul3A_6 : i32
    %multiple_of3A = tpu.assume_multiple %mul3A_7, 8 : i32
    %lt3A = arith.constant 15 : i32
    %lt3A_8 = arith.cmpi slt, %arg1, %lt3A : i32
    %convert_element_type3A = arith.extui %lt3A_8 : i1 to i32
    %cond3A = arith.constant 0 : i32
    %cond3A_9 = arith.cmpi ne, %convert_element_type3A, %cond3A : i32
    scf.if %cond3A_9 {
      %add3A_120 = arith.constant 0 : i32
      %add3A_121 = arith.addi %multiple_of3A, %add3A_120 : i32
      "tpu.region"() ({
        %run_scoped3A = tpu.sem_alloc : memref<!tpu.dma_semaphore, #tpu.memory_space<semaphore_mem>>
        %dma_start3A_130 = arith.constant 0 : i32
        %dma_start3A_131 = arith.constant 0 : i32
        %dma_start3A_132 = tpu.memref_slice %arg10[%dma_start3A_130, %dma_start3A_131] : memref<128x128xf32, #tpu.memory_space<vmem>> -> memref<128x128xf32, #tpu.memory_space<vmem>>
        %dma_start3A_133 = arith.constant 0 : i32
        %dma_start3A_134 = tpu.memref_slice %arg12[%add3A_121, %dma_start3A_133] : memref<10000x128xf32, #tpu.memory_space<vmem_shared>> -> memref<128x128xf32, #tpu.memory_space<vmem_shared>>
        %dma_start3A_135 = arith.constant 0 : i32
        %dma_start3A_136 = tpu.memref_slice %arg12[%add3A_121, %dma_start3A_135] : memref<10000x128xf32, #tpu.memory_space<vmem_shared>> -> memref<128x128xf32, #tpu.memory_space<vmem_shared>>
        %dma_start3A_137 = arith.constant 0 : i32
        %dma_start3A_138 = arith.constant 0 : i32
        %dma_start3A_139 = tpu.memref_slice %arg10[%dma_start3A_137, %dma_start3A_138] : memref<128x128xf32, #tpu.memory_space<vmem>> -> memref<128x128xf32, #tpu.memory_space<vmem>>
        tpu.enqueue_dma source(%dma_start3A_139 : memref<128x128xf32, #tpu.memory_space<vmem>>) target(%dma_start3A_136 : memref<128x128xf32, #tpu.memory_space<vmem_shared>>) target_semaphore(%run_scoped3A : memref<!tpu.dma_semaphore, #tpu.memory_space<semaphore_mem>>)
        %dma_wait3A_140 = arith.constant 0 : i32
        %dma_wait3A_141 = arith.constant 0 : i32
        %dma_wait3A_142 = tpu.memref_slice %arg10[%dma_wait3A_140, %dma_wait3A_141] : memref<128x128xf32, #tpu.memory_space<vmem>> -> memref<128x128xf32, #tpu.memory_space<vmem>>
        %dma_wait3A_143 = arith.constant 0 : i32
        %dma_wait3A_144 = tpu.memref_slice %arg12[%add3A_121, %dma_wait3A_143] : memref<10000x128xf32, #tpu.memory_space<vmem_shared>> -> memref<128x128xf32, #tpu.memory_space<vmem_shared>>
        %dma_wait3A_145 = arith.constant 0 : i32
        %dma_wait3A_146 = tpu.memref_slice %arg12[%add3A_121, %dma_wait3A_145] : memref<10000x128xf32, #tpu.memory_space<vmem_shared>> -> memref<128x128xf32, #tpu.memory_space<vmem_shared>>
        %dma_wait3A_147 = arith.constant 0 : i32
        %dma_wait3A_148 = arith.constant 0 : i32
        %dma_wait3A_149 = tpu.memref_slice %arg10[%dma_wait3A_147, %dma_wait3A_148] : memref<128x128xf32, #tpu.memory_space<vmem>> -> memref<128x128xf32, #tpu.memory_space<vmem>>
        tpu.wait_dma2 semaphore(%run_scoped3A : memref<!tpu.dma_semaphore, #tpu.memory_space<semaphore_mem>>) src(%dma_wait3A_149 : memref<128x128xf32, #tpu.memory_space<vmem>>) dst(%dma_wait3A_146 : memref<128x128xf32, #tpu.memory_space<vmem_shared>>)
        tpu.yield
      }) : () -> ()
      %add3A_122 = arith.constant 128 : i32
      %add3A_123 = arith.addi %multiple_of3A, %add3A_122 : i32
      "tpu.region"() ({
        %run_scoped3A = tpu.sem_alloc : memref<!tpu.dma_semaphore, #tpu.memory_space<semaphore_mem>>
        %dma_start3A_130 = arith.constant 0 : i32
        %dma_start3A_131 = arith.constant 0 : i32
        %dma_start3A_132 = tpu.memref_slice %arg10[%dma_start3A_130, %dma_start3A_131] : memref<128x128xf32, #tpu.memory_space<vmem>> -> memref<128x128xf32, #tpu.memory_space<vmem>>
        %dma_start3A_133 = arith.constant 0 : i32
        %dma_start3A_134 = tpu.memref_slice %arg12[%add3A_123, %dma_start3A_133] : memref<10000x128xf32, #tpu.memory_space<vmem_shared>> -> memref<128x128xf32, #tpu.memory_space<vmem_shared>>
        %dma_start3A_135 = arith.constant 0 : i32
        %dma_start3A_136 = tpu.memref_slice %arg12[%add3A_123, %dma_start3A_135] : memref<10000x128xf32, #tpu.memory_space<vmem_shared>> -> memref<128x128xf32, #tpu.memory_space<vmem_shared>>
        %dma_start3A_137 = arith.constant 0 : i32
        %dma_start3A_138 = arith.constant 0 : i32
        %dma_start3A_139 = tpu.memref_slice %arg10[%dma_start3A_137, %dma_start3A_138] : memref<128x128xf32, #tpu.memory_space<vmem>> -> memref<128x128xf32, #tpu.memory_space<vmem>>
        tpu.enqueue_dma source(%dma_start3A_139 : memref<128x128xf32, #tpu.memory_space<vmem>>) target(%dma_start3A_136 : memref<128x128xf32, #tpu.memory_space<vmem_shared>>) target_semaphore(%run_scoped3A : memref<!tpu.dma_semaphore, #tpu.memory_space<semaphore_mem>>)
        %dma_wait3A_140 = arith.constant 0 : i32
        %dma_wait3A_141 = arith.constant 0 : i32
        %dma_wait3A_142 = tpu.memref_slice %arg10[%dma_wait3A_140, %dma_wait3A_141] : memref<128x128xf32, #tpu.memory_space<vmem>> -> memref<128x128xf32, #tpu.memory_space<vmem>>
        %dma_wait3A_143 = arith.constant 0 : i32
        %dma_wait3A_144 = tpu.memref_slice %arg12[%add3A_123, %dma_wait3A_143] : memref<10000x128xf32, #tpu.memory_space<vmem_shared>> -> memref<128x128xf32, #tpu.memory_space<vmem_shared>>
        %dma_wait3A_145 = arith.constant 0 : i32
        %dma_wait3A_146 = tpu.memref_slice %arg12[%add3A_123, %dma_wait3A_145] : memref<10000x128xf32, #tpu.memory_space<vmem_shared>> -> memref<128x128xf32, #tpu.memory_space<vmem_shared>>
        %dma_wait3A_147 = arith.constant 0 : i32
        %dma_wait3A_148 = arith.constant 0 : i32
        %dma_wait3A_149 = tpu.memref_slice %arg10[%dma_wait3A_147, %dma_wait3A_148] : memref<128x128xf32, #tpu.memory_space<vmem>> -> memref<128x128xf32, #tpu.memory_space<vmem>>
        tpu.wait_dma2 semaphore(%run_scoped3A : memref<!tpu.dma_semaphore, #tpu.memory_space<semaphore_mem>>) src(%dma_wait3A_149 : memref<128x128xf32, #tpu.memory_space<vmem>>) dst(%dma_wait3A_146 : memref<128x128xf32, #tpu.memory_space<vmem_shared>>)
        tpu.yield
      }) : () -> ()
      %add3A_124 = arith.constant 256 : i32
      %add3A_125 = arith.addi %multiple_of3A, %add3A_124 : i32
      "tpu.region"() ({
        %run_scoped3A = tpu.sem_alloc : memref<!tpu.dma_semaphore, #tpu.memory_space<semaphore_mem>>
        %dma_start3A_130 = arith.constant 0 : i32
        %dma_start3A_131 = arith.constant 0 : i32
        %dma_start3A_132 = tpu.memref_slice %arg10[%dma_start3A_130, %dma_start3A_131] : memref<128x128xf32, #tpu.memory_space<vmem>> -> memref<128x128xf32, #tpu.memory_space<vmem>>
        %dma_start3A_133 = arith.constant 0 : i32
        %dma_start3A_134 = tpu.memref_slice %arg12[%add3A_125, %dma_start3A_133] : memref<10000x128xf32, #tpu.memory_space<vmem_shared>> -> memref<128x128xf32, #tpu.memory_space<vmem_shared>>
        %dma_start3A_135 = arith.constant 0 : i32
        %dma_start3A_136 = tpu.memref_slice %arg12[%add3A_125, %dma_start3A_135] : memref<10000x128xf32, #tpu.memory_space<vmem_shared>> -> memref<128x128xf32, #tpu.memory_space<vmem_shared>>
        %dma_start3A_137 = arith.constant 0 : i32
        %dma_start3A_138 = arith.constant 0 : i32
        %dma_start3A_139 = tpu.memref_slice %arg10[%dma_start3A_137, %dma_start3A_138] : memref<128x128xf32, #tpu.memory_space<vmem>> -> memref<128x128xf32, #tpu.memory_space<vmem>>
        tpu.enqueue_dma source(%dma_start3A_139 : memref<128x128xf32, #tpu.memory_space<vmem>>) target(%dma_start3A_136 : memref<128x128xf32, #tpu.memory_space<vmem_shared>>) target_semaphore(%run_scoped3A : memref<!tpu.dma_semaphore, #tpu.memory_space<semaphore_mem>>)
        %dma_wait3A_140 = arith.constant 0 : i32
        %dma_wait3A_141 = arith.constant 0 : i32
        %dma_wait3A_142 = tpu.memref_slice %arg10[%dma_wait3A_140, %dma_wait3A_141] : memref<128x128xf32, #tpu.memory_space<vmem>> -> memref<128x128xf32, #tpu.memory_space<vmem>>
        %dma_wait3A_143 = arith.constant 0 : i32
        %dma_wait3A_144 = tpu.memref_slice %arg12[%add3A_125, %dma_wait3A_143] : memref<10000x128xf32, #tpu.memory_space<vmem_shared>> -> memref<128x128xf32, #tpu.memory_space<vmem_shared>>
        %dma_wait3A_145 = arith.constant 0 : i32
        %dma_wait3A_146 = tpu.memref_slice %arg12[%add3A_125, %dma_wait3A_145] : memref<10000x128xf32, #tpu.memory_space<vmem_shared>> -> memref<128x128xf32, #tpu.memory_space<vmem_shared>>
        %dma_wait3A_147 = arith.constant 0 : i32
        %dma_wait3A_148 = arith.constant 0 : i32
        %dma_wait3A_149 = tpu.memref_slice %arg10[%dma_wait3A_147, %dma_wait3A_148] : memref<128x128xf32, #tpu.memory_space<vmem>> -> memref<128x128xf32, #tpu.memory_space<vmem>>
        tpu.wait_dma2 semaphore(%run_scoped3A : memref<!tpu.dma_semaphore, #tpu.memory_space<semaphore_mem>>) src(%dma_wait3A_149 : memref<128x128xf32, #tpu.memory_space<vmem>>) dst(%dma_wait3A_146 : memref<128x128xf32, #tpu.memory_space<vmem_shared>>)
        tpu.yield
      }) : () -> ()
      %add3A_126 = arith.constant 384 : i32
      %add3A_127 = arith.addi %multiple_of3A, %add3A_126 : i32
      "tpu.region"() ({
        %run_scoped3A = tpu.sem_alloc : memref<!tpu.dma_semaphore, #tpu.memory_space<semaphore_mem>>
        %dma_start3A_130 = arith.constant 0 : i32
        %dma_start3A_131 = arith.constant 0 : i32
        %dma_start3A_132 = tpu.memref_slice %arg10[%dma_start3A_130, %dma_start3A_131] : memref<128x128xf32, #tpu.memory_space<vmem>> -> memref<128x128xf32, #tpu.memory_space<vmem>>
        %dma_start3A_133 = arith.constant 0 : i32
        %dma_start3A_134 = tpu.memref_slice %arg12[%add3A_127, %dma_start3A_133] : memref<10000x128xf32, #tpu.memory_space<vmem_shared>> -> memref<128x128xf32, #tpu.memory_space<vmem_shared>>
        %dma_start3A_135 = arith.constant 0 : i32
        %dma_start3A_136 = tpu.memref_slice %arg12[%add3A_127, %dma_start3A_135] : memref<10000x128xf32, #tpu.memory_space<vmem_shared>> -> memref<128x128xf32, #tpu.memory_space<vmem_shared>>
        %dma_start3A_137 = arith.constant 0 : i32
        %dma_start3A_138 = arith.constant 0 : i32
        %dma_start3A_139 = tpu.memref_slice %arg10[%dma_start3A_137, %dma_start3A_138] : memref<128x128xf32, #tpu.memory_space<vmem>> -> memref<128x128xf32, #tpu.memory_space<vmem>>
        tpu.enqueue_dma source(%dma_start3A_139 : memref<128x128xf32, #tpu.memory_space<vmem>>) target(%dma_start3A_136 : memref<128x128xf32, #tpu.memory_space<vmem_shared>>) target_semaphore(%run_scoped3A : memref<!tpu.dma_semaphore, #tpu.memory_space<semaphore_mem>>)
        %dma_wait3A_140 = arith.constant 0 : i32
        %dma_wait3A_141 = arith.constant 0 : i32
        %dma_wait3A_142 = tpu.memref_slice %arg10[%dma_wait3A_140, %dma_wait3A_141] : memref<128x128xf32, #tpu.memory_space<vmem>> -> memref<128x128xf32, #tpu.memory_space<vmem>>
        %dma_wait3A_143 = arith.constant 0 : i32
        %dma_wait3A_144 = tpu.memref_slice %arg12[%add3A_127, %dma_wait3A_143] : memref<10000x128xf32, #tpu.memory_space<vmem_shared>> -> memref<128x128xf32, #tpu.memory_space<vmem_shared>>
        %dma_wait3A_145 = arith.constant 0 : i32
        %dma_wait3A_146 = tpu.memref_slice %arg12[%add3A_127, %dma_wait3A_145] : memref<10000x128xf32, #tpu.memory_space<vmem_shared>> -> memref<128x128xf32, #tpu.memory_space<vmem_shared>>
        %dma_wait3A_147 = arith.constant 0 : i32
        %dma_wait3A_148 = arith.constant 0 : i32
        %dma_wait3A_149 = tpu.memref_slice %arg10[%dma_wait3A_147, %dma_wait3A_148] : memref<128x128xf32, #tpu.memory_space<vmem>> -> memref<128x128xf32, #tpu.memory_space<vmem>>
        tpu.wait_dma2 semaphore(%run_scoped3A : memref<!tpu.dma_semaphore, #tpu.memory_space<semaphore_mem>>) src(%dma_wait3A_149 : memref<128x128xf32, #tpu.memory_space<vmem>>) dst(%dma_wait3A_146 : memref<128x128xf32, #tpu.memory_space<vmem_shared>>)
        tpu.yield
      }) : () -> ()
      %add3A_128 = arith.constant 512 : i32
      %add3A_129 = arith.addi %multiple_of3A, %add3A_128 : i32
      "tpu.region"() ({
        %run_scoped3A = tpu.sem_alloc : memref<!tpu.dma_semaphore, #tpu.memory_space<semaphore_mem>>
        %dma_start3A_130 = arith.constant 0 : i32
        %dma_start3A_131 = arith.constant 0 : i32
        %dma_start3A_132 = tpu.memref_slice %arg10[%dma_start3A_130, %dma_start3A_131] : memref<128x128xf32, #tpu.memory_space<vmem>> -> memref<112x128xf32, #tpu.memory_space<vmem>>
        %dma_start3A_133 = arith.constant 0 : i32
        %dma_start3A_134 = tpu.memref_slice %arg12[%add3A_129, %dma_start3A_133] : memref<10000x128xf32, #tpu.memory_space<vmem_shared>> -> memref<112x128xf32, #tpu.memory_space<vmem_shared>>
        %dma_start3A_135 = arith.constant 0 : i32
        %dma_start3A_136 = tpu.memref_slice %arg12[%add3A_129, %dma_start3A_135] : memref<10000x128xf32, #tpu.memory_space<vmem_shared>> -> memref<112x128xf32, #tpu.memory_space<vmem_shared>>
        %dma_start3A_137 = arith.constant 0 : i32
        %dma_start3A_138 = arith.constant 0 : i32
        %dma_start3A_139 = tpu.memref_slice %arg10[%dma_start3A_137, %dma_start3A_138] : memref<128x128xf32, #tpu.memory_space<vmem>> -> memref<112x128xf32, #tpu.memory_space<vmem>>
        tpu.enqueue_dma source(%dma_start3A_139 : memref<112x128xf32, #tpu.memory_space<vmem>>) target(%dma_start3A_136 : memref<112x128xf32, #tpu.memory_space<vmem_shared>>) target_semaphore(%run_scoped3A : memref<!tpu.dma_semaphore, #tpu.memory_space<semaphore_mem>>)
        %dma_wait3A_140 = arith.constant 0 : i32
        %dma_wait3A_141 = arith.constant 0 : i32
        %dma_wait3A_142 = tpu.memref_slice %arg10[%dma_wait3A_140, %dma_wait3A_141] : memref<128x128xf32, #tpu.memory_space<vmem>> -> memref<112x128xf32, #tpu.memory_space<vmem>>
        %dma_wait3A_143 = arith.constant 0 : i32
        %dma_wait3A_144 = tpu.memref_slice %arg12[%add3A_129, %dma_wait3A_143] : memref<10000x128xf32, #tpu.memory_space<vmem_shared>> -> memref<112x128xf32, #tpu.memory_space<vmem_shared>>
        %dma_wait3A_145 = arith.constant 0 : i32
        %dma_wait3A_146 = tpu.memref_slice %arg12[%add3A_129, %dma_wait3A_145] : memref<10000x128xf32, #tpu.memory_space<vmem_shared>> -> memref<112x128xf32, #tpu.memory_space<vmem_shared>>
        %dma_wait3A_147 = arith.constant 0 : i32
        %dma_wait3A_148 = arith.constant 0 : i32
        %dma_wait3A_149 = tpu.memref_slice %arg10[%dma_wait3A_147, %dma_wait3A_148] : memref<128x128xf32, #tpu.memory_space<vmem>> -> memref<112x128xf32, #tpu.memory_space<vmem>>
        tpu.wait_dma2 semaphore(%run_scoped3A : memref<!tpu.dma_semaphore, #tpu.memory_space<semaphore_mem>>) src(%dma_wait3A_149 : memref<112x128xf32, #tpu.memory_space<vmem>>) dst(%dma_wait3A_146 : memref<112x128xf32, #tpu.memory_space<vmem_shared>>)
        tpu.yield
      }) : () -> ()
    } else {
    }
    %eq3A = arith.constant 15 : i32
    %eq3A_10 = arith.cmpi eq, %arg1, %eq3A : i32
    %convert_element_type3A_11 = arith.extui %eq3A_10 : i1 to i32
    %cond3A_12 = arith.constant 0 : i32
    %cond3A_13 = arith.cmpi ne, %convert_element_type3A_11, %cond3A_12 : i32
    scf.if %cond3A_13 {
      "tpu.region"() ({
        %run_scoped3A = tpu.sem_alloc : memref<!tpu.dma_semaphore, #tpu.memory_space<semaphore_mem>>
        %dma_start3A_120 = arith.constant 0 : i32
        %dma_start3A_121 = arith.constant 0 : i32
        %dma_start3A_122 = tpu.memref_slice %arg10[%dma_start3A_120, %dma_start3A_121] : memref<128x128xf32, #tpu.memory_space<vmem>> -> memref<128x128xf32, #tpu.memory_space<vmem>>
        %dma_start3A_123 = arith.constant 9360 : i32
        %dma_start3A_124 = arith.constant 0 : i32
        %dma_start3A_125 = tpu.memref_slice %arg12[%dma_start3A_123, %dma_start3A_124] : memref<10000x128xf32, #tpu.memory_space<vmem_shared>> -> memref<128x128xf32, #tpu.memory_space<vmem_shared>>
        %dma_start3A_126 = arith.constant 9360 : i32
        %dma_start3A_127 = arith.constant 0 : i32
        %dma_start3A_128 = tpu.memref_slice %arg12[%dma_start3A_126, %dma_start3A_127] : memref<10000x128xf32, #tpu.memory_space<vmem_shared>> -> memref<128x128xf32, #tpu.memory_space<vmem_shared>>
        %dma_start3A_129 = arith.constant 0 : i32
        %dma_start3A_130 = arith.constant 0 : i32
        %dma_start3A_131 = tpu.memref_slice %arg10[%dma_start3A_129, %dma_start3A_130] : memref<128x128xf32, #tpu.memory_space<vmem>> -> memref<128x128xf32, #tpu.memory_space<vmem>>
        tpu.enqueue_dma source(%dma_start3A_131 : memref<128x128xf32, #tpu.memory_space<vmem>>) target(%dma_start3A_128 : memref<128x128xf32, #tpu.memory_space<vmem_shared>>) target_semaphore(%run_scoped3A : memref<!tpu.dma_semaphore, #tpu.memory_space<semaphore_mem>>)
        %dma_wait3A_132 = arith.constant 0 : i32
        %dma_wait3A_133 = arith.constant 0 : i32
        %dma_wait3A_134 = tpu.memref_slice %arg10[%dma_wait3A_132, %dma_wait3A_133] : memref<128x128xf32, #tpu.memory_space<vmem>> -> memref<128x128xf32, #tpu.memory_space<vmem>>
        %dma_wait3A_135 = arith.constant 9360 : i32
        %dma_wait3A_136 = arith.constant 0 : i32
        %dma_wait3A_137 = tpu.memref_slice %arg12[%dma_wait3A_135, %dma_wait3A_136] : memref<10000x128xf32, #tpu.memory_space<vmem_shared>> -> memref<128x128xf32, #tpu.memory_space<vmem_shared>>
        %dma_wait3A_138 = arith.constant 9360 : i32
        %dma_wait3A_139 = arith.constant 0 : i32
        %dma_wait3A_140 = tpu.memref_slice %arg12[%dma_wait3A_138, %dma_wait3A_139] : memref<10000x128xf32, #tpu.memory_space<vmem_shared>> -> memref<128x128xf32, #tpu.memory_space<vmem_shared>>
        %dma_wait3A_141 = arith.constant 0 : i32
        %dma_wait3A_142 = arith.constant 0 : i32
        %dma_wait3A_143 = tpu.memref_slice %arg10[%dma_wait3A_141, %dma_wait3A_142] : memref<128x128xf32, #tpu.memory_space<vmem>> -> memref<128x128xf32, #tpu.memory_space<vmem>>
        tpu.wait_dma2 semaphore(%run_scoped3A : memref<!tpu.dma_semaphore, #tpu.memory_space<semaphore_mem>>) src(%dma_wait3A_143 : memref<128x128xf32, #tpu.memory_space<vmem>>) dst(%dma_wait3A_140 : memref<128x128xf32, #tpu.memory_space<vmem_shared>>)
        tpu.yield
      }) : () -> ()
      "tpu.region"() ({
        %run_scoped3A = tpu.sem_alloc : memref<!tpu.dma_semaphore, #tpu.memory_space<semaphore_mem>>
        %dma_start3A_120 = arith.constant 0 : i32
        %dma_start3A_121 = arith.constant 0 : i32
        %dma_start3A_122 = tpu.memref_slice %arg10[%dma_start3A_120, %dma_start3A_121] : memref<128x128xf32, #tpu.memory_space<vmem>> -> memref<128x128xf32, #tpu.memory_space<vmem>>
        %dma_start3A_123 = arith.constant 9488 : i32
        %dma_start3A_124 = arith.constant 0 : i32
        %dma_start3A_125 = tpu.memref_slice %arg12[%dma_start3A_123, %dma_start3A_124] : memref<10000x128xf32, #tpu.memory_space<vmem_shared>> -> memref<128x128xf32, #tpu.memory_space<vmem_shared>>
        %dma_start3A_126 = arith.constant 9488 : i32
        %dma_start3A_127 = arith.constant 0 : i32
        %dma_start3A_128 = tpu.memref_slice %arg12[%dma_start3A_126, %dma_start3A_127] : memref<10000x128xf32, #tpu.memory_space<vmem_shared>> -> memref<128x128xf32, #tpu.memory_space<vmem_shared>>
        %dma_start3A_129 = arith.constant 0 : i32
        %dma_start3A_130 = arith.constant 0 : i32
        %dma_start3A_131 = tpu.memref_slice %arg10[%dma_start3A_129, %dma_start3A_130] : memref<128x128xf32, #tpu.memory_space<vmem>> -> memref<128x128xf32, #tpu.memory_space<vmem>>
        tpu.enqueue_dma source(%dma_start3A_131 : memref<128x128xf32, #tpu.memory_space<vmem>>) target(%dma_start3A_128 : memref<128x128xf32, #tpu.memory_space<vmem_shared>>) target_semaphore(%run_scoped3A : memref<!tpu.dma_semaphore, #tpu.memory_space<semaphore_mem>>)
        %dma_wait3A_132 = arith.constant 0 : i32
        %dma_wait3A_133 = arith.constant 0 : i32
        %dma_wait3A_134 = tpu.memref_slice %arg10[%dma_wait3A_132, %dma_wait3A_133] : memref<128x128xf32, #tpu.memory_space<vmem>> -> memref<128x128xf32, #tpu.memory_space<vmem>>
        %dma_wait3A_135 = arith.constant 9488 : i32
        %dma_wait3A_136 = arith.constant 0 : i32
        %dma_wait3A_137 = tpu.memref_slice %arg12[%dma_wait3A_135, %dma_wait3A_136] : memref<10000x128xf32, #tpu.memory_space<vmem_shared>> -> memref<128x128xf32, #tpu.memory_space<vmem_shared>>
        %dma_wait3A_138 = arith.constant 9488 : i32
        %dma_wait3A_139 = arith.constant 0 : i32
        %dma_wait3A_140 = tpu.memref_slice %arg12[%dma_wait3A_138, %dma_wait3A_139] : memref<10000x128xf32, #tpu.memory_space<vmem_shared>> -> memref<128x128xf32, #tpu.memory_space<vmem_shared>>
        %dma_wait3A_141 = arith.constant 0 : i32
        %dma_wait3A_142 = arith.constant 0 : i32
        %dma_wait3A_143 = tpu.memref_slice %arg10[%dma_wait3A_141, %dma_wait3A_142] : memref<128x128xf32, #tpu.memory_space<vmem>> -> memref<128x128xf32, #tpu.memory_space<vmem>>
        tpu.wait_dma2 semaphore(%run_scoped3A : memref<!tpu.dma_semaphore, #tpu.memory_space<semaphore_mem>>) src(%dma_wait3A_143 : memref<128x128xf32, #tpu.memory_space<vmem>>) dst(%dma_wait3A_140 : memref<128x128xf32, #tpu.memory_space<vmem_shared>>)
        tpu.yield
      }) : () -> ()
      "tpu.region"() ({
        %run_scoped3A = tpu.sem_alloc : memref<!tpu.dma_semaphore, #tpu.memory_space<semaphore_mem>>
        %dma_start3A_120 = arith.constant 0 : i32
        %dma_start3A_121 = arith.constant 0 : i32
        %dma_start3A_122 = tpu.memref_slice %arg10[%dma_start3A_120, %dma_start3A_121] : memref<128x128xf32, #tpu.memory_space<vmem>> -> memref<128x128xf32, #tpu.memory_space<vmem>>
        %dma_start3A_123 = arith.constant 9616 : i32
        %dma_start3A_124 = arith.constant 0 : i32
        %dma_start3A_125 = tpu.memref_slice %arg12[%dma_start3A_123, %dma_start3A_124] : memref<10000x128xf32, #tpu.memory_space<vmem_shared>> -> memref<128x128xf32, #tpu.memory_space<vmem_shared>>
        %dma_start3A_126 = arith.constant 9616 : i32
        %dma_start3A_127 = arith.constant 0 : i32
        %dma_start3A_128 = tpu.memref_slice %arg12[%dma_start3A_126, %dma_start3A_127] : memref<10000x128xf32, #tpu.memory_space<vmem_shared>> -> memref<128x128xf32, #tpu.memory_space<vmem_shared>>
        %dma_start3A_129 = arith.constant 0 : i32
        %dma_start3A_130 = arith.constant 0 : i32
        %dma_start3A_131 = tpu.memref_slice %arg10[%dma_start3A_129, %dma_start3A_130] : memref<128x128xf32, #tpu.memory_space<vmem>> -> memref<128x128xf32, #tpu.memory_space<vmem>>
        tpu.enqueue_dma source(%dma_start3A_131 : memref<128x128xf32, #tpu.memory_space<vmem>>) target(%dma_start3A_128 : memref<128x128xf32, #tpu.memory_space<vmem_shared>>) target_semaphore(%run_scoped3A : memref<!tpu.dma_semaphore, #tpu.memory_space<semaphore_mem>>)
        %dma_wait3A_132 = arith.constant 0 : i32
        %dma_wait3A_133 = arith.constant 0 : i32
        %dma_wait3A_134 = tpu.memref_slice %arg10[%dma_wait3A_132, %dma_wait3A_133] : memref<128x128xf32, #tpu.memory_space<vmem>> -> memref<128x128xf32, #tpu.memory_space<vmem>>
        %dma_wait3A_135 = arith.constant 9616 : i32
        %dma_wait3A_136 = arith.constant 0 : i32
        %dma_wait3A_137 = tpu.memref_slice %arg12[%dma_wait3A_135, %dma_wait3A_136] : memref<10000x128xf32, #tpu.memory_space<vmem_shared>> -> memref<128x128xf32, #tpu.memory_space<vmem_shared>>
        %dma_wait3A_138 = arith.constant 9616 : i32
        %dma_wait3A_139 = arith.constant 0 : i32
        %dma_wait3A_140 = tpu.memref_slice %arg12[%dma_wait3A_138, %dma_wait3A_139] : memref<10000x128xf32, #tpu.memory_space<vmem_shared>> -> memref<128x128xf32, #tpu.memory_space<vmem_shared>>
        %dma_wait3A_141 = arith.constant 0 : i32
        %dma_wait3A_142 = arith.constant 0 : i32
        %dma_wait3A_143 = tpu.memref_slice %arg10[%dma_wait3A_141, %dma_wait3A_142] : memref<128x128xf32, #tpu.memory_space<vmem>> -> memref<128x128xf32, #tpu.memory_space<vmem>>
        tpu.wait_dma2 semaphore(%run_scoped3A : memref<!tpu.dma_semaphore, #tpu.memory_space<semaphore_mem>>) src(%dma_wait3A_143 : memref<128x128xf32, #tpu.memory_space<vmem>>) dst(%dma_wait3A_140 : memref<128x128xf32, #tpu.memory_space<vmem_shared>>)
        tpu.yield
      }) : () -> ()
      "tpu.region"() ({
        %run_scoped3A = tpu.sem_alloc : memref<!tpu.dma_semaphore, #tpu.memory_space<semaphore_mem>>
        %dma_start3A_120 = arith.constant 0 : i32
        %dma_start3A_121 = arith.constant 0 : i32
        %dma_start3A_122 = tpu.memref_slice %arg10[%dma_start3A_120, %dma_start3A_121] : memref<128x128xf32, #tpu.memory_space<vmem>> -> memref<128x128xf32, #tpu.memory_space<vmem>>
        %dma_start3A_123 = arith.constant 9744 : i32
        %dma_start3A_124 = arith.constant 0 : i32
        %dma_start3A_125 = tpu.memref_slice %arg12[%dma_start3A_123, %dma_start3A_124] : memref<10000x128xf32, #tpu.memory_space<vmem_shared>> -> memref<128x128xf32, #tpu.memory_space<vmem_shared>>
        %dma_start3A_126 = arith.constant 9744 : i32
        %dma_start3A_127 = arith.constant 0 : i32
        %dma_start3A_128 = tpu.memref_slice %arg12[%dma_start3A_126, %dma_start3A_127] : memref<10000x128xf32, #tpu.memory_space<vmem_shared>> -> memref<128x128xf32, #tpu.memory_space<vmem_shared>>
        %dma_start3A_129 = arith.constant 0 : i32
        %dma_start3A_130 = arith.constant 0 : i32
        %dma_start3A_131 = tpu.memref_slice %arg10[%dma_start3A_129, %dma_start3A_130] : memref<128x128xf32, #tpu.memory_space<vmem>> -> memref<128x128xf32, #tpu.memory_space<vmem>>
        tpu.enqueue_dma source(%dma_start3A_131 : memref<128x128xf32, #tpu.memory_space<vmem>>) target(%dma_start3A_128 : memref<128x128xf32, #tpu.memory_space<vmem_shared>>) target_semaphore(%run_scoped3A : memref<!tpu.dma_semaphore, #tpu.memory_space<semaphore_mem>>)
        %dma_wait3A_132 = arith.constant 0 : i32
        %dma_wait3A_133 = arith.constant 0 : i32
        %dma_wait3A_134 = tpu.memref_slice %arg10[%dma_wait3A_132, %dma_wait3A_133] : memref<128x128xf32, #tpu.memory_space<vmem>> -> memref<128x128xf32, #tpu.memory_space<vmem>>
        %dma_wait3A_135 = arith.constant 9744 : i32
        %dma_wait3A_136 = arith.constant 0 : i32
        %dma_wait3A_137 = tpu.memref_slice %arg12[%dma_wait3A_135, %dma_wait3A_136] : memref<10000x128xf32, #tpu.memory_space<vmem_shared>> -> memref<128x128xf32, #tpu.memory_space<vmem_shared>>
        %dma_wait3A_138 = arith.constant 9744 : i32
        %dma_wait3A_139 = arith.constant 0 : i32
        %dma_wait3A_140 = tpu.memref_slice %arg12[%dma_wait3A_138, %dma_wait3A_139] : memref<10000x128xf32, #tpu.memory_space<vmem_shared>> -> memref<128x128xf32, #tpu.memory_space<vmem_shared>>
        %dma_wait3A_141 = arith.constant 0 : i32
        %dma_wait3A_142 = arith.constant 0 : i32
        %dma_wait3A_143 = tpu.memref_slice %arg10[%dma_wait3A_141, %dma_wait3A_142] : memref<128x128xf32, #tpu.memory_space<vmem>> -> memref<128x128xf32, #tpu.memory_space<vmem>>
        tpu.wait_dma2 semaphore(%run_scoped3A : memref<!tpu.dma_semaphore, #tpu.memory_space<semaphore_mem>>) src(%dma_wait3A_143 : memref<128x128xf32, #tpu.memory_space<vmem>>) dst(%dma_wait3A_140 : memref<128x128xf32, #tpu.memory_space<vmem_shared>>)
        tpu.yield
      }) : () -> ()
      "tpu.region"() ({
        %run_scoped3A = tpu.sem_alloc : memref<!tpu.dma_semaphore, #tpu.memory_space<semaphore_mem>>
        %dma_start3A_120 = arith.constant 0 : i32
        %dma_start3A_121 = arith.constant 0 : i32
        %dma_start3A_122 = tpu.memref_slice %arg10[%dma_start3A_120, %dma_start3A_121] : memref<128x128xf32, #tpu.memory_space<vmem>> -> memref<128x128xf32, #tpu.memory_space<vmem>>
        %dma_start3A_123 = arith.constant 9872 : i32
        %dma_start3A_124 = arith.constant 0 : i32
        %dma_start3A_125 = tpu.memref_slice %arg12[%dma_start3A_123, %dma_start3A_124] : memref<10000x128xf32, #tpu.memory_space<vmem_shared>> -> memref<128x128xf32, #tpu.memory_space<vmem_shared>>
        %dma_start3A_126 = arith.constant 9872 : i32
        %dma_start3A_127 = arith.constant 0 : i32
        %dma_start3A_128 = tpu.memref_slice %arg12[%dma_start3A_126, %dma_start3A_127] : memref<10000x128xf32, #tpu.memory_space<vmem_shared>> -> memref<128x128xf32, #tpu.memory_space<vmem_shared>>
        %dma_start3A_129 = arith.constant 0 : i32
        %dma_start3A_130 = arith.constant 0 : i32
        %dma_start3A_131 = tpu.memref_slice %arg10[%dma_start3A_129, %dma_start3A_130] : memref<128x128xf32, #tpu.memory_space<vmem>> -> memref<128x128xf32, #tpu.memory_space<vmem>>
        tpu.enqueue_dma source(%dma_start3A_131 : memref<128x128xf32, #tpu.memory_space<vmem>>) target(%dma_start3A_128 : memref<128x128xf32, #tpu.memory_space<vmem_shared>>) target_semaphore(%run_scoped3A : memref<!tpu.dma_semaphore, #tpu.memory_space<semaphore_mem>>)
        %dma_wait3A_132 = arith.constant 0 : i32
        %dma_wait3A_133 = arith.constant 0 : i32
        %dma_wait3A_134 = tpu.memref_slice %arg10[%dma_wait3A_132, %dma_wait3A_133] : memref<128x128xf32, #tpu.memory_space<vmem>> -> memref<128x128xf32, #tpu.memory_space<vmem>>
        %dma_wait3A_135 = arith.constant 9872 : i32
        %dma_wait3A_136 = arith.constant 0 : i32
        %dma_wait3A_137 = tpu.memref_slice %arg12[%dma_wait3A_135, %dma_wait3A_136] : memref<10000x128xf32, #tpu.memory_space<vmem_shared>> -> memref<128x128xf32, #tpu.memory_space<vmem_shared>>
        %dma_wait3A_138 = arith.constant 9872 : i32
        %dma_wait3A_139 = arith.constant 0 : i32
        %dma_wait3A_140 = tpu.memref_slice %arg12[%dma_wait3A_138, %dma_wait3A_139] : memref<10000x128xf32, #tpu.memory_space<vmem_shared>> -> memref<128x128xf32, #tpu.memory_space<vmem_shared>>
        %dma_wait3A_141 = arith.constant 0 : i32
        %dma_wait3A_142 = arith.constant 0 : i32
        %dma_wait3A_143 = tpu.memref_slice %arg10[%dma_wait3A_141, %dma_wait3A_142] : memref<128x128xf32, #tpu.memory_space<vmem>> -> memref<128x128xf32, #tpu.memory_space<vmem>>
        tpu.wait_dma2 semaphore(%run_scoped3A : memref<!tpu.dma_semaphore, #tpu.memory_space<semaphore_mem>>) src(%dma_wait3A_143 : memref<128x128xf32, #tpu.memory_space<vmem>>) dst(%dma_wait3A_140 : memref<128x128xf32, #tpu.memory_space<vmem_shared>>)
        tpu.yield
      }) : () -> ()
    } else {
    }
    %scan3A_14 = arith.constant 0 : i32
    %scan3A_15 = arith.constant 0 : i32
    %scan3A_16 = arith.constant 80 : i32
    %scan3A_17 = arith.addi %scan3A_15, %scan3A_16 : i32
    %scan3A_18 = arith.constant 1 : i32
    scf.for %scan3A_120 = %scan3A_15 to %scan3A_17 step %scan3A_18  : i32 {
      %broadcast_in_dim3A = arith.constant 0.000000e+00 : f32
      %broadcast_in_dim3A_121 = vector.broadcast %broadcast_in_dim3A : f32 to vector<16xf32>
      %swap3A_122 = arith.index_cast %scan3A_120 : i32 to index
      %swap3A_123 = arith.constant 0 : index
      %swap3A_124 = tpu.vector_load %arg19[%swap3A_122, %swap3A_123] {strides = array<i32>} : memref<80x128xf32, #tpu.memory_space<vmem>>, vector<16xf32>,
      tpu.vector_store %arg19[%swap3A_122, %swap3A_123], %broadcast_in_dim3A_121 {strides = array<i32>} : memref<80x128xf32, #tpu.memory_space<vmem>>, vector<16xf32>,
      %broadcast_in_dim3A_125 = arith.constant 0.000000e+00 : f32
      %broadcast_in_dim3A_126 = vector.broadcast %broadcast_in_dim3A_125 : f32 to vector<16xf32>
      %swap3A_127 = arith.index_cast %scan3A_120 : i32 to index
      %swap3A_128 = arith.constant 16 : index
      %swap3A_129 = tpu.vector_load %arg19[%swap3A_127, %swap3A_128] {strides = array<i32>} : memref<80x128xf32, #tpu.memory_space<vmem>>, vector<16xf32>,
      tpu.vector_store %arg19[%swap3A_127, %swap3A_128], %broadcast_in_dim3A_126 {strides = array<i32>} : memref<80x128xf32, #tpu.memory_space<vmem>>, vector<16xf32>,
      %broadcast_in_dim3A_130 = arith.constant 0.000000e+00 : f32
      %broadcast_in_dim3A_131 = vector.broadcast %broadcast_in_dim3A_130 : f32 to vector<16xf32>
      %swap3A_132 = arith.index_cast %scan3A_120 : i32 to index
      %swap3A_133 = arith.constant 32 : index
      %swap3A_134 = tpu.vector_load %arg19[%swap3A_132, %swap3A_133] {strides = array<i32>} : memref<80x128xf32, #tpu.memory_space<vmem>>, vector<16xf32>,
      tpu.vector_store %arg19[%swap3A_132, %swap3A_133], %broadcast_in_dim3A_131 {strides = array<i32>} : memref<80x128xf32, #tpu.memory_space<vmem>>, vector<16xf32>,
      %broadcast_in_dim3A_135 = arith.constant 0.000000e+00 : f32
      %broadcast_in_dim3A_136 = vector.broadcast %broadcast_in_dim3A_135 : f32 to vector<16xf32>
      %swap3A_137 = arith.index_cast %scan3A_120 : i32 to index
      %swap3A_138 = arith.constant 48 : index
      %swap3A_139 = tpu.vector_load %arg19[%swap3A_137, %swap3A_138] {strides = array<i32>} : memref<80x128xf32, #tpu.memory_space<vmem>>, vector<16xf32>,
      tpu.vector_store %arg19[%swap3A_137, %swap3A_138], %broadcast_in_dim3A_136 {strides = array<i32>} : memref<80x128xf32, #tpu.memory_space<vmem>>, vector<16xf32>,
      %broadcast_in_dim3A_140 = arith.constant 0.000000e+00 : f32
      %broadcast_in_dim3A_141 = vector.broadcast %broadcast_in_dim3A_140 : f32 to vector<16xf32>
      %swap3A_142 = arith.index_cast %scan3A_120 : i32 to index
      %swap3A_143 = arith.constant 64 : index
      %swap3A_144 = tpu.vector_load %arg19[%swap3A_142, %swap3A_143] {strides = array<i32>} : memref<80x128xf32, #tpu.memory_space<vmem>>, vector<16xf32>,
      tpu.vector_store %arg19[%swap3A_142, %swap3A_143], %broadcast_in_dim3A_141 {strides = array<i32>} : memref<80x128xf32, #tpu.memory_space<vmem>>, vector<16xf32>,
      %broadcast_in_dim3A_145 = arith.constant 0.000000e+00 : f32
      %broadcast_in_dim3A_146 = vector.broadcast %broadcast_in_dim3A_145 : f32 to vector<16xf32>
      %swap3A_147 = arith.index_cast %scan3A_120 : i32 to index
      %swap3A_148 = arith.constant 80 : index
      %swap3A_149 = tpu.vector_load %arg19[%swap3A_147, %swap3A_148] {strides = array<i32>} : memref<80x128xf32, #tpu.memory_space<vmem>>, vector<16xf32>,
      tpu.vector_store %arg19[%swap3A_147, %swap3A_148], %broadcast_in_dim3A_146 {strides = array<i32>} : memref<80x128xf32, #tpu.memory_space<vmem>>, vector<16xf32>,
      %broadcast_in_dim3A_150 = arith.constant 0.000000e+00 : f32
      %broadcast_in_dim3A_151 = vector.broadcast %broadcast_in_dim3A_150 : f32 to vector<16xf32>
      %swap3A_152 = arith.index_cast %scan3A_120 : i32 to index
      %swap3A_153 = arith.constant 96 : index
      %swap3A_154 = tpu.vector_load %arg19[%swap3A_152, %swap3A_153] {strides = array<i32>} : memref<80x128xf32, #tpu.memory_space<vmem>>, vector<16xf32>,
      tpu.vector_store %arg19[%swap3A_152, %swap3A_153], %broadcast_in_dim3A_151 {strides = array<i32>} : memref<80x128xf32, #tpu.memory_space<vmem>>, vector<16xf32>,
      %broadcast_in_dim3A_155 = arith.constant 0.000000e+00 : f32
      %broadcast_in_dim3A_156 = vector.broadcast %broadcast_in_dim3A_155 : f32 to vector<16xf32>
      %swap3A_157 = arith.index_cast %scan3A_120 : i32 to index
      %swap3A_158 = arith.constant 112 : index
      %swap3A_159 = tpu.vector_load %arg19[%swap3A_157, %swap3A_158] {strides = array<i32>} : memref<80x128xf32, #tpu.memory_space<vmem>>, vector<16xf32>,
      tpu.vector_store %arg19[%swap3A_157, %swap3A_158], %broadcast_in_dim3A_156 {strides = array<i32>} : memref<80x128xf32, #tpu.memory_space<vmem>>, vector<16xf32>,
    }
    %scan3A_19 = arith.constant 80 : i32
    %iota3A = tpu.iota {dimensions = array<i32: 0>} : vector<16xi32>
    %add3A_20 = arith.constant 0 : i32
    %add3A_21 = vector.broadcast %add3A_20 : i32 to vector<16xi32>
    %add3A_22 = arith.addi %iota3A, %add3A_21 : vector<16xi32>
    %swap3A = arith.constant 0 : index
    %swap3A_23 = tpu.vector_load %arg20[%swap3A] {strides = array<i32>} : memref<80xi32, #tpu.memory_space<vmem>>, vector<16xi32>,
    tpu.vector_store %arg20[%swap3A], %add3A_22 {strides = array<i32>} : memref<80xi32, #tpu.memory_space<vmem>>, vector<16xi32>,
    %iota3A_24 = tpu.iota {dimensions = array<i32: 0>} : vector<16xi32>
    %add3A_25 = arith.constant 16 : i32
    %add3A_26 = vector.broadcast %add3A_25 : i32 to vector<16xi32>
    %add3A_27 = arith.addi %iota3A_24, %add3A_26 : vector<16xi32>
    %swap3A_28 = arith.constant 16 : index
    %swap3A_29 = tpu.vector_load %arg20[%swap3A_28] {strides = array<i32>} : memref<80xi32, #tpu.memory_space<vmem>>, vector<16xi32>,
    tpu.vector_store %arg20[%swap3A_28], %add3A_27 {strides = array<i32>} : memref<80xi32, #tpu.memory_space<vmem>>, vector<16xi32>,
    %iota3A_30 = tpu.iota {dimensions = array<i32: 0>} : vector<16xi32>
    %add3A_31 = arith.constant 32 : i32
    %add3A_32 = vector.broadcast %add3A_31 : i32 to vector<16xi32>
    %add3A_33 = arith.addi %iota3A_30, %add3A_32 : vector<16xi32>
    %swap3A_34 = arith.constant 32 : index
    %swap3A_35 = tpu.vector_load %arg20[%swap3A_34] {strides = array<i32>} : memref<80xi32, #tpu.memory_space<vmem>>, vector<16xi32>,
    tpu.vector_store %arg20[%swap3A_34], %add3A_33 {strides = array<i32>} : memref<80xi32, #tpu.memory_space<vmem>>, vector<16xi32>,
    %iota3A_36 = tpu.iota {dimensions = array<i32: 0>} : vector<16xi32>
    %add3A_37 = arith.constant 48 : i32
    %add3A_38 = vector.broadcast %add3A_37 : i32 to vector<16xi32>
    %add3A_39 = arith.addi %iota3A_36, %add3A_38 : vector<16xi32>
    %swap3A_40 = arith.constant 48 : index
    %swap3A_41 = tpu.vector_load %arg20[%swap3A_40] {strides = array<i32>} : memref<80xi32, #tpu.memory_space<vmem>>, vector<16xi32>,
    tpu.vector_store %arg20[%swap3A_40], %add3A_39 {strides = array<i32>} : memref<80xi32, #tpu.memory_space<vmem>>, vector<16xi32>,
    %iota3A_42 = tpu.iota {dimensions = array<i32: 0>} : vector<16xi32>
    %add3A_43 = arith.constant 64 : i32
    %add3A_44 = vector.broadcast %add3A_43 : i32 to vector<16xi32>
    %add3A_45 = arith.addi %iota3A_42, %add3A_44 : vector<16xi32>
    %swap3A_46 = arith.constant 64 : index
    %swap3A_47 = tpu.vector_load %arg20[%swap3A_46] {strides = array<i32>} : memref<80xi32, #tpu.memory_space<vmem>>, vector<16xi32>,
    tpu.vector_store %arg20[%swap3A_46], %add3A_45 {strides = array<i32>} : memref<80xi32, #tpu.memory_space<vmem>>, vector<16xi32>,
    %eq3A_48 = arith.constant 0 : i32
    %eq3A_49 = arith.cmpi eq, %arg1, %eq3A_48 : i32
    %convert_element_type3A_50 = arith.extui %eq3A_49 : i1 to i32
    %cond3A_51 = arith.constant 0 : i32
    %cond3A_52 = arith.cmpi ne, %convert_element_type3A_50, %cond3A_51 : i32
    scf.if %cond3A_52 {
      "tpu.region"() ({
        %run_scoped3A = tpu.sem_alloc : memref<!tpu.dma_semaphore, #tpu.memory_space<semaphore_mem>>
        %dma_start3A_120 = arith.constant 0 : i32
        %dma_start3A_121 = arith.constant 0 : i32
        %dma_start3A_122 = tpu.memref_slice %arg10[%dma_start3A_120, %dma_start3A_121] : memref<128x128xf32, #tpu.memory_space<vmem>> -> memref<80x128xf32, #tpu.memory_space<vmem>>
        %dma_start3A_123 = arith.constant 0 : i32
        %dma_start3A_124 = arith.constant 0 : i32
        %dma_start3A_125 = tpu.memref_slice %arg10[%dma_start3A_123, %dma_start3A_124] : memref<128x128xf32, #tpu.memory_space<vmem>> -> memref<80x128xf32, #tpu.memory_space<vmem>>
        tpu.enqueue_dma source(%dma_start3A_125 : memref<80x128xf32, #tpu.memory_space<vmem>>) target(%arg21 : memref<80x128xf32, #tpu.memory_space<vmem_shared>>) target_semaphore(%run_scoped3A : memref<!tpu.dma_semaphore, #tpu.memory_space<semaphore_mem>>)
        %dma_wait3A_126 = arith.constant 0 : i32
        %dma_wait3A_127 = arith.constant 0 : i32
        %dma_wait3A_128 = tpu.memref_slice %arg10[%dma_wait3A_126, %dma_wait3A_127] : memref<128x128xf32, #tpu.memory_space<vmem>> -> memref<80x128xf32, #tpu.memory_space<vmem>>
        %dma_wait3A_129 = arith.constant 0 : i32
        %dma_wait3A_130 = arith.constant 0 : i32
        %dma_wait3A_131 = tpu.memref_slice %arg10[%dma_wait3A_129, %dma_wait3A_130] : memref<128x128xf32, #tpu.memory_space<vmem>> -> memref<80x128xf32, #tpu.memory_space<vmem>>
        tpu.wait_dma2 semaphore(%run_scoped3A : memref<!tpu.dma_semaphore, #tpu.memory_space<semaphore_mem>>) src(%dma_wait3A_131 : memref<80x128xf32, #tpu.memory_space<vmem>>) dst(%arg21 : memref<80x128xf32, #tpu.memory_space<vmem_shared>>)
        tpu.yield
      }) : () -> ()
    } else {
    }
    %barrier3A = arith.constant 0 : index
    tpu.barrier barrier_id(%barrier3A)
    %mul3A_53 = arith.constant 78 : i32
    %mul3A_54 = arith.muli %add3A, %mul3A_53 : i32
    %min3A = arith.constant 4 : i32
    %min3A_55 = arith.minsi %add3A, %min3A : i32
    %add3A_56 = arith.addi %mul3A_54, %min3A_55 : i32
    %lt3A_57 = arith.constant 4 : i32
    %lt3A_58 = arith.cmpi slt, %add3A, %lt3A_57 : i32
    %jit3A = arith.constant 79 : i32
    %jit3A_59 = arith.constant 78 : i32
    %select_n3A = arith.select %lt3A_58, %jit3A, %jit3A_59 : i32
    %add3A_60 = arith.constant 0 : i32
    %add3A_61 = arith.addi %add3A_56, %add3A_60 : i32
    %mul3A_62 = arith.constant 128 : i32
    %mul3A_63 = arith.muli %add3A_61, %mul3A_62 : i32
    %multiple_of3A_64 = tpu.assume_multiple %mul3A_63, 128 : i32
    %dma_start3A = arith.constant 0 : i32
    %dma_start3A_65 = tpu.memref_slice %arg3[%dma_start3A, %multiple_of3A_64] : memref<2x320000xi32, #tpu.memory_space<hbm>> -> memref<1x128xi32, #tpu.memory_space<hbm>>
    %dma_start3A_66 = tpu.memref_squeeze %dma_start3A_65 : memref<1x128xi32, #tpu.memory_space<hbm>> -> memref<128xi32, #tpu.memory_space<hbm>>
    %dma_start3A_67 = tpu.memref_slice %arg3[%dma_start3A, %multiple_of3A_64] : memref<2x320000xi32, #tpu.memory_space<hbm>> -> memref<1x128xi32, #tpu.memory_space<hbm>>
    %dma_start3A_68 = tpu.memref_squeeze %dma_start3A_67 : memref<1x128xi32, #tpu.memory_space<hbm>> -> memref<128xi32, #tpu.memory_space<hbm>>
    tpu.enqueue_dma source(%dma_start3A_68 : memref<128xi32, #tpu.memory_space<hbm>>) target(%arg6 : memref<128xi32, #tpu.memory_space<vmem>>) target_semaphore(%arg13 : memref<!tpu.dma_semaphore, #tpu.memory_space<semaphore_mem>>)
    %dma_start3A_69 = arith.constant 1 : i32
    %dma_start3A_70 = tpu.memref_slice %arg3[%dma_start3A_69, %multiple_of3A_64] : memref<2x320000xi32, #tpu.memory_space<hbm>> -> memref<1x128xi32, #tpu.memory_space<hbm>>
    %dma_start3A_71 = tpu.memref_squeeze %dma_start3A_70 : memref<1x128xi32, #tpu.memory_space<hbm>> -> memref<128xi32, #tpu.memory_space<hbm>>
    %dma_start3A_72 = tpu.memref_slice %arg3[%dma_start3A_69, %multiple_of3A_64] : memref<2x320000xi32, #tpu.memory_space<hbm>> -> memref<1x128xi32, #tpu.memory_space<hbm>>
    %dma_start3A_73 = tpu.memref_squeeze %dma_start3A_72 : memref<1x128xi32, #tpu.memory_space<hbm>> -> memref<128xi32, #tpu.memory_space<hbm>>
    tpu.enqueue_dma source(%dma_start3A_73 : memref<128xi32, #tpu.memory_space<hbm>>) target(%arg8 : memref<128xi32, #tpu.memory_space<vmem>>) target_semaphore(%arg13 : memref<!tpu.dma_semaphore, #tpu.memory_space<semaphore_mem>>)
    %add3A_74 = arith.constant 0 : i32
    %add3A_75 = arith.addi %add3A_56, %add3A_74 : i32
    %mul3A_76 = arith.constant 128 : i32
    %mul3A_77 = arith.muli %add3A_75, %mul3A_76 : i32
    %multiple_of3A_78 = tpu.assume_multiple %mul3A_77, 128 : i32
    %dma_wait3A = arith.constant 0 : i32
    %dma_wait3A_79 = tpu.memref_slice %arg3[%dma_wait3A, %multiple_of3A_78] : memref<2x320000xi32, #tpu.memory_space<hbm>> -> memref<1x128xi32, #tpu.memory_space<hbm>>
    %dma_wait3A_80 = tpu.memref_squeeze %dma_wait3A_79 : memref<1x128xi32, #tpu.memory_space<hbm>> -> memref<128xi32, #tpu.memory_space<hbm>>
    %dma_wait3A_81 = tpu.memref_slice %arg3[%dma_wait3A, %multiple_of3A_78] : memref<2x320000xi32, #tpu.memory_space<hbm>> -> memref<1x128xi32, #tpu.memory_space<hbm>>
    %dma_wait3A_82 = tpu.memref_squeeze %dma_wait3A_81 : memref<1x128xi32, #tpu.memory_space<hbm>> -> memref<128xi32, #tpu.memory_space<hbm>>
    tpu.wait_dma2 semaphore(%arg13 : memref<!tpu.dma_semaphore, #tpu.memory_space<semaphore_mem>>) src(%dma_wait3A_82 : memref<128xi32, #tpu.memory_space<hbm>>) dst(%arg6 : memref<128xi32, #tpu.memory_space<vmem>>)
    %dma_wait3A_83 = arith.constant 1 : i32
    %dma_wait3A_84 = tpu.memref_slice %arg3[%dma_wait3A_83, %multiple_of3A_78] : memref<2x320000xi32, #tpu.memory_space<hbm>> -> memref<1x128xi32, #tpu.memory_space<hbm>>
    %dma_wait3A_85 = tpu.memref_squeeze %dma_wait3A_84 : memref<1x128xi32, #tpu.memory_space<hbm>> -> memref<128xi32, #tpu.memory_space<hbm>>
    %dma_wait3A_86 = tpu.memref_slice %arg3[%dma_wait3A_83, %multiple_of3A_78] : memref<2x320000xi32, #tpu.memory_space<hbm>> -> memref<1x128xi32, #tpu.memory_space<hbm>>
    %dma_wait3A_87 = tpu.memref_squeeze %dma_wait3A_86 : memref<1x128xi32, #tpu.memory_space<hbm>> -> memref<128xi32, #tpu.memory_space<hbm>>
    tpu.wait_dma2 semaphore(%arg13 : memref<!tpu.dma_semaphore, #tpu.memory_space<semaphore_mem>>) src(%dma_wait3A_87 : memref<128xi32, #tpu.memory_space<hbm>>) dst(%arg8 : memref<128xi32, #tpu.memory_space<vmem>>)
    %dma_start3A_88 = arith.constant 0 : i32
    %dma_start3A_89 = arith.constant 0 : i32
    %dma_start3A_90 = tpu.memref_slice %arg2[%dma_start3A_88, %dma_start3A_89] : memref<10000x128xf32, #tpu.memory_space<hbm>> -> memref<10000x128xf32, #tpu.memory_space<hbm>>
    tpu.enqueue_indirect_dma source(%dma_start3A_90 : memref<10000x128xf32, #tpu.memory_space<hbm>>) target(%arg10 : memref<128x128xf32, #tpu.memory_space<vmem>>) offsets(%arg6 : memref<128xi32, #tpu.memory_space<vmem>>) semaphore(%arg15 : memref<!tpu.dma_semaphore, #tpu.memory_space<semaphore_mem>>)
    %scan3A_91 = arith.constant 0 : i32
    %scan3A_92 = arith.constant 0 : i32
    %scan3A_93 = arith.constant 39 : i32
    %scan3A_94 = arith.addi %scan3A_92, %scan3A_93 : i32
    %scan3A_95 = arith.constant 1 : i32
    scf.for %scan3A_120 = %scan3A_92 to %scan3A_94 step %scan3A_95  : i32 {
      %mul3A_121 = arith.constant 2 : i32
      %mul3A_122 = arith.muli %mul3A_121, %scan3A_120 : i32
      %gt3A_123 = arith.constant 0 : i32
      %gt3A_124 = arith.cmpi sgt, %scan3A_120, %gt3A_123 : i32
      %convert_element_type3A_125 = arith.extui %gt3A_124 : i1 to i32
      %cond3A_126 = arith.constant 0 : i32
      %cond3A_127 = arith.cmpi ne, %convert_element_type3A_125, %cond3A_126 : i32
      scf.if %cond3A_127 {
        %dma_wait3A_387 = arith.constant 0 : i32
        %dma_wait3A_388 = arith.constant 0 : i32
        %dma_wait3A_389 = tpu.memref_slice %arg12[%dma_wait3A_387, %dma_wait3A_388] : memref<10000x128xf32, #tpu.memory_space<vmem_shared>> -> memref<10000x128xf32, #tpu.memory_space<vmem_shared>>
        tpu.wait_indirect_dma semaphore(%arg18 : memref<!tpu.dma_semaphore, #tpu.memory_space<semaphore_mem>>) src(%arg11 : memref<128x128xf32, #tpu.memory_space<vmem>>) dst(%dma_wait3A_389 : memref<10000x128xf32, #tpu.memory_space<vmem_shared>>)
      } else {
      }
      %add3A_128 = arith.constant 1 : i32
      %add3A_129 = arith.addi %mul3A_122, %add3A_128 : i32
      %add3A_130 = arith.addi %add3A_56, %add3A_129 : i32
      %mul3A_131 = arith.constant 128 : i32
      %mul3A_132 = arith.muli %add3A_130, %mul3A_131 : i32
      %multiple_of3A_133 = tpu.assume_multiple %mul3A_132, 128 : i32
      %dma_start3A_134 = arith.constant 0 : i32
      %dma_start3A_135 = tpu.memref_slice %arg3[%dma_start3A_134, %multiple_of3A_133] : memref<2x320000xi32, #tpu.memory_space<hbm>> -> memref<1x128xi32, #tpu.memory_space<hbm>>
      %dma_start3A_136 = tpu.memref_squeeze %dma_start3A_135 : memref<1x128xi32, #tpu.memory_space<hbm>> -> memref<128xi32, #tpu.memory_space<hbm>>
      %dma_start3A_137 = tpu.memref_slice %arg3[%dma_start3A_134, %multiple_of3A_133] : memref<2x320000xi32, #tpu.memory_space<hbm>> -> memref<1x128xi32, #tpu.memory_space<hbm>>
      %dma_start3A_138 = tpu.memref_squeeze %dma_start3A_137 : memref<1x128xi32, #tpu.memory_space<hbm>> -> memref<128xi32, #tpu.memory_space<hbm>>
      tpu.enqueue_dma source(%dma_start3A_138 : memref<128xi32, #tpu.memory_space<hbm>>) target(%arg7 : memref<128xi32, #tpu.memory_space<vmem>>) target_semaphore(%arg14 : memref<!tpu.dma_semaphore, #tpu.memory_space<semaphore_mem>>)
      %dma_start3A_139 = arith.constant 1 : i32
      %dma_start3A_140 = tpu.memref_slice %arg3[%dma_start3A_139, %multiple_of3A_133] : memref<2x320000xi32, #tpu.memory_space<hbm>> -> memref<1x128xi32, #tpu.memory_space<hbm>>
      %dma_start3A_141 = tpu.memref_squeeze %dma_start3A_140 : memref<1x128xi32, #tpu.memory_space<hbm>> -> memref<128xi32, #tpu.memory_space<hbm>>
      %dma_start3A_142 = tpu.memref_slice %arg3[%dma_start3A_139, %multiple_of3A_133] : memref<2x320000xi32, #tpu.memory_space<hbm>> -> memref<1x128xi32, #tpu.memory_space<hbm>>
      %dma_start3A_143 = tpu.memref_squeeze %dma_start3A_142 : memref<1x128xi32, #tpu.memory_space<hbm>> -> memref<128xi32, #tpu.memory_space<hbm>>
      tpu.enqueue_dma source(%dma_start3A_143 : memref<128xi32, #tpu.memory_space<hbm>>) target(%arg9 : memref<128xi32, #tpu.memory_space<vmem>>) target_semaphore(%arg14 : memref<!tpu.dma_semaphore, #tpu.memory_space<semaphore_mem>>)
      %dma_wait3A_144 = arith.constant 0 : i32
      %dma_wait3A_145 = arith.constant 0 : i32
      %dma_wait3A_146 = tpu.memref_slice %arg2[%dma_wait3A_144, %dma_wait3A_145] : memref<10000x128xf32, #tpu.memory_space<hbm>> -> memref<10000x128xf32, #tpu.memory_space<hbm>>
      tpu.wait_indirect_dma semaphore(%arg15 : memref<!tpu.dma_semaphore, #tpu.memory_space<semaphore_mem>>) src(%dma_wait3A_146 : memref<10000x128xf32, #tpu.memory_space<hbm>>) dst(%arg10 : memref<128x128xf32, #tpu.memory_space<vmem>>)
      %dma_start3A_147 = arith.constant 0 : i32
      %dma_start3A_148 = arith.constant 0 : i32
      %dma_start3A_149 = tpu.memref_slice %arg12[%dma_start3A_147, %dma_start3A_148] : memref<10000x128xf32, #tpu.memory_space<vmem_shared>> -> memref<10000x128xf32, #tpu.memory_space<vmem_shared>>
      tpu.enqueue_indirect_dma source(%arg10 : memref<128x128xf32, #tpu.memory_space<vmem>>) target(%dma_start3A_149 : memref<10000x128xf32, #tpu.memory_space<vmem_shared>>) offsets(%arg8 : memref<128xi32, #tpu.memory_space<vmem>>) semaphore(%arg17 : memref<!tpu.dma_semaphore, #tpu.memory_space<semaphore_mem>>) {add = true}
      %get3A = arith.constant 0 : index
      %get3A_150 = tpu.vector_load %arg8[%get3A] {strides = array<i32>} : memref<128xi32, #tpu.memory_space<vmem>>, vector<16xi32>,
      %broadcast_in_dim3A = arith.constant true
      %broadcast_in_dim3A_151 = vector.broadcast %broadcast_in_dim3A : i1 to vector<16xi1>
      %unique3A, %unique3A_152 = tpu.scan_count mask(%broadcast_in_dim3A_151 : vector<16xi1>) value(%get3A_150 : vector<16xi32>) : vector<16xi1>, vector<16xi32>
      %shift_right_logical3A = arith.constant 7 : i32
      %shift_right_logical3A_153 = vector.broadcast %shift_right_logical3A : i32 to vector<16xi32>
      %shift_right_logical3A_154 = arith.shrui %get3A_150, %shift_right_logical3A_153 : vector<16xi32>
      %and3A = arith.constant 127 : i32
      %and3A_155 = vector.broadcast %and3A : i32 to vector<16xi32>
      %and3A_156 = arith.andi %get3A_150, %and3A_155 : vector<16xi32>
      %convert_element_type3A_157 = arith.sitofp %unique3A_152 : vector<16xi32> to vector<16xf32>
      tpu.vector_store_idx %arg19[%shift_right_logical3A_154, %and3A_156], %convert_element_type3A_157 masked %unique3A {add = true} : memref<80x128xf32, #tpu.memory_space<vmem>>[vector<16xi32>, vector<16xi32>], vector<16xf32>, vector<16xi1>
      %get3A_158 = arith.constant 16 : index
      %get3A_159 = tpu.vector_load %arg8[%get3A_158] {strides = array<i32>} : memref<128xi32, #tpu.memory_space<vmem>>, vector<16xi32>,
      %broadcast_in_dim3A_160 = arith.constant true
      %broadcast_in_dim3A_161 = vector.broadcast %broadcast_in_dim3A_160 : i1 to vector<16xi1>
      %unique3A_162, %unique3A_163 = tpu.scan_count mask(%broadcast_in_dim3A_161 : vector<16xi1>) value(%get3A_159 : vector<16xi32>) : vector<16xi1>, vector<16xi32>
      %shift_right_logical3A_164 = arith.constant 7 : i32
      %shift_right_logical3A_165 = vector.broadcast %shift_right_logical3A_164 : i32 to vector<16xi32>
      %shift_right_logical3A_166 = arith.shrui %get3A_159, %shift_right_logical3A_165 : vector<16xi32>
      %and3A_167 = arith.constant 127 : i32
      %and3A_168 = vector.broadcast %and3A_167 : i32 to vector<16xi32>
      %and3A_169 = arith.andi %get3A_159, %and3A_168 : vector<16xi32>
      %convert_element_type3A_170 = arith.sitofp %unique3A_163 : vector<16xi32> to vector<16xf32>
      tpu.vector_store_idx %arg19[%shift_right_logical3A_166, %and3A_169], %convert_element_type3A_170 masked %unique3A_162 {add = true} : memref<80x128xf32, #tpu.memory_space<vmem>>[vector<16xi32>, vector<16xi32>], vector<16xf32>, vector<16xi1>
      %get3A_171 = arith.constant 32 : index
      %get3A_172 = tpu.vector_load %arg8[%get3A_171] {strides = array<i32>} : memref<128xi32, #tpu.memory_space<vmem>>, vector<16xi32>,
      %broadcast_in_dim3A_173 = arith.constant true
      %broadcast_in_dim3A_174 = vector.broadcast %broadcast_in_dim3A_173 : i1 to vector<16xi1>
      %unique3A_175, %unique3A_176 = tpu.scan_count mask(%broadcast_in_dim3A_174 : vector<16xi1>) value(%get3A_172 : vector<16xi32>) : vector<16xi1>, vector<16xi32>
      %shift_right_logical3A_177 = arith.constant 7 : i32
      %shift_right_logical3A_178 = vector.broadcast %shift_right_logical3A_177 : i32 to vector<16xi32>
      %shift_right_logical3A_179 = arith.shrui %get3A_172, %shift_right_logical3A_178 : vector<16xi32>
      %and3A_180 = arith.constant 127 : i32
      %and3A_181 = vector.broadcast %and3A_180 : i32 to vector<16xi32>
      %and3A_182 = arith.andi %get3A_172, %and3A_181 : vector<16xi32>
      %convert_element_type3A_183 = arith.sitofp %unique3A_176 : vector<16xi32> to vector<16xf32>
      tpu.vector_store_idx %arg19[%shift_right_logical3A_179, %and3A_182], %convert_element_type3A_183 masked %unique3A_175 {add = true} : memref<80x128xf32, #tpu.memory_space<vmem>>[vector<16xi32>, vector<16xi32>], vector<16xf32>, vector<16xi1>
      %get3A_184 = arith.constant 48 : index
      %get3A_185 = tpu.vector_load %arg8[%get3A_184] {strides = array<i32>} : memref<128xi32, #tpu.memory_space<vmem>>, vector<16xi32>,
      %broadcast_in_dim3A_186 = arith.constant true
      %broadcast_in_dim3A_187 = vector.broadcast %broadcast_in_dim3A_186 : i1 to vector<16xi1>
      %unique3A_188, %unique3A_189 = tpu.scan_count mask(%broadcast_in_dim3A_187 : vector<16xi1>) value(%get3A_185 : vector<16xi32>) : vector<16xi1>, vector<16xi32>
      %shift_right_logical3A_190 = arith.constant 7 : i32
      %shift_right_logical3A_191 = vector.broadcast %shift_right_logical3A_190 : i32 to vector<16xi32>
      %shift_right_logical3A_192 = arith.shrui %get3A_185, %shift_right_logical3A_191 : vector<16xi32>
      %and3A_193 = arith.constant 127 : i32
      %and3A_194 = vector.broadcast %and3A_193 : i32 to vector<16xi32>
      %and3A_195 = arith.andi %get3A_185, %and3A_194 : vector<16xi32>
      %convert_element_type3A_196 = arith.sitofp %unique3A_189 : vector<16xi32> to vector<16xf32>
      tpu.vector_store_idx %arg19[%shift_right_logical3A_192, %and3A_195], %convert_element_type3A_196 masked %unique3A_188 {add = true} : memref<80x128xf32, #tpu.memory_space<vmem>>[vector<16xi32>, vector<16xi32>], vector<16xf32>, vector<16xi1>
      %get3A_197 = arith.constant 64 : index
      %get3A_198 = tpu.vector_load %arg8[%get3A_197] {strides = array<i32>} : memref<128xi32, #tpu.memory_space<vmem>>, vector<16xi32>,
      %broadcast_in_dim3A_199 = arith.constant true
      %broadcast_in_dim3A_200 = vector.broadcast %broadcast_in_dim3A_199 : i1 to vector<16xi1>
      %unique3A_201, %unique3A_202 = tpu.scan_count mask(%broadcast_in_dim3A_200 : vector<16xi1>) value(%get3A_198 : vector<16xi32>) : vector<16xi1>, vector<16xi32>
      %shift_right_logical3A_203 = arith.constant 7 : i32
      %shift_right_logical3A_204 = vector.broadcast %shift_right_logical3A_203 : i32 to vector<16xi32>
      %shift_right_logical3A_205 = arith.shrui %get3A_198, %shift_right_logical3A_204 : vector<16xi32>
      %and3A_206 = arith.constant 127 : i32
      %and3A_207 = vector.broadcast %and3A_206 : i32 to vector<16xi32>
      %and3A_208 = arith.andi %get3A_198, %and3A_207 : vector<16xi32>
      %convert_element_type3A_209 = arith.sitofp %unique3A_202 : vector<16xi32> to vector<16xf32>
      tpu.vector_store_idx %arg19[%shift_right_logical3A_205, %and3A_208], %convert_element_type3A_209 masked %unique3A_201 {add = true} : memref<80x128xf32, #tpu.memory_space<vmem>>[vector<16xi32>, vector<16xi32>], vector<16xf32>, vector<16xi1>
      %get3A_210 = arith.constant 80 : index
      %get3A_211 = tpu.vector_load %arg8[%get3A_210] {strides = array<i32>} : memref<128xi32, #tpu.memory_space<vmem>>, vector<16xi32>,
      %broadcast_in_dim3A_212 = arith.constant true
      %broadcast_in_dim3A_213 = vector.broadcast %broadcast_in_dim3A_212 : i1 to vector<16xi1>
      %unique3A_214, %unique3A_215 = tpu.scan_count mask(%broadcast_in_dim3A_213 : vector<16xi1>) value(%get3A_211 : vector<16xi32>) : vector<16xi1>, vector<16xi32>
      %shift_right_logical3A_216 = arith.constant 7 : i32
      %shift_right_logical3A_217 = vector.broadcast %shift_right_logical3A_216 : i32 to vector<16xi32>
      %shift_right_logical3A_218 = arith.shrui %get3A_211, %shift_right_logical3A_217 : vector<16xi32>
      %and3A_219 = arith.constant 127 : i32
      %and3A_220 = vector.broadcast %and3A_219 : i32 to vector<16xi32>
      %and3A_221 = arith.andi %get3A_211, %and3A_220 : vector<16xi32>
      %convert_element_type3A_222 = arith.sitofp %unique3A_215 : vector<16xi32> to vector<16xf32>
      tpu.vector_store_idx %arg19[%shift_right_logical3A_218, %and3A_221], %convert_element_type3A_222 masked %unique3A_214 {add = true} : memref<80x128xf32, #tpu.memory_space<vmem>>[vector<16xi32>, vector<16xi32>], vector<16xf32>, vector<16xi1>
      %get3A_223 = arith.constant 96 : index
      %get3A_224 = tpu.vector_load %arg8[%get3A_223] {strides = array<i32>} : memref<128xi32, #tpu.memory_space<vmem>>, vector<16xi32>,
      %broadcast_in_dim3A_225 = arith.constant true
      %broadcast_in_dim3A_226 = vector.broadcast %broadcast_in_dim3A_225 : i1 to vector<16xi1>
      %unique3A_227, %unique3A_228 = tpu.scan_count mask(%broadcast_in_dim3A_226 : vector<16xi1>) value(%get3A_224 : vector<16xi32>) : vector<16xi1>, vector<16xi32>
      %shift_right_logical3A_229 = arith.constant 7 : i32
      %shift_right_logical3A_230 = vector.broadcast %shift_right_logical3A_229 : i32 to vector<16xi32>
      %shift_right_logical3A_231 = arith.shrui %get3A_224, %shift_right_logical3A_230 : vector<16xi32>
      %and3A_232 = arith.constant 127 : i32
      %and3A_233 = vector.broadcast %and3A_232 : i32 to vector<16xi32>
      %and3A_234 = arith.andi %get3A_224, %and3A_233 : vector<16xi32>
      %convert_element_type3A_235 = arith.sitofp %unique3A_228 : vector<16xi32> to vector<16xf32>
      tpu.vector_store_idx %arg19[%shift_right_logical3A_231, %and3A_234], %convert_element_type3A_235 masked %unique3A_227 {add = true} : memref<80x128xf32, #tpu.memory_space<vmem>>[vector<16xi32>, vector<16xi32>], vector<16xf32>, vector<16xi1>
      %get3A_236 = arith.constant 112 : index
      %get3A_237 = tpu.vector_load %arg8[%get3A_236] {strides = array<i32>} : memref<128xi32, #tpu.memory_space<vmem>>, vector<16xi32>,
      %broadcast_in_dim3A_238 = arith.constant true
      %broadcast_in_dim3A_239 = vector.broadcast %broadcast_in_dim3A_238 : i1 to vector<16xi1>
      %unique3A_240, %unique3A_241 = tpu.scan_count mask(%broadcast_in_dim3A_239 : vector<16xi1>) value(%get3A_237 : vector<16xi32>) : vector<16xi1>, vector<16xi32>
      %shift_right_logical3A_242 = arith.constant 7 : i32
      %shift_right_logical3A_243 = vector.broadcast %shift_right_logical3A_242 : i32 to vector<16xi32>
      %shift_right_logical3A_244 = arith.shrui %get3A_237, %shift_right_logical3A_243 : vector<16xi32>
      %and3A_245 = arith.constant 127 : i32
      %and3A_246 = vector.broadcast %and3A_245 : i32 to vector<16xi32>
      %and3A_247 = arith.andi %get3A_237, %and3A_246 : vector<16xi32>
      %convert_element_type3A_248 = arith.sitofp %unique3A_241 : vector<16xi32> to vector<16xf32>
      tpu.vector_store_idx %arg19[%shift_right_logical3A_244, %and3A_247], %convert_element_type3A_248 masked %unique3A_240 {add = true} : memref<80x128xf32, #tpu.memory_space<vmem>>[vector<16xi32>, vector<16xi32>], vector<16xf32>, vector<16xi1>
      %add3A_249 = arith.constant 1 : i32
      %add3A_250 = arith.addi %mul3A_122, %add3A_249 : i32
      %add3A_251 = arith.addi %add3A_56, %add3A_250 : i32
      %mul3A_252 = arith.constant 128 : i32
      %mul3A_253 = arith.muli %add3A_251, %mul3A_252 : i32
      %multiple_of3A_254 = tpu.assume_multiple %mul3A_253, 128 : i32
      %dma_wait3A_255 = arith.constant 0 : i32
      %dma_wait3A_256 = tpu.memref_slice %arg3[%dma_wait3A_255, %multiple_of3A_254] : memref<2x320000xi32, #tpu.memory_space<hbm>> -> memref<1x128xi32, #tpu.memory_space<hbm>>
      %dma_wait3A_257 = tpu.memref_squeeze %dma_wait3A_256 : memref<1x128xi32, #tpu.memory_space<hbm>> -> memref<128xi32, #tpu.memory_space<hbm>>
      %dma_wait3A_258 = tpu.memref_slice %arg3[%dma_wait3A_255, %multiple_of3A_254] : memref<2x320000xi32, #tpu.memory_space<hbm>> -> memref<1x128xi32, #tpu.memory_space<hbm>>
      %dma_wait3A_259 = tpu.memref_squeeze %dma_wait3A_258 : memref<1x128xi32, #tpu.memory_space<hbm>> -> memref<128xi32, #tpu.memory_space<hbm>>
      tpu.wait_dma2 semaphore(%arg14 : memref<!tpu.dma_semaphore, #tpu.memory_space<semaphore_mem>>) src(%dma_wait3A_259 : memref<128xi32, #tpu.memory_space<hbm>>) dst(%arg7 : memref<128xi32, #tpu.memory_space<vmem>>)
      %dma_wait3A_260 = arith.constant 1 : i32
      %dma_wait3A_261 = tpu.memref_slice %arg3[%dma_wait3A_260, %multiple_of3A_254] : memref<2x320000xi32, #tpu.memory_space<hbm>> -> memref<1x128xi32, #tpu.memory_space<hbm>>
      %dma_wait3A_262 = tpu.memref_squeeze %dma_wait3A_261 : memref<1x128xi32, #tpu.memory_space<hbm>> -> memref<128xi32, #tpu.memory_space<hbm>>
      %dma_wait3A_263 = tpu.memref_slice %arg3[%dma_wait3A_260, %multiple_of3A_254] : memref<2x320000xi32, #tpu.memory_space<hbm>> -> memref<1x128xi32, #tpu.memory_space<hbm>>
      %dma_wait3A_264 = tpu.memref_squeeze %dma_wait3A_263 : memref<1x128xi32, #tpu.memory_space<hbm>> -> memref<128xi32, #tpu.memory_space<hbm>>
      tpu.wait_dma2 semaphore(%arg14 : memref<!tpu.dma_semaphore, #tpu.memory_space<semaphore_mem>>) src(%dma_wait3A_264 : memref<128xi32, #tpu.memory_space<hbm>>) dst(%arg9 : memref<128xi32, #tpu.memory_space<vmem>>)
      %dma_start3A_265 = arith.constant 0 : i32
      %dma_start3A_266 = arith.constant 0 : i32
      %dma_start3A_267 = tpu.memref_slice %arg2[%dma_start3A_265, %dma_start3A_266] : memref<10000x128xf32, #tpu.memory_space<hbm>> -> memref<10000x128xf32, #tpu.memory_space<hbm>>
      tpu.enqueue_indirect_dma source(%dma_start3A_267 : memref<10000x128xf32, #tpu.memory_space<hbm>>) target(%arg11 : memref<128x128xf32, #tpu.memory_space<vmem>>) offsets(%arg7 : memref<128xi32, #tpu.memory_space<vmem>>) semaphore(%arg16 : memref<!tpu.dma_semaphore, #tpu.memory_space<semaphore_mem>>)
      %dma_wait3A_268 = arith.constant 0 : i32
      %dma_wait3A_269 = arith.constant 0 : i32
      %dma_wait3A_270 = tpu.memref_slice %arg12[%dma_wait3A_268, %dma_wait3A_269] : memref<10000x128xf32, #tpu.memory_space<vmem_shared>> -> memref<10000x128xf32, #tpu.memory_space<vmem_shared>>
      tpu.wait_indirect_dma semaphore(%arg17 : memref<!tpu.dma_semaphore, #tpu.memory_space<semaphore_mem>>) src(%arg10 : memref<128x128xf32, #tpu.memory_space<vmem>>) dst(%dma_wait3A_270 : memref<10000x128xf32, #tpu.memory_space<vmem_shared>>)
      %add3A_271 = arith.constant 2 : i32
      %add3A_272 = arith.addi %mul3A_122, %add3A_271 : i32
      %lt3A_273 = arith.cmpi slt, %add3A_272, %select_n3A : i32
      %convert_element_type3A_274 = arith.extui %lt3A_273 : i1 to i32
      %cond3A_275 = arith.constant 0 : i32
      %cond3A_276 = arith.cmpi ne, %convert_element_type3A_274, %cond3A_275 : i32
      scf.if %cond3A_276 {
        %add3A_387 = arith.constant 2 : i32
        %add3A_388 = arith.addi %mul3A_122, %add3A_387 : i32
        %add3A_389 = arith.addi %add3A_56, %add3A_388 : i32
        %mul3A_390 = arith.constant 128 : i32
        %mul3A_391 = arith.muli %add3A_389, %mul3A_390 : i32
        %multiple_of3A_392 = tpu.assume_multiple %mul3A_391, 128 : i32
        %dma_start3A_393 = arith.constant 0 : i32
        %dma_start3A_394 = tpu.memref_slice %arg3[%dma_start3A_393, %multiple_of3A_392] : memref<2x320000xi32, #tpu.memory_space<hbm>> -> memref<1x128xi32, #tpu.memory_space<hbm>>
        %dma_start3A_395 = tpu.memref_squeeze %dma_start3A_394 : memref<1x128xi32, #tpu.memory_space<hbm>> -> memref<128xi32, #tpu.memory_space<hbm>>
        %dma_start3A_396 = tpu.memref_slice %arg3[%dma_start3A_393, %multiple_of3A_392] : memref<2x320000xi32, #tpu.memory_space<hbm>> -> memref<1x128xi32, #tpu.memory_space<hbm>>
        %dma_start3A_397 = tpu.memref_squeeze %dma_start3A_396 : memref<1x128xi32, #tpu.memory_space<hbm>> -> memref<128xi32, #tpu.memory_space<hbm>>
        tpu.enqueue_dma source(%dma_start3A_397 : memref<128xi32, #tpu.memory_space<hbm>>) target(%arg6 : memref<128xi32, #tpu.memory_space<vmem>>) target_semaphore(%arg13 : memref<!tpu.dma_semaphore, #tpu.memory_space<semaphore_mem>>)
        %dma_start3A_398 = arith.constant 1 : i32
        %dma_start3A_399 = tpu.memref_slice %arg3[%dma_start3A_398, %multiple_of3A_392] : memref<2x320000xi32, #tpu.memory_space<hbm>> -> memref<1x128xi32, #tpu.memory_space<hbm>>
        %dma_start3A_400 = tpu.memref_squeeze %dma_start3A_399 : memref<1x128xi32, #tpu.memory_space<hbm>> -> memref<128xi32, #tpu.memory_space<hbm>>
        %dma_start3A_401 = tpu.memref_slice %arg3[%dma_start3A_398, %multiple_of3A_392] : memref<2x320000xi32, #tpu.memory_space<hbm>> -> memref<1x128xi32, #tpu.memory_space<hbm>>
        %dma_start3A_402 = tpu.memref_squeeze %dma_start3A_401 : memref<1x128xi32, #tpu.memory_space<hbm>> -> memref<128xi32, #tpu.memory_space<hbm>>
        tpu.enqueue_dma source(%dma_start3A_402 : memref<128xi32, #tpu.memory_space<hbm>>) target(%arg8 : memref<128xi32, #tpu.memory_space<vmem>>) target_semaphore(%arg13 : memref<!tpu.dma_semaphore, #tpu.memory_space<semaphore_mem>>)
        %add3A_403 = arith.constant 2 : i32
        %add3A_404 = arith.addi %mul3A_122, %add3A_403 : i32
        %add3A_405 = arith.addi %add3A_56, %add3A_404 : i32
        %mul3A_406 = arith.constant 128 : i32
        %mul3A_407 = arith.muli %add3A_405, %mul3A_406 : i32
        %multiple_of3A_408 = tpu.assume_multiple %mul3A_407, 128 : i32
        %dma_wait3A_409 = arith.constant 0 : i32
        %dma_wait3A_410 = tpu.memref_slice %arg3[%dma_wait3A_409, %multiple_of3A_408] : memref<2x320000xi32, #tpu.memory_space<hbm>> -> memref<1x128xi32, #tpu.memory_space<hbm>>
        %dma_wait3A_411 = tpu.memref_squeeze %dma_wait3A_410 : memref<1x128xi32, #tpu.memory_space<hbm>> -> memref<128xi32, #tpu.memory_space<hbm>>
        %dma_wait3A_412 = tpu.memref_slice %arg3[%dma_wait3A_409, %multiple_of3A_408] : memref<2x320000xi32, #tpu.memory_space<hbm>> -> memref<1x128xi32, #tpu.memory_space<hbm>>
        %dma_wait3A_413 = tpu.memref_squeeze %dma_wait3A_412 : memref<1x128xi32, #tpu.memory_space<hbm>> -> memref<128xi32, #tpu.memory_space<hbm>>
        tpu.wait_dma2 semaphore(%arg13 : memref<!tpu.dma_semaphore, #tpu.memory_space<semaphore_mem>>) src(%dma_wait3A_413 : memref<128xi32, #tpu.memory_space<hbm>>) dst(%arg6 : memref<128xi32, #tpu.memory_space<vmem>>)
        %dma_wait3A_414 = arith.constant 1 : i32
        %dma_wait3A_415 = tpu.memref_slice %arg3[%dma_wait3A_414, %multiple_of3A_408] : memref<2x320000xi32, #tpu.memory_space<hbm>> -> memref<1x128xi32, #tpu.memory_space<hbm>>
        %dma_wait3A_416 = tpu.memref_squeeze %dma_wait3A_415 : memref<1x128xi32, #tpu.memory_space<hbm>> -> memref<128xi32, #tpu.memory_space<hbm>>
        %dma_wait3A_417 = tpu.memref_slice %arg3[%dma_wait3A_414, %multiple_of3A_408] : memref<2x320000xi32, #tpu.memory_space<hbm>> -> memref<1x128xi32, #tpu.memory_space<hbm>>
        %dma_wait3A_418 = tpu.memref_squeeze %dma_wait3A_417 : memref<1x128xi32, #tpu.memory_space<hbm>> -> memref<128xi32, #tpu.memory_space<hbm>>
        tpu.wait_dma2 semaphore(%arg13 : memref<!tpu.dma_semaphore, #tpu.memory_space<semaphore_mem>>) src(%dma_wait3A_418 : memref<128xi32, #tpu.memory_space<hbm>>) dst(%arg8 : memref<128xi32, #tpu.memory_space<vmem>>)
        %dma_start3A_419 = arith.constant 0 : i32
        %dma_start3A_420 = arith.constant 0 : i32
        %dma_start3A_421 = tpu.memref_slice %arg2[%dma_start3A_419, %dma_start3A_420] : memref<10000x128xf32, #tpu.memory_space<hbm>> -> memref<10000x128xf32, #tpu.memory_space<hbm>>
        tpu.enqueue_indirect_dma source(%dma_start3A_421 : memref<10000x128xf32, #tpu.memory_space<hbm>>) target(%arg10 : memref<128x128xf32, #tpu.memory_space<vmem>>) offsets(%arg6 : memref<128xi32, #tpu.memory_space<vmem>>) semaphore(%arg15 : memref<!tpu.dma_semaphore, #tpu.memory_space<semaphore_mem>>)
      } else {
      }
      %dma_wait3A_277 = arith.constant 0 : i32
      %dma_wait3A_278 = arith.constant 0 : i32
      %dma_wait3A_279 = tpu.memref_slice %arg2[%dma_wait3A_277, %dma_wait3A_278] : memref<10000x128xf32, #tpu.memory_space<hbm>> -> memref<10000x128xf32, #tpu.memory_space<hbm>>
      tpu.wait_indirect_dma semaphore(%arg16 : memref<!tpu.dma_semaphore, #tpu.memory_space<semaphore_mem>>) src(%dma_wait3A_279 : memref<10000x128xf32, #tpu.memory_space<hbm>>) dst(%arg11 : memref<128x128xf32, #tpu.memory_space<vmem>>)
      %dma_start3A_280 = arith.constant 0 : i32
      %dma_start3A_281 = arith.constant 0 : i32
      %dma_start3A_282 = tpu.memref_slice %arg12[%dma_start3A_280, %dma_start3A_281] : memref<10000x128xf32, #tpu.memory_space<vmem_shared>> -> memref<10000x128xf32, #tpu.memory_space<vmem_shared>>
      tpu.enqueue_indirect_dma source(%arg11 : memref<128x128xf32, #tpu.memory_space<vmem>>) target(%dma_start3A_282 : memref<10000x128xf32, #tpu.memory_space<vmem_shared>>) offsets(%arg9 : memref<128xi32, #tpu.memory_space<vmem>>) semaphore(%arg18 : memref<!tpu.dma_semaphore, #tpu.memory_space<semaphore_mem>>) {add = true}
      %get3A_283 = arith.constant 0 : index
      %get3A_284 = tpu.vector_load %arg9[%get3A_283] {strides = array<i32>} : memref<128xi32, #tpu.memory_space<vmem>>, vector<16xi32>,
      %broadcast_in_dim3A_285 = arith.constant true
      %broadcast_in_dim3A_286 = vector.broadcast %broadcast_in_dim3A_285 : i1 to vector<16xi1>
      %unique3A_287, %unique3A_288 = tpu.scan_count mask(%broadcast_in_dim3A_286 : vector<16xi1>) value(%get3A_284 : vector<16xi32>) : vector<16xi1>, vector<16xi32>
      %shift_right_logical3A_289 = arith.constant 7 : i32
      %shift_right_logical3A_290 = vector.broadcast %shift_right_logical3A_289 : i32 to vector<16xi32>
      %shift_right_logical3A_291 = arith.shrui %get3A_284, %shift_right_logical3A_290 : vector<16xi32>
      %and3A_292 = arith.constant 127 : i32
      %and3A_293 = vector.broadcast %and3A_292 : i32 to vector<16xi32>
      %and3A_294 = arith.andi %get3A_284, %and3A_293 : vector<16xi32>
      %convert_element_type3A_295 = arith.sitofp %unique3A_288 : vector<16xi32> to vector<16xf32>
      tpu.vector_store_idx %arg19[%shift_right_logical3A_291, %and3A_294], %convert_element_type3A_295 masked %unique3A_287 {add = true} : memref<80x128xf32, #tpu.memory_space<vmem>>[vector<16xi32>, vector<16xi32>], vector<16xf32>, vector<16xi1>
      %get3A_296 = arith.constant 16 : index
      %get3A_297 = tpu.vector_load %arg9[%get3A_296] {strides = array<i32>} : memref<128xi32, #tpu.memory_space<vmem>>, vector<16xi32>,
      %broadcast_in_dim3A_298 = arith.constant true
      %broadcast_in_dim3A_299 = vector.broadcast %broadcast_in_dim3A_298 : i1 to vector<16xi1>
      %unique3A_300, %unique3A_301 = tpu.scan_count mask(%broadcast_in_dim3A_299 : vector<16xi1>) value(%get3A_297 : vector<16xi32>) : vector<16xi1>, vector<16xi32>
      %shift_right_logical3A_302 = arith.constant 7 : i32
      %shift_right_logical3A_303 = vector.broadcast %shift_right_logical3A_302 : i32 to vector<16xi32>
      %shift_right_logical3A_304 = arith.shrui %get3A_297, %shift_right_logical3A_303 : vector<16xi32>
      %and3A_305 = arith.constant 127 : i32
      %and3A_306 = vector.broadcast %and3A_305 : i32 to vector<16xi32>
      %and3A_307 = arith.andi %get3A_297, %and3A_306 : vector<16xi32>
      %convert_element_type3A_308 = arith.sitofp %unique3A_301 : vector<16xi32> to vector<16xf32>
      tpu.vector_store_idx %arg19[%shift_right_logical3A_304, %and3A_307], %convert_element_type3A_308 masked %unique3A_300 {add = true} : memref<80x128xf32, #tpu.memory_space<vmem>>[vector<16xi32>, vector<16xi32>], vector<16xf32>, vector<16xi1>
      %get3A_309 = arith.constant 32 : index
      %get3A_310 = tpu.vector_load %arg9[%get3A_309] {strides = array<i32>} : memref<128xi32, #tpu.memory_space<vmem>>, vector<16xi32>,
      %broadcast_in_dim3A_311 = arith.constant true
      %broadcast_in_dim3A_312 = vector.broadcast %broadcast_in_dim3A_311 : i1 to vector<16xi1>
      %unique3A_313, %unique3A_314 = tpu.scan_count mask(%broadcast_in_dim3A_312 : vector<16xi1>) value(%get3A_310 : vector<16xi32>) : vector<16xi1>, vector<16xi32>
      %shift_right_logical3A_315 = arith.constant 7 : i32
      %shift_right_logical3A_316 = vector.broadcast %shift_right_logical3A_315 : i32 to vector<16xi32>
      %shift_right_logical3A_317 = arith.shrui %get3A_310, %shift_right_logical3A_316 : vector<16xi32>
      %and3A_318 = arith.constant 127 : i32
      %and3A_319 = vector.broadcast %and3A_318 : i32 to vector<16xi32>
      %and3A_320 = arith.andi %get3A_310, %and3A_319 : vector<16xi32>
      %convert_element_type3A_321 = arith.sitofp %unique3A_314 : vector<16xi32> to vector<16xf32>
      tpu.vector_store_idx %arg19[%shift_right_logical3A_317, %and3A_320], %convert_element_type3A_321 masked %unique3A_313 {add = true} : memref<80x128xf32, #tpu.memory_space<vmem>>[vector<16xi32>, vector<16xi32>], vector<16xf32>, vector<16xi1>
      %get3A_322 = arith.constant 48 : index
      %get3A_323 = tpu.vector_load %arg9[%get3A_322] {strides = array<i32>} : memref<128xi32, #tpu.memory_space<vmem>>, vector<16xi32>,
      %broadcast_in_dim3A_324 = arith.constant true
      %broadcast_in_dim3A_325 = vector.broadcast %broadcast_in_dim3A_324 : i1 to vector<16xi1>
      %unique3A_326, %unique3A_327 = tpu.scan_count mask(%broadcast_in_dim3A_325 : vector<16xi1>) value(%get3A_323 : vector<16xi32>) : vector<16xi1>, vector<16xi32>
      %shift_right_logical3A_328 = arith.constant 7 : i32
      %shift_right_logical3A_329 = vector.broadcast %shift_right_logical3A_328 : i32 to vector<16xi32>
      %shift_right_logical3A_330 = arith.shrui %get3A_323, %shift_right_logical3A_329 : vector<16xi32>
      %and3A_331 = arith.constant 127 : i32
      %and3A_332 = vector.broadcast %and3A_331 : i32 to vector<16xi32>
      %and3A_333 = arith.andi %get3A_323, %and3A_332 : vector<16xi32>
      %convert_element_type3A_334 = arith.sitofp %unique3A_327 : vector<16xi32> to vector<16xf32>
      tpu.vector_store_idx %arg19[%shift_right_logical3A_330, %and3A_333], %convert_element_type3A_334 masked %unique3A_326 {add = true} : memref<80x128xf32, #tpu.memory_space<vmem>>[vector<16xi32>, vector<16xi32>], vector<16xf32>, vector<16xi1>
      %get3A_335 = arith.constant 64 : index
      %get3A_336 = tpu.vector_load %arg9[%get3A_335] {strides = array<i32>} : memref<128xi32, #tpu.memory_space<vmem>>, vector<16xi32>,
      %broadcast_in_dim3A_337 = arith.constant true
      %broadcast_in_dim3A_338 = vector.broadcast %broadcast_in_dim3A_337 : i1 to vector<16xi1>
      %unique3A_339, %unique3A_340 = tpu.scan_count mask(%broadcast_in_dim3A_338 : vector<16xi1>) value(%get3A_336 : vector<16xi32>) : vector<16xi1>, vector<16xi32>
      %shift_right_logical3A_341 = arith.constant 7 : i32
      %shift_right_logical3A_342 = vector.broadcast %shift_right_logical3A_341 : i32 to vector<16xi32>
      %shift_right_logical3A_343 = arith.shrui %get3A_336, %shift_right_logical3A_342 : vector<16xi32>
      %and3A_344 = arith.constant 127 : i32
      %and3A_345 = vector.broadcast %and3A_344 : i32 to vector<16xi32>
      %and3A_346 = arith.andi %get3A_336, %and3A_345 : vector<16xi32>
      %convert_element_type3A_347 = arith.sitofp %unique3A_340 : vector<16xi32> to vector<16xf32>
      tpu.vector_store_idx %arg19[%shift_right_logical3A_343, %and3A_346], %convert_element_type3A_347 masked %unique3A_339 {add = true} : memref<80x128xf32, #tpu.memory_space<vmem>>[vector<16xi32>, vector<16xi32>], vector<16xf32>, vector<16xi1>
      %get3A_348 = arith.constant 80 : index
      %get3A_349 = tpu.vector_load %arg9[%get3A_348] {strides = array<i32>} : memref<128xi32, #tpu.memory_space<vmem>>, vector<16xi32>,
      %broadcast_in_dim3A_350 = arith.constant true
      %broadcast_in_dim3A_351 = vector.broadcast %broadcast_in_dim3A_350 : i1 to vector<16xi1>
      %unique3A_352, %unique3A_353 = tpu.scan_count mask(%broadcast_in_dim3A_351 : vector<16xi1>) value(%get3A_349 : vector<16xi32>) : vector<16xi1>, vector<16xi32>
      %shift_right_logical3A_354 = arith.constant 7 : i32
      %shift_right_logical3A_355 = vector.broadcast %shift_right_logical3A_354 : i32 to vector<16xi32>
      %shift_right_logical3A_356 = arith.shrui %get3A_349, %shift_right_logical3A_355 : vector<16xi32>
      %and3A_357 = arith.constant 127 : i32
      %and3A_358 = vector.broadcast %and3A_357 : i32 to vector<16xi32>
      %and3A_359 = arith.andi %get3A_349, %and3A_358 : vector<16xi32>
      %convert_element_type3A_360 = arith.sitofp %unique3A_353 : vector<16xi32> to vector<16xf32>
      tpu.vector_store_idx %arg19[%shift_right_logical3A_356, %and3A_359], %convert_element_type3A_360 masked %unique3A_352 {add = true} : memref<80x128xf32, #tpu.memory_space<vmem>>[vector<16xi32>, vector<16xi32>], vector<16xf32>, vector<16xi1>
      %get3A_361 = arith.constant 96 : index
      %get3A_362 = tpu.vector_load %arg9[%get3A_361] {strides = array<i32>} : memref<128xi32, #tpu.memory_space<vmem>>, vector<16xi32>,
      %broadcast_in_dim3A_363 = arith.constant true
      %broadcast_in_dim3A_364 = vector.broadcast %broadcast_in_dim3A_363 : i1 to vector<16xi1>
      %unique3A_365, %unique3A_366 = tpu.scan_count mask(%broadcast_in_dim3A_364 : vector<16xi1>) value(%get3A_362 : vector<16xi32>) : vector<16xi1>, vector<16xi32>
      %shift_right_logical3A_367 = arith.constant 7 : i32
      %shift_right_logical3A_368 = vector.broadcast %shift_right_logical3A_367 : i32 to vector<16xi32>
      %shift_right_logical3A_369 = arith.shrui %get3A_362, %shift_right_logical3A_368 : vector<16xi32>
      %and3A_370 = arith.constant 127 : i32
      %and3A_371 = vector.broadcast %and3A_370 : i32 to vector<16xi32>
      %and3A_372 = arith.andi %get3A_362, %and3A_371 : vector<16xi32>
      %convert_element_type3A_373 = arith.sitofp %unique3A_366 : vector<16xi32> to vector<16xf32>
      tpu.vector_store_idx %arg19[%shift_right_logical3A_369, %and3A_372], %convert_element_type3A_373 masked %unique3A_365 {add = true} : memref<80x128xf32, #tpu.memory_space<vmem>>[vector<16xi32>, vector<16xi32>], vector<16xf32>, vector<16xi1>
      %get3A_374 = arith.constant 112 : index
      %get3A_375 = tpu.vector_load %arg9[%get3A_374] {strides = array<i32>} : memref<128xi32, #tpu.memory_space<vmem>>, vector<16xi32>,
      %broadcast_in_dim3A_376 = arith.constant true
      %broadcast_in_dim3A_377 = vector.broadcast %broadcast_in_dim3A_376 : i1 to vector<16xi1>
      %unique3A_378, %unique3A_379 = tpu.scan_count mask(%broadcast_in_dim3A_377 : vector<16xi1>) value(%get3A_375 : vector<16xi32>) : vector<16xi1>, vector<16xi32>
      %shift_right_logical3A_380 = arith.constant 7 : i32
      %shift_right_logical3A_381 = vector.broadcast %shift_right_logical3A_380 : i32 to vector<16xi32>
      %shift_right_logical3A_382 = arith.shrui %get3A_375, %shift_right_logical3A_381 : vector<16xi32>
      %and3A_383 = arith.constant 127 : i32
      %and3A_384 = vector.broadcast %and3A_383 : i32 to vector<16xi32>
      %and3A_385 = arith.andi %get3A_375, %and3A_384 : vector<16xi32>
      %convert_element_type3A_386 = arith.sitofp %unique3A_379 : vector<16xi32> to vector<16xf32>
      tpu.vector_store_idx %arg19[%shift_right_logical3A_382, %and3A_385], %convert_element_type3A_386 masked %unique3A_378 {add = true} : memref<80x128xf32, #tpu.memory_space<vmem>>[vector<16xi32>, vector<16xi32>], vector<16xf32>, vector<16xi1>
    }
    %scan3A_96 = arith.constant 39 : i32
    %dma_wait3A_97 = arith.constant 0 : i32
    %dma_wait3A_98 = arith.constant 0 : i32
    %dma_wait3A_99 = tpu.memref_slice %arg12[%dma_wait3A_97, %dma_wait3A_98] : memref<10000x128xf32, #tpu.memory_space<vmem_shared>> -> memref<10000x128xf32, #tpu.memory_space<vmem_shared>>
    tpu.wait_indirect_dma semaphore(%arg18 : memref<!tpu.dma_semaphore, #tpu.memory_space<semaphore_mem>>) src(%arg11 : memref<128x128xf32, #tpu.memory_space<vmem>>) dst(%dma_wait3A_99 : memref<10000x128xf32, #tpu.memory_space<vmem_shared>>)
    %gt3A = arith.constant 78 : i32
    %gt3A_100 = arith.cmpi sgt, %select_n3A, %gt3A : i32
    %convert_element_type3A_101 = arith.extui %gt3A_100 : i1 to i32
    %cond3A_102 = arith.constant 0 : i32
    %cond3A_103 = arith.cmpi ne, %convert_element_type3A_101, %cond3A_102 : i32
    scf.if %cond3A_103 {
      %dma_wait3A_120 = arith.constant 0 : i32
      %dma_wait3A_121 = arith.constant 0 : i32
      %dma_wait3A_122 = tpu.memref_slice %arg2[%dma_wait3A_120, %dma_wait3A_121] : memref<10000x128xf32, #tpu.memory_space<hbm>> -> memref<10000x128xf32, #tpu.memory_space<hbm>>
      tpu.wait_indirect_dma semaphore(%arg15 : memref<!tpu.dma_semaphore, #tpu.memory_space<semaphore_mem>>) src(%dma_wait3A_122 : memref<10000x128xf32, #tpu.memory_space<hbm>>) dst(%arg10 : memref<128x128xf32, #tpu.memory_space<vmem>>)
      "tpu.region"() ({
        %run_scoped3A = tpu.sem_alloc : memref<!tpu.dma_semaphore, #tpu.memory_space<semaphore_mem>>
        %dma_start3A_222 = arith.constant 0 : i32
        %dma_start3A_223 = arith.constant 0 : i32
        %dma_start3A_224 = tpu.memref_slice %arg12[%dma_start3A_222, %dma_start3A_223] : memref<10000x128xf32, #tpu.memory_space<vmem_shared>> -> memref<10000x128xf32, #tpu.memory_space<vmem_shared>>
        tpu.enqueue_indirect_dma source(%arg10 : memref<128x128xf32, #tpu.memory_space<vmem>>) target(%dma_start3A_224 : memref<10000x128xf32, #tpu.memory_space<vmem_shared>>) offsets(%arg8 : memref<128xi32, #tpu.memory_space<vmem>>) semaphore(%run_scoped3A : memref<!tpu.dma_semaphore, #tpu.memory_space<semaphore_mem>>) {add = true}
        %dma_wait3A_225 = arith.constant 0 : i32
        %dma_wait3A_226 = arith.constant 0 : i32
        %dma_wait3A_227 = tpu.memref_slice %arg12[%dma_wait3A_225, %dma_wait3A_226] : memref<10000x128xf32, #tpu.memory_space<vmem_shared>> -> memref<10000x128xf32, #tpu.memory_space<vmem_shared>>
        tpu.wait_indirect_dma semaphore(%run_scoped3A : memref<!tpu.dma_semaphore, #tpu.memory_space<semaphore_mem>>) src(%arg10 : memref<128x128xf32, #tpu.memory_space<vmem>>) dst(%dma_wait3A_227 : memref<10000x128xf32, #tpu.memory_space<vmem_shared>>)
        tpu.yield
      }) : () -> ()
      %get3A = arith.constant 0 : index
      %get3A_123 = tpu.vector_load %arg8[%get3A] {strides = array<i32>} : memref<128xi32, #tpu.memory_space<vmem>>, vector<16xi32>,
      %broadcast_in_dim3A = arith.constant true
      %broadcast_in_dim3A_124 = vector.broadcast %broadcast_in_dim3A : i1 to vector<16xi1>
      %unique3A, %unique3A_125 = tpu.scan_count mask(%broadcast_in_dim3A_124 : vector<16xi1>) value(%get3A_123 : vector<16xi32>) : vector<16xi1>, vector<16xi32>
      %shift_right_logical3A = arith.constant 7 : i32
      %shift_right_logical3A_126 = vector.broadcast %shift_right_logical3A : i32 to vector<16xi32>
      %shift_right_logical3A_127 = arith.shrui %get3A_123, %shift_right_logical3A_126 : vector<16xi32>
      %and3A = arith.constant 127 : i32
      %and3A_128 = vector.broadcast %and3A : i32 to vector<16xi32>
      %and3A_129 = arith.andi %get3A_123, %and3A_128 : vector<16xi32>
      %convert_element_type3A_130 = arith.sitofp %unique3A_125 : vector<16xi32> to vector<16xf32>
      tpu.vector_store_idx %arg19[%shift_right_logical3A_127, %and3A_129], %convert_element_type3A_130 masked %unique3A {add = true} : memref<80x128xf32, #tpu.memory_space<vmem>>[vector<16xi32>, vector<16xi32>], vector<16xf32>, vector<16xi1>
      %get3A_131 = arith.constant 16 : index
      %get3A_132 = tpu.vector_load %arg8[%get3A_131] {strides = array<i32>} : memref<128xi32, #tpu.memory_space<vmem>>, vector<16xi32>,
      %broadcast_in_dim3A_133 = arith.constant true
      %broadcast_in_dim3A_134 = vector.broadcast %broadcast_in_dim3A_133 : i1 to vector<16xi1>
      %unique3A_135, %unique3A_136 = tpu.scan_count mask(%broadcast_in_dim3A_134 : vector<16xi1>) value(%get3A_132 : vector<16xi32>) : vector<16xi1>, vector<16xi32>
      %shift_right_logical3A_137 = arith.constant 7 : i32
      %shift_right_logical3A_138 = vector.broadcast %shift_right_logical3A_137 : i32 to vector<16xi32>
      %shift_right_logical3A_139 = arith.shrui %get3A_132, %shift_right_logical3A_138 : vector<16xi32>
      %and3A_140 = arith.constant 127 : i32
      %and3A_141 = vector.broadcast %and3A_140 : i32 to vector<16xi32>
      %and3A_142 = arith.andi %get3A_132, %and3A_141 : vector<16xi32>
      %convert_element_type3A_143 = arith.sitofp %unique3A_136 : vector<16xi32> to vector<16xf32>
      tpu.vector_store_idx %arg19[%shift_right_logical3A_139, %and3A_142], %convert_element_type3A_143 masked %unique3A_135 {add = true} : memref<80x128xf32, #tpu.memory_space<vmem>>[vector<16xi32>, vector<16xi32>], vector<16xf32>, vector<16xi1>
      %get3A_144 = arith.constant 32 : index
      %get3A_145 = tpu.vector_load %arg8[%get3A_144] {strides = array<i32>} : memref<128xi32, #tpu.memory_space<vmem>>, vector<16xi32>,
      %broadcast_in_dim3A_146 = arith.constant true
      %broadcast_in_dim3A_147 = vector.broadcast %broadcast_in_dim3A_146 : i1 to vector<16xi1>
      %unique3A_148, %unique3A_149 = tpu.scan_count mask(%broadcast_in_dim3A_147 : vector<16xi1>) value(%get3A_145 : vector<16xi32>) : vector<16xi1>, vector<16xi32>
      %shift_right_logical3A_150 = arith.constant 7 : i32
      %shift_right_logical3A_151 = vector.broadcast %shift_right_logical3A_150 : i32 to vector<16xi32>
      %shift_right_logical3A_152 = arith.shrui %get3A_145, %shift_right_logical3A_151 : vector<16xi32>
      %and3A_153 = arith.constant 127 : i32
      %and3A_154 = vector.broadcast %and3A_153 : i32 to vector<16xi32>
      %and3A_155 = arith.andi %get3A_145, %and3A_154 : vector<16xi32>
      %convert_element_type3A_156 = arith.sitofp %unique3A_149 : vector<16xi32> to vector<16xf32>
      tpu.vector_store_idx %arg19[%shift_right_logical3A_152, %and3A_155], %convert_element_type3A_156 masked %unique3A_148 {add = true} : memref<80x128xf32, #tpu.memory_space<vmem>>[vector<16xi32>, vector<16xi32>], vector<16xf32>, vector<16xi1>
      %get3A_157 = arith.constant 48 : index
      %get3A_158 = tpu.vector_load %arg8[%get3A_157] {strides = array<i32>} : memref<128xi32, #tpu.memory_space<vmem>>, vector<16xi32>,
      %broadcast_in_dim3A_159 = arith.constant true
      %broadcast_in_dim3A_160 = vector.broadcast %broadcast_in_dim3A_159 : i1 to vector<16xi1>
      %unique3A_161, %unique3A_162 = tpu.scan_count mask(%broadcast_in_dim3A_160 : vector<16xi1>) value(%get3A_158 : vector<16xi32>) : vector<16xi1>, vector<16xi32>
      %shift_right_logical3A_163 = arith.constant 7 : i32
      %shift_right_logical3A_164 = vector.broadcast %shift_right_logical3A_163 : i32 to vector<16xi32>
      %shift_right_logical3A_165 = arith.shrui %get3A_158, %shift_right_logical3A_164 : vector<16xi32>
      %and3A_166 = arith.constant 127 : i32
      %and3A_167 = vector.broadcast %and3A_166 : i32 to vector<16xi32>
      %and3A_168 = arith.andi %get3A_158, %and3A_167 : vector<16xi32>
      %convert_element_type3A_169 = arith.sitofp %unique3A_162 : vector<16xi32> to vector<16xf32>
      tpu.vector_store_idx %arg19[%shift_right_logical3A_165, %and3A_168], %convert_element_type3A_169 masked %unique3A_161 {add = true} : memref<80x128xf32, #tpu.memory_space<vmem>>[vector<16xi32>, vector<16xi32>], vector<16xf32>, vector<16xi1>
      %get3A_170 = arith.constant 64 : index
      %get3A_171 = tpu.vector_load %arg8[%get3A_170] {strides = array<i32>} : memref<128xi32, #tpu.memory_space<vmem>>, vector<16xi32>,
      %broadcast_in_dim3A_172 = arith.constant true
      %broadcast_in_dim3A_173 = vector.broadcast %broadcast_in_dim3A_172 : i1 to vector<16xi1>
      %unique3A_174, %unique3A_175 = tpu.scan_count mask(%broadcast_in_dim3A_173 : vector<16xi1>) value(%get3A_171 : vector<16xi32>) : vector<16xi1>, vector<16xi32>
      %shift_right_logical3A_176 = arith.constant 7 : i32
      %shift_right_logical3A_177 = vector.broadcast %shift_right_logical3A_176 : i32 to vector<16xi32>
      %shift_right_logical3A_178 = arith.shrui %get3A_171, %shift_right_logical3A_177 : vector<16xi32>
      %and3A_179 = arith.constant 127 : i32
      %and3A_180 = vector.broadcast %and3A_179 : i32 to vector<16xi32>
      %and3A_181 = arith.andi %get3A_171, %and3A_180 : vector<16xi32>
      %convert_element_type3A_182 = arith.sitofp %unique3A_175 : vector<16xi32> to vector<16xf32>
      tpu.vector_store_idx %arg19[%shift_right_logical3A_178, %and3A_181], %convert_element_type3A_182 masked %unique3A_174 {add = true} : memref<80x128xf32, #tpu.memory_space<vmem>>[vector<16xi32>, vector<16xi32>], vector<16xf32>, vector<16xi1>
      %get3A_183 = arith.constant 80 : index
      %get3A_184 = tpu.vector_load %arg8[%get3A_183] {strides = array<i32>} : memref<128xi32, #tpu.memory_space<vmem>>, vector<16xi32>,
      %broadcast_in_dim3A_185 = arith.constant true
      %broadcast_in_dim3A_186 = vector.broadcast %broadcast_in_dim3A_185 : i1 to vector<16xi1>
      %unique3A_187, %unique3A_188 = tpu.scan_count mask(%broadcast_in_dim3A_186 : vector<16xi1>) value(%get3A_184 : vector<16xi32>) : vector<16xi1>, vector<16xi32>
      %shift_right_logical3A_189 = arith.constant 7 : i32
      %shift_right_logical3A_190 = vector.broadcast %shift_right_logical3A_189 : i32 to vector<16xi32>
      %shift_right_logical3A_191 = arith.shrui %get3A_184, %shift_right_logical3A_190 : vector<16xi32>
      %and3A_192 = arith.constant 127 : i32
      %and3A_193 = vector.broadcast %and3A_192 : i32 to vector<16xi32>
      %and3A_194 = arith.andi %get3A_184, %and3A_193 : vector<16xi32>
      %convert_element_type3A_195 = arith.sitofp %unique3A_188 : vector<16xi32> to vector<16xf32>
      tpu.vector_store_idx %arg19[%shift_right_logical3A_191, %and3A_194], %convert_element_type3A_195 masked %unique3A_187 {add = true} : memref<80x128xf32, #tpu.memory_space<vmem>>[vector<16xi32>, vector<16xi32>], vector<16xf32>, vector<16xi1>
      %get3A_196 = arith.constant 96 : index
      %get3A_197 = tpu.vector_load %arg8[%get3A_196] {strides = array<i32>} : memref<128xi32, #tpu.memory_space<vmem>>, vector<16xi32>,
      %broadcast_in_dim3A_198 = arith.constant true
      %broadcast_in_dim3A_199 = vector.broadcast %broadcast_in_dim3A_198 : i1 to vector<16xi1>
      %unique3A_200, %unique3A_201 = tpu.scan_count mask(%broadcast_in_dim3A_199 : vector<16xi1>) value(%get3A_197 : vector<16xi32>) : vector<16xi1>, vector<16xi32>
      %shift_right_logical3A_202 = arith.constant 7 : i32
      %shift_right_logical3A_203 = vector.broadcast %shift_right_logical3A_202 : i32 to vector<16xi32>
      %shift_right_logical3A_204 = arith.shrui %get3A_197, %shift_right_logical3A_203 : vector<16xi32>
      %and3A_205 = arith.constant 127 : i32
      %and3A_206 = vector.broadcast %and3A_205 : i32 to vector<16xi32>
      %and3A_207 = arith.andi %get3A_197, %and3A_206 : vector<16xi32>
      %convert_element_type3A_208 = arith.sitofp %unique3A_201 : vector<16xi32> to vector<16xf32>
      tpu.vector_store_idx %arg19[%shift_right_logical3A_204, %and3A_207], %convert_element_type3A_208 masked %unique3A_200 {add = true} : memref<80x128xf32, #tpu.memory_space<vmem>>[vector<16xi32>, vector<16xi32>], vector<16xf32>, vector<16xi1>
      %get3A_209 = arith.constant 112 : index
      %get3A_210 = tpu.vector_load %arg8[%get3A_209] {strides = array<i32>} : memref<128xi32, #tpu.memory_space<vmem>>, vector<16xi32>,
      %broadcast_in_dim3A_211 = arith.constant true
      %broadcast_in_dim3A_212 = vector.broadcast %broadcast_in_dim3A_211 : i1 to vector<16xi1>
      %unique3A_213, %unique3A_214 = tpu.scan_count mask(%broadcast_in_dim3A_212 : vector<16xi1>) value(%get3A_210 : vector<16xi32>) : vector<16xi1>, vector<16xi32>
      %shift_right_logical3A_215 = arith.constant 7 : i32
      %shift_right_logical3A_216 = vector.broadcast %shift_right_logical3A_215 : i32 to vector<16xi32>
      %shift_right_logical3A_217 = arith.shrui %get3A_210, %shift_right_logical3A_216 : vector<16xi32>
      %and3A_218 = arith.constant 127 : i32
      %and3A_219 = vector.broadcast %and3A_218 : i32 to vector<16xi32>
      %and3A_220 = arith.andi %get3A_210, %and3A_219 : vector<16xi32>
      %convert_element_type3A_221 = arith.sitofp %unique3A_214 : vector<16xi32> to vector<16xf32>
      tpu.vector_store_idx %arg19[%shift_right_logical3A_217, %and3A_220], %convert_element_type3A_221 masked %unique3A_213 {add = true} : memref<80x128xf32, #tpu.memory_space<vmem>>[vector<16xi32>, vector<16xi32>], vector<16xf32>, vector<16xi1>
    } else {
    }
    "tpu.region"() ({
      %run_scoped3A = tpu.sem_alloc : memref<!tpu.dma_semaphore, #tpu.memory_space<semaphore_mem>>
      %dma_start3A_120 = arith.constant 0 : i32
      %dma_start3A_121 = arith.constant 0 : i32
      %dma_start3A_122 = tpu.memref_slice %arg21[%dma_start3A_120, %dma_start3A_121] : memref<80x128xf32, #tpu.memory_space<vmem_shared>> -> memref<80x128xf32, #tpu.memory_space<vmem_shared>>
      tpu.enqueue_indirect_dma source(%arg19 : memref<80x128xf32, #tpu.memory_space<vmem>>) target(%dma_start3A_122 : memref<80x128xf32, #tpu.memory_space<vmem_shared>>) offsets(%arg20 : memref<80xi32, #tpu.memory_space<vmem>>) semaphore(%run_scoped3A : memref<!tpu.dma_semaphore, #tpu.memory_space<semaphore_mem>>) {add = true}
      %dma_wait3A_123 = arith.constant 0 : i32
      %dma_wait3A_124 = arith.constant 0 : i32
      %dma_wait3A_125 = tpu.memref_slice %arg21[%dma_wait3A_123, %dma_wait3A_124] : memref<80x128xf32, #tpu.memory_space<vmem_shared>> -> memref<80x128xf32, #tpu.memory_space<vmem_shared>>
      tpu.wait_indirect_dma semaphore(%run_scoped3A : memref<!tpu.dma_semaphore, #tpu.memory_space<semaphore_mem>>) src(%arg19 : memref<80x128xf32, #tpu.memory_space<vmem>>) dst(%dma_wait3A_125 : memref<80x128xf32, #tpu.memory_space<vmem_shared>>)
      tpu.yield
    }) : () -> ()
    %barrier3A_104 = arith.constant 0 : index
    tpu.barrier barrier_id(%barrier3A_104)
    %lt3A_105 = arith.constant 15 : i32
    %lt3A_106 = arith.cmpi slt, %arg1, %lt3A_105 : i32
    %convert_element_type3A_107 = arith.extui %lt3A_106 : i1 to i32
    %cond3A_108 = arith.constant 0 : i32
    %cond3A_109 = arith.cmpi ne, %convert_element_type3A_107, %cond3A_108 : i32
    scf.if %cond3A_109 {
      "tpu.region"() ({
        %run_scoped3A = tpu.sem_alloc : memref<!tpu.dma_semaphore, #tpu.memory_space<semaphore_mem>>
        %dma_start3A_120 = arith.constant 0 : i32
        %dma_start3A_121 = tpu.memref_slice %arg4[%arg0, %multiple_of3A, %dma_start3A_120] : memref<2x10000x128xf32, #tpu.memory_space<hbm>> -> memref<1x624x128xf32, #tpu.memory_space<hbm>>
        %dma_start3A_122 = tpu.memref_squeeze %dma_start3A_121 : memref<1x624x128xf32, #tpu.memory_space<hbm>> -> memref<624x128xf32, #tpu.memory_space<hbm>>
        %dma_start3A_123 = arith.constant 0 : i32
        %dma_start3A_124 = tpu.memref_slice %arg12[%multiple_of3A, %dma_start3A_123] : memref<10000x128xf32, #tpu.memory_space<vmem_shared>> -> memref<624x128xf32, #tpu.memory_space<vmem_shared>>
        tpu.enqueue_dma source(%dma_start3A_124 : memref<624x128xf32, #tpu.memory_space<vmem_shared>>) target(%dma_start3A_122 : memref<624x128xf32, #tpu.memory_space<hbm>>) target_semaphore(%run_scoped3A : memref<!tpu.dma_semaphore, #tpu.memory_space<semaphore_mem>>)
        %dma_wait3A_125 = arith.constant 0 : i32
        %dma_wait3A_126 = tpu.memref_slice %arg4[%arg0, %multiple_of3A, %dma_wait3A_125] : memref<2x10000x128xf32, #tpu.memory_space<hbm>> -> memref<1x624x128xf32, #tpu.memory_space<hbm>>
        %dma_wait3A_127 = tpu.memref_squeeze %dma_wait3A_126 : memref<1x624x128xf32, #tpu.memory_space<hbm>> -> memref<624x128xf32, #tpu.memory_space<hbm>>
        %dma_wait3A_128 = arith.constant 0 : i32
        %dma_wait3A_129 = tpu.memref_slice %arg12[%multiple_of3A, %dma_wait3A_128] : memref<10000x128xf32, #tpu.memory_space<vmem_shared>> -> memref<624x128xf32, #tpu.memory_space<vmem_shared>>
        tpu.wait_dma2 semaphore(%run_scoped3A : memref<!tpu.dma_semaphore, #tpu.memory_space<semaphore_mem>>) src(%dma_wait3A_129 : memref<624x128xf32, #tpu.memory_space<vmem_shared>>) dst(%dma_wait3A_127 : memref<624x128xf32, #tpu.memory_space<hbm>>)
        tpu.yield
      }) : () -> ()
    } else {
    }
    %eq3A_110 = arith.constant 15 : i32
    %eq3A_111 = arith.cmpi eq, %arg1, %eq3A_110 : i32
    %convert_element_type3A_112 = arith.extui %eq3A_111 : i1 to i32
    %cond3A_113 = arith.constant 0 : i32
    %cond3A_114 = arith.cmpi ne, %convert_element_type3A_112, %cond3A_113 : i32
    scf.if %cond3A_114 {
      "tpu.region"() ({
        %run_scoped3A = tpu.sem_alloc : memref<!tpu.dma_semaphore, #tpu.memory_space<semaphore_mem>>
        %dma_start3A_120 = arith.constant 9360 : i32
        %dma_start3A_121 = arith.constant 0 : i32
        %dma_start3A_122 = tpu.memref_slice %arg4[%arg0, %dma_start3A_120, %dma_start3A_121] : memref<2x10000x128xf32, #tpu.memory_space<hbm>> -> memref<1x640x128xf32, #tpu.memory_space<hbm>>
        %dma_start3A_123 = tpu.memref_squeeze %dma_start3A_122 : memref<1x640x128xf32, #tpu.memory_space<hbm>> -> memref<640x128xf32, #tpu.memory_space<hbm>>
        %dma_start3A_124 = arith.constant 9360 : i32
        %dma_start3A_125 = arith.constant 0 : i32
        %dma_start3A_126 = tpu.memref_slice %arg12[%dma_start3A_124, %dma_start3A_125] : memref<10000x128xf32, #tpu.memory_space<vmem_shared>> -> memref<640x128xf32, #tpu.memory_space<vmem_shared>>
        tpu.enqueue_dma source(%dma_start3A_126 : memref<640x128xf32, #tpu.memory_space<vmem_shared>>) target(%dma_start3A_123 : memref<640x128xf32, #tpu.memory_space<hbm>>) target_semaphore(%run_scoped3A : memref<!tpu.dma_semaphore, #tpu.memory_space<semaphore_mem>>)
        %dma_wait3A_127 = arith.constant 9360 : i32
        %dma_wait3A_128 = arith.constant 0 : i32
        %dma_wait3A_129 = tpu.memref_slice %arg4[%arg0, %dma_wait3A_127, %dma_wait3A_128] : memref<2x10000x128xf32, #tpu.memory_space<hbm>> -> memref<1x640x128xf32, #tpu.memory_space<hbm>>
        %dma_wait3A_130 = tpu.memref_squeeze %dma_wait3A_129 : memref<1x640x128xf32, #tpu.memory_space<hbm>> -> memref<640x128xf32, #tpu.memory_space<hbm>>
        %dma_wait3A_131 = arith.constant 9360 : i32
        %dma_wait3A_132 = arith.constant 0 : i32
        %dma_wait3A_133 = tpu.memref_slice %arg12[%dma_wait3A_131, %dma_wait3A_132] : memref<10000x128xf32, #tpu.memory_space<vmem_shared>> -> memref<640x128xf32, #tpu.memory_space<vmem_shared>>
        tpu.wait_dma2 semaphore(%run_scoped3A : memref<!tpu.dma_semaphore, #tpu.memory_space<semaphore_mem>>) src(%dma_wait3A_133 : memref<640x128xf32, #tpu.memory_space<vmem_shared>>) dst(%dma_wait3A_130 : memref<640x128xf32, #tpu.memory_space<hbm>>)
        tpu.yield
      }) : () -> ()
    } else {
    }
    %lt3A_115 = arith.constant 10 : i32
    %lt3A_116 = arith.cmpi slt, %arg1, %lt3A_115 : i32
    %convert_element_type3A_117 = arith.extui %lt3A_116 : i1 to i32
    %cond3A_118 = arith.constant 0 : i32
    %cond3A_119 = arith.cmpi ne, %convert_element_type3A_117, %cond3A_118 : i32
    scf.if %cond3A_119 {
      %mul3A_120 = arith.constant 8 : i32
      %mul3A_121 = arith.muli %arg1, %mul3A_120 : i32
      %multiple_of3A_122 = tpu.assume_multiple %mul3A_121, 8 : i32
      "tpu.region"() ({
        %run_scoped3A = tpu.sem_alloc : memref<!tpu.dma_semaphore, #tpu.memory_space<semaphore_mem>>
        %dma_start3A_123 = arith.constant 0 : i32
        %dma_start3A_124 = tpu.memref_slice %arg5[%arg0, %multiple_of3A_122, %dma_start3A_123] : memref<2x80x128xf32, #tpu.memory_space<hbm>> -> memref<1x8x128xf32, #tpu.memory_space<hbm>>
        %dma_start3A_125 = tpu.memref_squeeze %dma_start3A_124 : memref<1x8x128xf32, #tpu.memory_space<hbm>> -> memref<8x128xf32, #tpu.memory_space<hbm>>
        %dma_start3A_126 = arith.constant 0 : i32
        %dma_start3A_127 = tpu.memref_slice %arg21[%multiple_of3A_122, %dma_start3A_126] : memref<80x128xf32, #tpu.memory_space<vmem_shared>> -> memref<8x128xf32, #tpu.memory_space<vmem_shared>>
        tpu.enqueue_dma source(%dma_start3A_127 : memref<8x128xf32, #tpu.memory_space<vmem_shared>>) target(%dma_start3A_125 : memref<8x128xf32, #tpu.memory_space<hbm>>) target_semaphore(%run_scoped3A : memref<!tpu.dma_semaphore, #tpu.memory_space<semaphore_mem>>)
        %dma_wait3A_128 = arith.constant 0 : i32
        %dma_wait3A_129 = tpu.memref_slice %arg5[%arg0, %multiple_of3A_122, %dma_wait3A_128] : memref<2x80x128xf32, #tpu.memory_space<hbm>> -> memref<1x8x128xf32, #tpu.memory_space<hbm>>
        %dma_wait3A_130 = tpu.memref_squeeze %dma_wait3A_129 : memref<1x8x128xf32, #tpu.memory_space<hbm>> -> memref<8x128xf32, #tpu.memory_space<hbm>>
        %dma_wait3A_131 = arith.constant 0 : i32
        %dma_wait3A_132 = tpu.memref_slice %arg21[%multiple_of3A_122, %dma_wait3A_131] : memref<80x128xf32, #tpu.memory_space<vmem_shared>> -> memref<8x128xf32, #tpu.memory_space<vmem_shared>>
        tpu.wait_dma2 semaphore(%run_scoped3A : memref<!tpu.dma_semaphore, #tpu.memory_space<semaphore_mem>>) src(%dma_wait3A_132 : memref<8x128xf32, #tpu.memory_space<vmem_shared>>) dst(%dma_wait3A_130 : memref<8x128xf32, #tpu.memory_space<hbm>>)
        tpu.yield
      }) : () -> ()
    } else {
    }
    return
  }
}

#map = affine_map<(d0, d1) -> (0, 0)>
#map1 = affine_map<(d0, d1) -> (0, 0, 0)>
module attributes {stable_mosaic.version = 14 : i64} {
  func.func @agg(%arg0: i32, %arg1: i32, %arg2: memref<10000x128xf32, #tpu.memory_space<hbm>>, %arg3: memref<2x320000xi32, #tpu.memory_space<hbm>>, %arg4: memref<2x10000x128xf32, #tpu.memory_space<hbm>>, %arg5: memref<128xi32, #tpu.memory_space<vmem>>, %arg6: memref<128xi32, #tpu.memory_space<vmem>>, %arg7: memref<128xi32, #tpu.memory_space<vmem>>, %arg8: memref<128xi32, #tpu.memory_space<vmem>>, %arg9: memref<128x128xf32, #tpu.memory_space<vmem>>, %arg10: memref<128x128xf32, #tpu.memory_space<vmem>>, %arg11: memref<10000x128xf32, #tpu.memory_space<vmem_shared>>, %arg12: memref<!tpu.dma_semaphore, #tpu.memory_space<semaphore_mem>>, %arg13: memref<!tpu.dma_semaphore, #tpu.memory_space<semaphore_mem>>, %arg14: memref<!tpu.dma_semaphore, #tpu.memory_space<semaphore_mem>>, %arg15: memref<!tpu.dma_semaphore, #tpu.memory_space<semaphore_mem>>, %arg16: memref<!tpu.dma_semaphore, #tpu.memory_space<semaphore_mem>>, %arg17: memref<!tpu.dma_semaphore, #tpu.memory_space<semaphore_mem>>) attributes {dimension_semantics = [#tpu.dimension_semantics<core_parallel>, #tpu.dimension_semantics<subcore_parallel>], iteration_bounds = array<i64: 2, 16>, scalar_prefetch = 0 : i64, scratch_operands = 13 : i64, tpu.core_type = #tpu.core_type<sc_vector_subcore>, window_params = [{transform_indices = #map}, {transform_indices = #map}, {transform_indices = #map1}]} {
    %mul3A = arith.constant 2 : i32
    %mul3A_0 = arith.muli %arg1, %mul3A : i32
    %add3A = arith.addi %mul3A_0, %arg0 : i32
    %scan3A = arith.constant 0 : i32
    %scan3A_1 = arith.constant 0 : i32
    %scan3A_2 = arith.constant 128 : i32
    %scan3A_3 = arith.addi %scan3A_1, %scan3A_2 : i32
    %scan3A_4 = arith.constant 1 : i32
    scf.for %scan3A_76 = %scan3A_1 to %scan3A_3 step %scan3A_4  : i32 {
      %broadcast_in_dim3A = arith.constant 0.000000e+00 : f32
      %broadcast_in_dim3A_77 = vector.broadcast %broadcast_in_dim3A : f32 to vector<16xf32>
      %swap3A = arith.index_cast %scan3A_76 : i32 to index
      %swap3A_78 = arith.constant 0 : index
      %swap3A_79 = tpu.vector_load %arg9[%swap3A, %swap3A_78] {strides = array<i32>} : memref<128x128xf32, #tpu.memory_space<vmem>>, vector<16xf32>,
      tpu.vector_store %arg9[%swap3A, %swap3A_78], %broadcast_in_dim3A_77 {strides = array<i32>} : memref<128x128xf32, #tpu.memory_space<vmem>>, vector<16xf32>,
      %broadcast_in_dim3A_80 = arith.constant 0.000000e+00 : f32
      %broadcast_in_dim3A_81 = vector.broadcast %broadcast_in_dim3A_80 : f32 to vector<16xf32>
      %swap3A_82 = arith.index_cast %scan3A_76 : i32 to index
      %swap3A_83 = arith.constant 16 : index
      %swap3A_84 = tpu.vector_load %arg9[%swap3A_82, %swap3A_83] {strides = array<i32>} : memref<128x128xf32, #tpu.memory_space<vmem>>, vector<16xf32>,
      tpu.vector_store %arg9[%swap3A_82, %swap3A_83], %broadcast_in_dim3A_81 {strides = array<i32>} : memref<128x128xf32, #tpu.memory_space<vmem>>, vector<16xf32>,
      %broadcast_in_dim3A_85 = arith.constant 0.000000e+00 : f32
      %broadcast_in_dim3A_86 = vector.broadcast %broadcast_in_dim3A_85 : f32 to vector<16xf32>
      %swap3A_87 = arith.index_cast %scan3A_76 : i32 to index
      %swap3A_88 = arith.constant 32 : index
      %swap3A_89 = tpu.vector_load %arg9[%swap3A_87, %swap3A_88] {strides = array<i32>} : memref<128x128xf32, #tpu.memory_space<vmem>>, vector<16xf32>,
      tpu.vector_store %arg9[%swap3A_87, %swap3A_88], %broadcast_in_dim3A_86 {strides = array<i32>} : memref<128x128xf32, #tpu.memory_space<vmem>>, vector<16xf32>,
      %broadcast_in_dim3A_90 = arith.constant 0.000000e+00 : f32
      %broadcast_in_dim3A_91 = vector.broadcast %broadcast_in_dim3A_90 : f32 to vector<16xf32>
      %swap3A_92 = arith.index_cast %scan3A_76 : i32 to index
      %swap3A_93 = arith.constant 48 : index
      %swap3A_94 = tpu.vector_load %arg9[%swap3A_92, %swap3A_93] {strides = array<i32>} : memref<128x128xf32, #tpu.memory_space<vmem>>, vector<16xf32>,
      tpu.vector_store %arg9[%swap3A_92, %swap3A_93], %broadcast_in_dim3A_91 {strides = array<i32>} : memref<128x128xf32, #tpu.memory_space<vmem>>, vector<16xf32>,
      %broadcast_in_dim3A_95 = arith.constant 0.000000e+00 : f32
      %broadcast_in_dim3A_96 = vector.broadcast %broadcast_in_dim3A_95 : f32 to vector<16xf32>
      %swap3A_97 = arith.index_cast %scan3A_76 : i32 to index
      %swap3A_98 = arith.constant 64 : index
      %swap3A_99 = tpu.vector_load %arg9[%swap3A_97, %swap3A_98] {strides = array<i32>} : memref<128x128xf32, #tpu.memory_space<vmem>>, vector<16xf32>,
      tpu.vector_store %arg9[%swap3A_97, %swap3A_98], %broadcast_in_dim3A_96 {strides = array<i32>} : memref<128x128xf32, #tpu.memory_space<vmem>>, vector<16xf32>,
      %broadcast_in_dim3A_100 = arith.constant 0.000000e+00 : f32
      %broadcast_in_dim3A_101 = vector.broadcast %broadcast_in_dim3A_100 : f32 to vector<16xf32>
      %swap3A_102 = arith.index_cast %scan3A_76 : i32 to index
      %swap3A_103 = arith.constant 80 : index
      %swap3A_104 = tpu.vector_load %arg9[%swap3A_102, %swap3A_103] {strides = array<i32>} : memref<128x128xf32, #tpu.memory_space<vmem>>, vector<16xf32>,
      tpu.vector_store %arg9[%swap3A_102, %swap3A_103], %broadcast_in_dim3A_101 {strides = array<i32>} : memref<128x128xf32, #tpu.memory_space<vmem>>, vector<16xf32>,
      %broadcast_in_dim3A_105 = arith.constant 0.000000e+00 : f32
      %broadcast_in_dim3A_106 = vector.broadcast %broadcast_in_dim3A_105 : f32 to vector<16xf32>
      %swap3A_107 = arith.index_cast %scan3A_76 : i32 to index
      %swap3A_108 = arith.constant 96 : index
      %swap3A_109 = tpu.vector_load %arg9[%swap3A_107, %swap3A_108] {strides = array<i32>} : memref<128x128xf32, #tpu.memory_space<vmem>>, vector<16xf32>,
      tpu.vector_store %arg9[%swap3A_107, %swap3A_108], %broadcast_in_dim3A_106 {strides = array<i32>} : memref<128x128xf32, #tpu.memory_space<vmem>>, vector<16xf32>,
      %broadcast_in_dim3A_110 = arith.constant 0.000000e+00 : f32
      %broadcast_in_dim3A_111 = vector.broadcast %broadcast_in_dim3A_110 : f32 to vector<16xf32>
      %swap3A_112 = arith.index_cast %scan3A_76 : i32 to index
      %swap3A_113 = arith.constant 112 : index
      %swap3A_114 = tpu.vector_load %arg9[%swap3A_112, %swap3A_113] {strides = array<i32>} : memref<128x128xf32, #tpu.memory_space<vmem>>, vector<16xf32>,
      tpu.vector_store %arg9[%swap3A_112, %swap3A_113], %broadcast_in_dim3A_111 {strides = array<i32>} : memref<128x128xf32, #tpu.memory_space<vmem>>, vector<16xf32>,
    }
    %scan3A_5 = arith.constant 128 : i32
    %mul3A_6 = arith.constant 624 : i32
    %mul3A_7 = arith.muli %arg1, %mul3A_6 : i32
    %multiple_of3A = tpu.assume_multiple %mul3A_7, 8 : i32
    %lt3A = arith.constant 15 : i32
    %lt3A_8 = arith.cmpi slt, %arg1, %lt3A : i32
    %convert_element_type3A = arith.extui %lt3A_8 : i1 to i32
    %cond3A = arith.constant 0 : i32
    %cond3A_9 = arith.cmpi ne, %convert_element_type3A, %cond3A : i32
    scf.if %cond3A_9 {
      %add3A_76 = arith.constant 0 : i32
      %add3A_77 = arith.addi %multiple_of3A, %add3A_76 : i32
      "tpu.region"() ({
        %run_scoped3A = tpu.sem_alloc : memref<!tpu.dma_semaphore, #tpu.memory_space<semaphore_mem>>
        %dma_start3A_86 = arith.constant 0 : i32
        %dma_start3A_87 = arith.constant 0 : i32
        %dma_start3A_88 = tpu.memref_slice %arg9[%dma_start3A_86, %dma_start3A_87] : memref<128x128xf32, #tpu.memory_space<vmem>> -> memref<128x128xf32, #tpu.memory_space<vmem>>
        %dma_start3A_89 = arith.constant 0 : i32
        %dma_start3A_90 = tpu.memref_slice %arg11[%add3A_77, %dma_start3A_89] : memref<10000x128xf32, #tpu.memory_space<vmem_shared>> -> memref<128x128xf32, #tpu.memory_space<vmem_shared>>
        %dma_start3A_91 = arith.constant 0 : i32
        %dma_start3A_92 = tpu.memref_slice %arg11[%add3A_77, %dma_start3A_91] : memref<10000x128xf32, #tpu.memory_space<vmem_shared>> -> memref<128x128xf32, #tpu.memory_space<vmem_shared>>
        %dma_start3A_93 = arith.constant 0 : i32
        %dma_start3A_94 = arith.constant 0 : i32
        %dma_start3A_95 = tpu.memref_slice %arg9[%dma_start3A_93, %dma_start3A_94] : memref<128x128xf32, #tpu.memory_space<vmem>> -> memref<128x128xf32, #tpu.memory_space<vmem>>
        tpu.enqueue_dma source(%dma_start3A_95 : memref<128x128xf32, #tpu.memory_space<vmem>>) target(%dma_start3A_92 : memref<128x128xf32, #tpu.memory_space<vmem_shared>>) target_semaphore(%run_scoped3A : memref<!tpu.dma_semaphore, #tpu.memory_space<semaphore_mem>>)
        %dma_wait3A_96 = arith.constant 0 : i32
        %dma_wait3A_97 = arith.constant 0 : i32
        %dma_wait3A_98 = tpu.memref_slice %arg9[%dma_wait3A_96, %dma_wait3A_97] : memref<128x128xf32, #tpu.memory_space<vmem>> -> memref<128x128xf32, #tpu.memory_space<vmem>>
        %dma_wait3A_99 = arith.constant 0 : i32
        %dma_wait3A_100 = tpu.memref_slice %arg11[%add3A_77, %dma_wait3A_99] : memref<10000x128xf32, #tpu.memory_space<vmem_shared>> -> memref<128x128xf32, #tpu.memory_space<vmem_shared>>
        %dma_wait3A_101 = arith.constant 0 : i32
        %dma_wait3A_102 = tpu.memref_slice %arg11[%add3A_77, %dma_wait3A_101] : memref<10000x128xf32, #tpu.memory_space<vmem_shared>> -> memref<128x128xf32, #tpu.memory_space<vmem_shared>>
        %dma_wait3A_103 = arith.constant 0 : i32
        %dma_wait3A_104 = arith.constant 0 : i32
        %dma_wait3A_105 = tpu.memref_slice %arg9[%dma_wait3A_103, %dma_wait3A_104] : memref<128x128xf32, #tpu.memory_space<vmem>> -> memref<128x128xf32, #tpu.memory_space<vmem>>
        tpu.wait_dma2 semaphore(%run_scoped3A : memref<!tpu.dma_semaphore, #tpu.memory_space<semaphore_mem>>) src(%dma_wait3A_105 : memref<128x128xf32, #tpu.memory_space<vmem>>) dst(%dma_wait3A_102 : memref<128x128xf32, #tpu.memory_space<vmem_shared>>)
        tpu.yield
      }) : () -> ()
      %add3A_78 = arith.constant 128 : i32
      %add3A_79 = arith.addi %multiple_of3A, %add3A_78 : i32
      "tpu.region"() ({
        %run_scoped3A = tpu.sem_alloc : memref<!tpu.dma_semaphore, #tpu.memory_space<semaphore_mem>>
        %dma_start3A_86 = arith.constant 0 : i32
        %dma_start3A_87 = arith.constant 0 : i32
        %dma_start3A_88 = tpu.memref_slice %arg9[%dma_start3A_86, %dma_start3A_87] : memref<128x128xf32, #tpu.memory_space<vmem>> -> memref<128x128xf32, #tpu.memory_space<vmem>>
        %dma_start3A_89 = arith.constant 0 : i32
        %dma_start3A_90 = tpu.memref_slice %arg11[%add3A_79, %dma_start3A_89] : memref<10000x128xf32, #tpu.memory_space<vmem_shared>> -> memref<128x128xf32, #tpu.memory_space<vmem_shared>>
        %dma_start3A_91 = arith.constant 0 : i32
        %dma_start3A_92 = tpu.memref_slice %arg11[%add3A_79, %dma_start3A_91] : memref<10000x128xf32, #tpu.memory_space<vmem_shared>> -> memref<128x128xf32, #tpu.memory_space<vmem_shared>>
        %dma_start3A_93 = arith.constant 0 : i32
        %dma_start3A_94 = arith.constant 0 : i32
        %dma_start3A_95 = tpu.memref_slice %arg9[%dma_start3A_93, %dma_start3A_94] : memref<128x128xf32, #tpu.memory_space<vmem>> -> memref<128x128xf32, #tpu.memory_space<vmem>>
        tpu.enqueue_dma source(%dma_start3A_95 : memref<128x128xf32, #tpu.memory_space<vmem>>) target(%dma_start3A_92 : memref<128x128xf32, #tpu.memory_space<vmem_shared>>) target_semaphore(%run_scoped3A : memref<!tpu.dma_semaphore, #tpu.memory_space<semaphore_mem>>)
        %dma_wait3A_96 = arith.constant 0 : i32
        %dma_wait3A_97 = arith.constant 0 : i32
        %dma_wait3A_98 = tpu.memref_slice %arg9[%dma_wait3A_96, %dma_wait3A_97] : memref<128x128xf32, #tpu.memory_space<vmem>> -> memref<128x128xf32, #tpu.memory_space<vmem>>
        %dma_wait3A_99 = arith.constant 0 : i32
        %dma_wait3A_100 = tpu.memref_slice %arg11[%add3A_79, %dma_wait3A_99] : memref<10000x128xf32, #tpu.memory_space<vmem_shared>> -> memref<128x128xf32, #tpu.memory_space<vmem_shared>>
        %dma_wait3A_101 = arith.constant 0 : i32
        %dma_wait3A_102 = tpu.memref_slice %arg11[%add3A_79, %dma_wait3A_101] : memref<10000x128xf32, #tpu.memory_space<vmem_shared>> -> memref<128x128xf32, #tpu.memory_space<vmem_shared>>
        %dma_wait3A_103 = arith.constant 0 : i32
        %dma_wait3A_104 = arith.constant 0 : i32
        %dma_wait3A_105 = tpu.memref_slice %arg9[%dma_wait3A_103, %dma_wait3A_104] : memref<128x128xf32, #tpu.memory_space<vmem>> -> memref<128x128xf32, #tpu.memory_space<vmem>>
        tpu.wait_dma2 semaphore(%run_scoped3A : memref<!tpu.dma_semaphore, #tpu.memory_space<semaphore_mem>>) src(%dma_wait3A_105 : memref<128x128xf32, #tpu.memory_space<vmem>>) dst(%dma_wait3A_102 : memref<128x128xf32, #tpu.memory_space<vmem_shared>>)
        tpu.yield
      }) : () -> ()
      %add3A_80 = arith.constant 256 : i32
      %add3A_81 = arith.addi %multiple_of3A, %add3A_80 : i32
      "tpu.region"() ({
        %run_scoped3A = tpu.sem_alloc : memref<!tpu.dma_semaphore, #tpu.memory_space<semaphore_mem>>
        %dma_start3A_86 = arith.constant 0 : i32
        %dma_start3A_87 = arith.constant 0 : i32
        %dma_start3A_88 = tpu.memref_slice %arg9[%dma_start3A_86, %dma_start3A_87] : memref<128x128xf32, #tpu.memory_space<vmem>> -> memref<128x128xf32, #tpu.memory_space<vmem>>
        %dma_start3A_89 = arith.constant 0 : i32
        %dma_start3A_90 = tpu.memref_slice %arg11[%add3A_81, %dma_start3A_89] : memref<10000x128xf32, #tpu.memory_space<vmem_shared>> -> memref<128x128xf32, #tpu.memory_space<vmem_shared>>
        %dma_start3A_91 = arith.constant 0 : i32
        %dma_start3A_92 = tpu.memref_slice %arg11[%add3A_81, %dma_start3A_91] : memref<10000x128xf32, #tpu.memory_space<vmem_shared>> -> memref<128x128xf32, #tpu.memory_space<vmem_shared>>
        %dma_start3A_93 = arith.constant 0 : i32
        %dma_start3A_94 = arith.constant 0 : i32
        %dma_start3A_95 = tpu.memref_slice %arg9[%dma_start3A_93, %dma_start3A_94] : memref<128x128xf32, #tpu.memory_space<vmem>> -> memref<128x128xf32, #tpu.memory_space<vmem>>
        tpu.enqueue_dma source(%dma_start3A_95 : memref<128x128xf32, #tpu.memory_space<vmem>>) target(%dma_start3A_92 : memref<128x128xf32, #tpu.memory_space<vmem_shared>>) target_semaphore(%run_scoped3A : memref<!tpu.dma_semaphore, #tpu.memory_space<semaphore_mem>>)
        %dma_wait3A_96 = arith.constant 0 : i32
        %dma_wait3A_97 = arith.constant 0 : i32
        %dma_wait3A_98 = tpu.memref_slice %arg9[%dma_wait3A_96, %dma_wait3A_97] : memref<128x128xf32, #tpu.memory_space<vmem>> -> memref<128x128xf32, #tpu.memory_space<vmem>>
        %dma_wait3A_99 = arith.constant 0 : i32
        %dma_wait3A_100 = tpu.memref_slice %arg11[%add3A_81, %dma_wait3A_99] : memref<10000x128xf32, #tpu.memory_space<vmem_shared>> -> memref<128x128xf32, #tpu.memory_space<vmem_shared>>
        %dma_wait3A_101 = arith.constant 0 : i32
        %dma_wait3A_102 = tpu.memref_slice %arg11[%add3A_81, %dma_wait3A_101] : memref<10000x128xf32, #tpu.memory_space<vmem_shared>> -> memref<128x128xf32, #tpu.memory_space<vmem_shared>>
        %dma_wait3A_103 = arith.constant 0 : i32
        %dma_wait3A_104 = arith.constant 0 : i32
        %dma_wait3A_105 = tpu.memref_slice %arg9[%dma_wait3A_103, %dma_wait3A_104] : memref<128x128xf32, #tpu.memory_space<vmem>> -> memref<128x128xf32, #tpu.memory_space<vmem>>
        tpu.wait_dma2 semaphore(%run_scoped3A : memref<!tpu.dma_semaphore, #tpu.memory_space<semaphore_mem>>) src(%dma_wait3A_105 : memref<128x128xf32, #tpu.memory_space<vmem>>) dst(%dma_wait3A_102 : memref<128x128xf32, #tpu.memory_space<vmem_shared>>)
        tpu.yield
      }) : () -> ()
      %add3A_82 = arith.constant 384 : i32
      %add3A_83 = arith.addi %multiple_of3A, %add3A_82 : i32
      "tpu.region"() ({
        %run_scoped3A = tpu.sem_alloc : memref<!tpu.dma_semaphore, #tpu.memory_space<semaphore_mem>>
        %dma_start3A_86 = arith.constant 0 : i32
        %dma_start3A_87 = arith.constant 0 : i32
        %dma_start3A_88 = tpu.memref_slice %arg9[%dma_start3A_86, %dma_start3A_87] : memref<128x128xf32, #tpu.memory_space<vmem>> -> memref<128x128xf32, #tpu.memory_space<vmem>>
        %dma_start3A_89 = arith.constant 0 : i32
        %dma_start3A_90 = tpu.memref_slice %arg11[%add3A_83, %dma_start3A_89] : memref<10000x128xf32, #tpu.memory_space<vmem_shared>> -> memref<128x128xf32, #tpu.memory_space<vmem_shared>>
        %dma_start3A_91 = arith.constant 0 : i32
        %dma_start3A_92 = tpu.memref_slice %arg11[%add3A_83, %dma_start3A_91] : memref<10000x128xf32, #tpu.memory_space<vmem_shared>> -> memref<128x128xf32, #tpu.memory_space<vmem_shared>>
        %dma_start3A_93 = arith.constant 0 : i32
        %dma_start3A_94 = arith.constant 0 : i32
        %dma_start3A_95 = tpu.memref_slice %arg9[%dma_start3A_93, %dma_start3A_94] : memref<128x128xf32, #tpu.memory_space<vmem>> -> memref<128x128xf32, #tpu.memory_space<vmem>>
        tpu.enqueue_dma source(%dma_start3A_95 : memref<128x128xf32, #tpu.memory_space<vmem>>) target(%dma_start3A_92 : memref<128x128xf32, #tpu.memory_space<vmem_shared>>) target_semaphore(%run_scoped3A : memref<!tpu.dma_semaphore, #tpu.memory_space<semaphore_mem>>)
        %dma_wait3A_96 = arith.constant 0 : i32
        %dma_wait3A_97 = arith.constant 0 : i32
        %dma_wait3A_98 = tpu.memref_slice %arg9[%dma_wait3A_96, %dma_wait3A_97] : memref<128x128xf32, #tpu.memory_space<vmem>> -> memref<128x128xf32, #tpu.memory_space<vmem>>
        %dma_wait3A_99 = arith.constant 0 : i32
        %dma_wait3A_100 = tpu.memref_slice %arg11[%add3A_83, %dma_wait3A_99] : memref<10000x128xf32, #tpu.memory_space<vmem_shared>> -> memref<128x128xf32, #tpu.memory_space<vmem_shared>>
        %dma_wait3A_101 = arith.constant 0 : i32
        %dma_wait3A_102 = tpu.memref_slice %arg11[%add3A_83, %dma_wait3A_101] : memref<10000x128xf32, #tpu.memory_space<vmem_shared>> -> memref<128x128xf32, #tpu.memory_space<vmem_shared>>
        %dma_wait3A_103 = arith.constant 0 : i32
        %dma_wait3A_104 = arith.constant 0 : i32
        %dma_wait3A_105 = tpu.memref_slice %arg9[%dma_wait3A_103, %dma_wait3A_104] : memref<128x128xf32, #tpu.memory_space<vmem>> -> memref<128x128xf32, #tpu.memory_space<vmem>>
        tpu.wait_dma2 semaphore(%run_scoped3A : memref<!tpu.dma_semaphore, #tpu.memory_space<semaphore_mem>>) src(%dma_wait3A_105 : memref<128x128xf32, #tpu.memory_space<vmem>>) dst(%dma_wait3A_102 : memref<128x128xf32, #tpu.memory_space<vmem_shared>>)
        tpu.yield
      }) : () -> ()
      %add3A_84 = arith.constant 512 : i32
      %add3A_85 = arith.addi %multiple_of3A, %add3A_84 : i32
      "tpu.region"() ({
        %run_scoped3A = tpu.sem_alloc : memref<!tpu.dma_semaphore, #tpu.memory_space<semaphore_mem>>
        %dma_start3A_86 = arith.constant 0 : i32
        %dma_start3A_87 = arith.constant 0 : i32
        %dma_start3A_88 = tpu.memref_slice %arg9[%dma_start3A_86, %dma_start3A_87] : memref<128x128xf32, #tpu.memory_space<vmem>> -> memref<112x128xf32, #tpu.memory_space<vmem>>
        %dma_start3A_89 = arith.constant 0 : i32
        %dma_start3A_90 = tpu.memref_slice %arg11[%add3A_85, %dma_start3A_89] : memref<10000x128xf32, #tpu.memory_space<vmem_shared>> -> memref<112x128xf32, #tpu.memory_space<vmem_shared>>
        %dma_start3A_91 = arith.constant 0 : i32
        %dma_start3A_92 = tpu.memref_slice %arg11[%add3A_85, %dma_start3A_91] : memref<10000x128xf32, #tpu.memory_space<vmem_shared>> -> memref<112x128xf32, #tpu.memory_space<vmem_shared>>
        %dma_start3A_93 = arith.constant 0 : i32
        %dma_start3A_94 = arith.constant 0 : i32
        %dma_start3A_95 = tpu.memref_slice %arg9[%dma_start3A_93, %dma_start3A_94] : memref<128x128xf32, #tpu.memory_space<vmem>> -> memref<112x128xf32, #tpu.memory_space<vmem>>
        tpu.enqueue_dma source(%dma_start3A_95 : memref<112x128xf32, #tpu.memory_space<vmem>>) target(%dma_start3A_92 : memref<112x128xf32, #tpu.memory_space<vmem_shared>>) target_semaphore(%run_scoped3A : memref<!tpu.dma_semaphore, #tpu.memory_space<semaphore_mem>>)
        %dma_wait3A_96 = arith.constant 0 : i32
        %dma_wait3A_97 = arith.constant 0 : i32
        %dma_wait3A_98 = tpu.memref_slice %arg9[%dma_wait3A_96, %dma_wait3A_97] : memref<128x128xf32, #tpu.memory_space<vmem>> -> memref<112x128xf32, #tpu.memory_space<vmem>>
        %dma_wait3A_99 = arith.constant 0 : i32
        %dma_wait3A_100 = tpu.memref_slice %arg11[%add3A_85, %dma_wait3A_99] : memref<10000x128xf32, #tpu.memory_space<vmem_shared>> -> memref<112x128xf32, #tpu.memory_space<vmem_shared>>
        %dma_wait3A_101 = arith.constant 0 : i32
        %dma_wait3A_102 = tpu.memref_slice %arg11[%add3A_85, %dma_wait3A_101] : memref<10000x128xf32, #tpu.memory_space<vmem_shared>> -> memref<112x128xf32, #tpu.memory_space<vmem_shared>>
        %dma_wait3A_103 = arith.constant 0 : i32
        %dma_wait3A_104 = arith.constant 0 : i32
        %dma_wait3A_105 = tpu.memref_slice %arg9[%dma_wait3A_103, %dma_wait3A_104] : memref<128x128xf32, #tpu.memory_space<vmem>> -> memref<112x128xf32, #tpu.memory_space<vmem>>
        tpu.wait_dma2 semaphore(%run_scoped3A : memref<!tpu.dma_semaphore, #tpu.memory_space<semaphore_mem>>) src(%dma_wait3A_105 : memref<112x128xf32, #tpu.memory_space<vmem>>) dst(%dma_wait3A_102 : memref<112x128xf32, #tpu.memory_space<vmem_shared>>)
        tpu.yield
      }) : () -> ()
    } else {
    }
    %eq3A = arith.constant 15 : i32
    %eq3A_10 = arith.cmpi eq, %arg1, %eq3A : i32
    %convert_element_type3A_11 = arith.extui %eq3A_10 : i1 to i32
    %cond3A_12 = arith.constant 0 : i32
    %cond3A_13 = arith.cmpi ne, %convert_element_type3A_11, %cond3A_12 : i32
    scf.if %cond3A_13 {
      "tpu.region"() ({
        %run_scoped3A = tpu.sem_alloc : memref<!tpu.dma_semaphore, #tpu.memory_space<semaphore_mem>>
        %dma_start3A_76 = arith.constant 0 : i32
        %dma_start3A_77 = arith.constant 0 : i32
        %dma_start3A_78 = tpu.memref_slice %arg9[%dma_start3A_76, %dma_start3A_77] : memref<128x128xf32, #tpu.memory_space<vmem>> -> memref<128x128xf32, #tpu.memory_space<vmem>>
        %dma_start3A_79 = arith.constant 9360 : i32
        %dma_start3A_80 = arith.constant 0 : i32
        %dma_start3A_81 = tpu.memref_slice %arg11[%dma_start3A_79, %dma_start3A_80] : memref<10000x128xf32, #tpu.memory_space<vmem_shared>> -> memref<128x128xf32, #tpu.memory_space<vmem_shared>>
        %dma_start3A_82 = arith.constant 9360 : i32
        %dma_start3A_83 = arith.constant 0 : i32
        %dma_start3A_84 = tpu.memref_slice %arg11[%dma_start3A_82, %dma_start3A_83] : memref<10000x128xf32, #tpu.memory_space<vmem_shared>> -> memref<128x128xf32, #tpu.memory_space<vmem_shared>>
        %dma_start3A_85 = arith.constant 0 : i32
        %dma_start3A_86 = arith.constant 0 : i32
        %dma_start3A_87 = tpu.memref_slice %arg9[%dma_start3A_85, %dma_start3A_86] : memref<128x128xf32, #tpu.memory_space<vmem>> -> memref<128x128xf32, #tpu.memory_space<vmem>>
        tpu.enqueue_dma source(%dma_start3A_87 : memref<128x128xf32, #tpu.memory_space<vmem>>) target(%dma_start3A_84 : memref<128x128xf32, #tpu.memory_space<vmem_shared>>) target_semaphore(%run_scoped3A : memref<!tpu.dma_semaphore, #tpu.memory_space<semaphore_mem>>)
        %dma_wait3A_88 = arith.constant 0 : i32
        %dma_wait3A_89 = arith.constant 0 : i32
        %dma_wait3A_90 = tpu.memref_slice %arg9[%dma_wait3A_88, %dma_wait3A_89] : memref<128x128xf32, #tpu.memory_space<vmem>> -> memref<128x128xf32, #tpu.memory_space<vmem>>
        %dma_wait3A_91 = arith.constant 9360 : i32
        %dma_wait3A_92 = arith.constant 0 : i32
        %dma_wait3A_93 = tpu.memref_slice %arg11[%dma_wait3A_91, %dma_wait3A_92] : memref<10000x128xf32, #tpu.memory_space<vmem_shared>> -> memref<128x128xf32, #tpu.memory_space<vmem_shared>>
        %dma_wait3A_94 = arith.constant 9360 : i32
        %dma_wait3A_95 = arith.constant 0 : i32
        %dma_wait3A_96 = tpu.memref_slice %arg11[%dma_wait3A_94, %dma_wait3A_95] : memref<10000x128xf32, #tpu.memory_space<vmem_shared>> -> memref<128x128xf32, #tpu.memory_space<vmem_shared>>
        %dma_wait3A_97 = arith.constant 0 : i32
        %dma_wait3A_98 = arith.constant 0 : i32
        %dma_wait3A_99 = tpu.memref_slice %arg9[%dma_wait3A_97, %dma_wait3A_98] : memref<128x128xf32, #tpu.memory_space<vmem>> -> memref<128x128xf32, #tpu.memory_space<vmem>>
        tpu.wait_dma2 semaphore(%run_scoped3A : memref<!tpu.dma_semaphore, #tpu.memory_space<semaphore_mem>>) src(%dma_wait3A_99 : memref<128x128xf32, #tpu.memory_space<vmem>>) dst(%dma_wait3A_96 : memref<128x128xf32, #tpu.memory_space<vmem_shared>>)
        tpu.yield
      }) : () -> ()
      "tpu.region"() ({
        %run_scoped3A = tpu.sem_alloc : memref<!tpu.dma_semaphore, #tpu.memory_space<semaphore_mem>>
        %dma_start3A_76 = arith.constant 0 : i32
        %dma_start3A_77 = arith.constant 0 : i32
        %dma_start3A_78 = tpu.memref_slice %arg9[%dma_start3A_76, %dma_start3A_77] : memref<128x128xf32, #tpu.memory_space<vmem>> -> memref<128x128xf32, #tpu.memory_space<vmem>>
        %dma_start3A_79 = arith.constant 9488 : i32
        %dma_start3A_80 = arith.constant 0 : i32
        %dma_start3A_81 = tpu.memref_slice %arg11[%dma_start3A_79, %dma_start3A_80] : memref<10000x128xf32, #tpu.memory_space<vmem_shared>> -> memref<128x128xf32, #tpu.memory_space<vmem_shared>>
        %dma_start3A_82 = arith.constant 9488 : i32
        %dma_start3A_83 = arith.constant 0 : i32
        %dma_start3A_84 = tpu.memref_slice %arg11[%dma_start3A_82, %dma_start3A_83] : memref<10000x128xf32, #tpu.memory_space<vmem_shared>> -> memref<128x128xf32, #tpu.memory_space<vmem_shared>>
        %dma_start3A_85 = arith.constant 0 : i32
        %dma_start3A_86 = arith.constant 0 : i32
        %dma_start3A_87 = tpu.memref_slice %arg9[%dma_start3A_85, %dma_start3A_86] : memref<128x128xf32, #tpu.memory_space<vmem>> -> memref<128x128xf32, #tpu.memory_space<vmem>>
        tpu.enqueue_dma source(%dma_start3A_87 : memref<128x128xf32, #tpu.memory_space<vmem>>) target(%dma_start3A_84 : memref<128x128xf32, #tpu.memory_space<vmem_shared>>) target_semaphore(%run_scoped3A : memref<!tpu.dma_semaphore, #tpu.memory_space<semaphore_mem>>)
        %dma_wait3A_88 = arith.constant 0 : i32
        %dma_wait3A_89 = arith.constant 0 : i32
        %dma_wait3A_90 = tpu.memref_slice %arg9[%dma_wait3A_88, %dma_wait3A_89] : memref<128x128xf32, #tpu.memory_space<vmem>> -> memref<128x128xf32, #tpu.memory_space<vmem>>
        %dma_wait3A_91 = arith.constant 9488 : i32
        %dma_wait3A_92 = arith.constant 0 : i32
        %dma_wait3A_93 = tpu.memref_slice %arg11[%dma_wait3A_91, %dma_wait3A_92] : memref<10000x128xf32, #tpu.memory_space<vmem_shared>> -> memref<128x128xf32, #tpu.memory_space<vmem_shared>>
        %dma_wait3A_94 = arith.constant 9488 : i32
        %dma_wait3A_95 = arith.constant 0 : i32
        %dma_wait3A_96 = tpu.memref_slice %arg11[%dma_wait3A_94, %dma_wait3A_95] : memref<10000x128xf32, #tpu.memory_space<vmem_shared>> -> memref<128x128xf32, #tpu.memory_space<vmem_shared>>
        %dma_wait3A_97 = arith.constant 0 : i32
        %dma_wait3A_98 = arith.constant 0 : i32
        %dma_wait3A_99 = tpu.memref_slice %arg9[%dma_wait3A_97, %dma_wait3A_98] : memref<128x128xf32, #tpu.memory_space<vmem>> -> memref<128x128xf32, #tpu.memory_space<vmem>>
        tpu.wait_dma2 semaphore(%run_scoped3A : memref<!tpu.dma_semaphore, #tpu.memory_space<semaphore_mem>>) src(%dma_wait3A_99 : memref<128x128xf32, #tpu.memory_space<vmem>>) dst(%dma_wait3A_96 : memref<128x128xf32, #tpu.memory_space<vmem_shared>>)
        tpu.yield
      }) : () -> ()
      "tpu.region"() ({
        %run_scoped3A = tpu.sem_alloc : memref<!tpu.dma_semaphore, #tpu.memory_space<semaphore_mem>>
        %dma_start3A_76 = arith.constant 0 : i32
        %dma_start3A_77 = arith.constant 0 : i32
        %dma_start3A_78 = tpu.memref_slice %arg9[%dma_start3A_76, %dma_start3A_77] : memref<128x128xf32, #tpu.memory_space<vmem>> -> memref<128x128xf32, #tpu.memory_space<vmem>>
        %dma_start3A_79 = arith.constant 9616 : i32
        %dma_start3A_80 = arith.constant 0 : i32
        %dma_start3A_81 = tpu.memref_slice %arg11[%dma_start3A_79, %dma_start3A_80] : memref<10000x128xf32, #tpu.memory_space<vmem_shared>> -> memref<128x128xf32, #tpu.memory_space<vmem_shared>>
        %dma_start3A_82 = arith.constant 9616 : i32
        %dma_start3A_83 = arith.constant 0 : i32
        %dma_start3A_84 = tpu.memref_slice %arg11[%dma_start3A_82, %dma_start3A_83] : memref<10000x128xf32, #tpu.memory_space<vmem_shared>> -> memref<128x128xf32, #tpu.memory_space<vmem_shared>>
        %dma_start3A_85 = arith.constant 0 : i32
        %dma_start3A_86 = arith.constant 0 : i32
        %dma_start3A_87 = tpu.memref_slice %arg9[%dma_start3A_85, %dma_start3A_86] : memref<128x128xf32, #tpu.memory_space<vmem>> -> memref<128x128xf32, #tpu.memory_space<vmem>>
        tpu.enqueue_dma source(%dma_start3A_87 : memref<128x128xf32, #tpu.memory_space<vmem>>) target(%dma_start3A_84 : memref<128x128xf32, #tpu.memory_space<vmem_shared>>) target_semaphore(%run_scoped3A : memref<!tpu.dma_semaphore, #tpu.memory_space<semaphore_mem>>)
        %dma_wait3A_88 = arith.constant 0 : i32
        %dma_wait3A_89 = arith.constant 0 : i32
        %dma_wait3A_90 = tpu.memref_slice %arg9[%dma_wait3A_88, %dma_wait3A_89] : memref<128x128xf32, #tpu.memory_space<vmem>> -> memref<128x128xf32, #tpu.memory_space<vmem>>
        %dma_wait3A_91 = arith.constant 9616 : i32
        %dma_wait3A_92 = arith.constant 0 : i32
        %dma_wait3A_93 = tpu.memref_slice %arg11[%dma_wait3A_91, %dma_wait3A_92] : memref<10000x128xf32, #tpu.memory_space<vmem_shared>> -> memref<128x128xf32, #tpu.memory_space<vmem_shared>>
        %dma_wait3A_94 = arith.constant 9616 : i32
        %dma_wait3A_95 = arith.constant 0 : i32
        %dma_wait3A_96 = tpu.memref_slice %arg11[%dma_wait3A_94, %dma_wait3A_95] : memref<10000x128xf32, #tpu.memory_space<vmem_shared>> -> memref<128x128xf32, #tpu.memory_space<vmem_shared>>
        %dma_wait3A_97 = arith.constant 0 : i32
        %dma_wait3A_98 = arith.constant 0 : i32
        %dma_wait3A_99 = tpu.memref_slice %arg9[%dma_wait3A_97, %dma_wait3A_98] : memref<128x128xf32, #tpu.memory_space<vmem>> -> memref<128x128xf32, #tpu.memory_space<vmem>>
        tpu.wait_dma2 semaphore(%run_scoped3A : memref<!tpu.dma_semaphore, #tpu.memory_space<semaphore_mem>>) src(%dma_wait3A_99 : memref<128x128xf32, #tpu.memory_space<vmem>>) dst(%dma_wait3A_96 : memref<128x128xf32, #tpu.memory_space<vmem_shared>>)
        tpu.yield
      }) : () -> ()
      "tpu.region"() ({
        %run_scoped3A = tpu.sem_alloc : memref<!tpu.dma_semaphore, #tpu.memory_space<semaphore_mem>>
        %dma_start3A_76 = arith.constant 0 : i32
        %dma_start3A_77 = arith.constant 0 : i32
        %dma_start3A_78 = tpu.memref_slice %arg9[%dma_start3A_76, %dma_start3A_77] : memref<128x128xf32, #tpu.memory_space<vmem>> -> memref<128x128xf32, #tpu.memory_space<vmem>>
        %dma_start3A_79 = arith.constant 9744 : i32
        %dma_start3A_80 = arith.constant 0 : i32
        %dma_start3A_81 = tpu.memref_slice %arg11[%dma_start3A_79, %dma_start3A_80] : memref<10000x128xf32, #tpu.memory_space<vmem_shared>> -> memref<128x128xf32, #tpu.memory_space<vmem_shared>>
        %dma_start3A_82 = arith.constant 9744 : i32
        %dma_start3A_83 = arith.constant 0 : i32
        %dma_start3A_84 = tpu.memref_slice %arg11[%dma_start3A_82, %dma_start3A_83] : memref<10000x128xf32, #tpu.memory_space<vmem_shared>> -> memref<128x128xf32, #tpu.memory_space<vmem_shared>>
        %dma_start3A_85 = arith.constant 0 : i32
        %dma_start3A_86 = arith.constant 0 : i32
        %dma_start3A_87 = tpu.memref_slice %arg9[%dma_start3A_85, %dma_start3A_86] : memref<128x128xf32, #tpu.memory_space<vmem>> -> memref<128x128xf32, #tpu.memory_space<vmem>>
        tpu.enqueue_dma source(%dma_start3A_87 : memref<128x128xf32, #tpu.memory_space<vmem>>) target(%dma_start3A_84 : memref<128x128xf32, #tpu.memory_space<vmem_shared>>) target_semaphore(%run_scoped3A : memref<!tpu.dma_semaphore, #tpu.memory_space<semaphore_mem>>)
        %dma_wait3A_88 = arith.constant 0 : i32
        %dma_wait3A_89 = arith.constant 0 : i32
        %dma_wait3A_90 = tpu.memref_slice %arg9[%dma_wait3A_88, %dma_wait3A_89] : memref<128x128xf32, #tpu.memory_space<vmem>> -> memref<128x128xf32, #tpu.memory_space<vmem>>
        %dma_wait3A_91 = arith.constant 9744 : i32
        %dma_wait3A_92 = arith.constant 0 : i32
        %dma_wait3A_93 = tpu.memref_slice %arg11[%dma_wait3A_91, %dma_wait3A_92] : memref<10000x128xf32, #tpu.memory_space<vmem_shared>> -> memref<128x128xf32, #tpu.memory_space<vmem_shared>>
        %dma_wait3A_94 = arith.constant 9744 : i32
        %dma_wait3A_95 = arith.constant 0 : i32
        %dma_wait3A_96 = tpu.memref_slice %arg11[%dma_wait3A_94, %dma_wait3A_95] : memref<10000x128xf32, #tpu.memory_space<vmem_shared>> -> memref<128x128xf32, #tpu.memory_space<vmem_shared>>
        %dma_wait3A_97 = arith.constant 0 : i32
        %dma_wait3A_98 = arith.constant 0 : i32
        %dma_wait3A_99 = tpu.memref_slice %arg9[%dma_wait3A_97, %dma_wait3A_98] : memref<128x128xf32, #tpu.memory_space<vmem>> -> memref<128x128xf32, #tpu.memory_space<vmem>>
        tpu.wait_dma2 semaphore(%run_scoped3A : memref<!tpu.dma_semaphore, #tpu.memory_space<semaphore_mem>>) src(%dma_wait3A_99 : memref<128x128xf32, #tpu.memory_space<vmem>>) dst(%dma_wait3A_96 : memref<128x128xf32, #tpu.memory_space<vmem_shared>>)
        tpu.yield
      }) : () -> ()
      "tpu.region"() ({
        %run_scoped3A = tpu.sem_alloc : memref<!tpu.dma_semaphore, #tpu.memory_space<semaphore_mem>>
        %dma_start3A_76 = arith.constant 0 : i32
        %dma_start3A_77 = arith.constant 0 : i32
        %dma_start3A_78 = tpu.memref_slice %arg9[%dma_start3A_76, %dma_start3A_77] : memref<128x128xf32, #tpu.memory_space<vmem>> -> memref<128x128xf32, #tpu.memory_space<vmem>>
        %dma_start3A_79 = arith.constant 9872 : i32
        %dma_start3A_80 = arith.constant 0 : i32
        %dma_start3A_81 = tpu.memref_slice %arg11[%dma_start3A_79, %dma_start3A_80] : memref<10000x128xf32, #tpu.memory_space<vmem_shared>> -> memref<128x128xf32, #tpu.memory_space<vmem_shared>>
        %dma_start3A_82 = arith.constant 9872 : i32
        %dma_start3A_83 = arith.constant 0 : i32
        %dma_start3A_84 = tpu.memref_slice %arg11[%dma_start3A_82, %dma_start3A_83] : memref<10000x128xf32, #tpu.memory_space<vmem_shared>> -> memref<128x128xf32, #tpu.memory_space<vmem_shared>>
        %dma_start3A_85 = arith.constant 0 : i32
        %dma_start3A_86 = arith.constant 0 : i32
        %dma_start3A_87 = tpu.memref_slice %arg9[%dma_start3A_85, %dma_start3A_86] : memref<128x128xf32, #tpu.memory_space<vmem>> -> memref<128x128xf32, #tpu.memory_space<vmem>>
        tpu.enqueue_dma source(%dma_start3A_87 : memref<128x128xf32, #tpu.memory_space<vmem>>) target(%dma_start3A_84 : memref<128x128xf32, #tpu.memory_space<vmem_shared>>) target_semaphore(%run_scoped3A : memref<!tpu.dma_semaphore, #tpu.memory_space<semaphore_mem>>)
        %dma_wait3A_88 = arith.constant 0 : i32
        %dma_wait3A_89 = arith.constant 0 : i32
        %dma_wait3A_90 = tpu.memref_slice %arg9[%dma_wait3A_88, %dma_wait3A_89] : memref<128x128xf32, #tpu.memory_space<vmem>> -> memref<128x128xf32, #tpu.memory_space<vmem>>
        %dma_wait3A_91 = arith.constant 9872 : i32
        %dma_wait3A_92 = arith.constant 0 : i32
        %dma_wait3A_93 = tpu.memref_slice %arg11[%dma_wait3A_91, %dma_wait3A_92] : memref<10000x128xf32, #tpu.memory_space<vmem_shared>> -> memref<128x128xf32, #tpu.memory_space<vmem_shared>>
        %dma_wait3A_94 = arith.constant 9872 : i32
        %dma_wait3A_95 = arith.constant 0 : i32
        %dma_wait3A_96 = tpu.memref_slice %arg11[%dma_wait3A_94, %dma_wait3A_95] : memref<10000x128xf32, #tpu.memory_space<vmem_shared>> -> memref<128x128xf32, #tpu.memory_space<vmem_shared>>
        %dma_wait3A_97 = arith.constant 0 : i32
        %dma_wait3A_98 = arith.constant 0 : i32
        %dma_wait3A_99 = tpu.memref_slice %arg9[%dma_wait3A_97, %dma_wait3A_98] : memref<128x128xf32, #tpu.memory_space<vmem>> -> memref<128x128xf32, #tpu.memory_space<vmem>>
        tpu.wait_dma2 semaphore(%run_scoped3A : memref<!tpu.dma_semaphore, #tpu.memory_space<semaphore_mem>>) src(%dma_wait3A_99 : memref<128x128xf32, #tpu.memory_space<vmem>>) dst(%dma_wait3A_96 : memref<128x128xf32, #tpu.memory_space<vmem_shared>>)
        tpu.yield
      }) : () -> ()
    } else {
    }
    %barrier3A = arith.constant 0 : index
    tpu.barrier barrier_id(%barrier3A)
    %mul3A_14 = arith.constant 78 : i32
    %mul3A_15 = arith.muli %add3A, %mul3A_14 : i32
    %min3A = arith.constant 4 : i32
    %min3A_16 = arith.minsi %add3A, %min3A : i32
    %add3A_17 = arith.addi %mul3A_15, %min3A_16 : i32
    %lt3A_18 = arith.constant 4 : i32
    %lt3A_19 = arith.cmpi slt, %add3A, %lt3A_18 : i32
    %jit3A = arith.constant 79 : i32
    %jit3A_20 = arith.constant 78 : i32
    %select_n3A = arith.select %lt3A_19, %jit3A, %jit3A_20 : i32
    %add3A_21 = arith.constant 0 : i32
    %add3A_22 = arith.addi %add3A_17, %add3A_21 : i32
    %mul3A_23 = arith.constant 128 : i32
    %mul3A_24 = arith.muli %add3A_22, %mul3A_23 : i32
    %multiple_of3A_25 = tpu.assume_multiple %mul3A_24, 128 : i32
    %dma_start3A = arith.constant 0 : i32
    %dma_start3A_26 = tpu.memref_slice %arg3[%dma_start3A, %multiple_of3A_25] : memref<2x320000xi32, #tpu.memory_space<hbm>> -> memref<1x128xi32, #tpu.memory_space<hbm>>
    %dma_start3A_27 = tpu.memref_squeeze %dma_start3A_26 : memref<1x128xi32, #tpu.memory_space<hbm>> -> memref<128xi32, #tpu.memory_space<hbm>>
    %dma_start3A_28 = tpu.memref_slice %arg3[%dma_start3A, %multiple_of3A_25] : memref<2x320000xi32, #tpu.memory_space<hbm>> -> memref<1x128xi32, #tpu.memory_space<hbm>>
    %dma_start3A_29 = tpu.memref_squeeze %dma_start3A_28 : memref<1x128xi32, #tpu.memory_space<hbm>> -> memref<128xi32, #tpu.memory_space<hbm>>
    tpu.enqueue_dma source(%dma_start3A_29 : memref<128xi32, #tpu.memory_space<hbm>>) target(%arg5 : memref<128xi32, #tpu.memory_space<vmem>>) target_semaphore(%arg12 : memref<!tpu.dma_semaphore, #tpu.memory_space<semaphore_mem>>)
    %dma_start3A_30 = arith.constant 1 : i32
    %dma_start3A_31 = tpu.memref_slice %arg3[%dma_start3A_30, %multiple_of3A_25] : memref<2x320000xi32, #tpu.memory_space<hbm>> -> memref<1x128xi32, #tpu.memory_space<hbm>>
    %dma_start3A_32 = tpu.memref_squeeze %dma_start3A_31 : memref<1x128xi32, #tpu.memory_space<hbm>> -> memref<128xi32, #tpu.memory_space<hbm>>
    %dma_start3A_33 = tpu.memref_slice %arg3[%dma_start3A_30, %multiple_of3A_25] : memref<2x320000xi32, #tpu.memory_space<hbm>> -> memref<1x128xi32, #tpu.memory_space<hbm>>
    %dma_start3A_34 = tpu.memref_squeeze %dma_start3A_33 : memref<1x128xi32, #tpu.memory_space<hbm>> -> memref<128xi32, #tpu.memory_space<hbm>>
    tpu.enqueue_dma source(%dma_start3A_34 : memref<128xi32, #tpu.memory_space<hbm>>) target(%arg7 : memref<128xi32, #tpu.memory_space<vmem>>) target_semaphore(%arg12 : memref<!tpu.dma_semaphore, #tpu.memory_space<semaphore_mem>>)
    %add3A_35 = arith.constant 0 : i32
    %add3A_36 = arith.addi %add3A_17, %add3A_35 : i32
    %mul3A_37 = arith.constant 128 : i32
    %mul3A_38 = arith.muli %add3A_36, %mul3A_37 : i32
    %multiple_of3A_39 = tpu.assume_multiple %mul3A_38, 128 : i32
    %dma_wait3A = arith.constant 0 : i32
    %dma_wait3A_40 = tpu.memref_slice %arg3[%dma_wait3A, %multiple_of3A_39] : memref<2x320000xi32, #tpu.memory_space<hbm>> -> memref<1x128xi32, #tpu.memory_space<hbm>>
    %dma_wait3A_41 = tpu.memref_squeeze %dma_wait3A_40 : memref<1x128xi32, #tpu.memory_space<hbm>> -> memref<128xi32, #tpu.memory_space<hbm>>
    %dma_wait3A_42 = tpu.memref_slice %arg3[%dma_wait3A, %multiple_of3A_39] : memref<2x320000xi32, #tpu.memory_space<hbm>> -> memref<1x128xi32, #tpu.memory_space<hbm>>
    %dma_wait3A_43 = tpu.memref_squeeze %dma_wait3A_42 : memref<1x128xi32, #tpu.memory_space<hbm>> -> memref<128xi32, #tpu.memory_space<hbm>>
    tpu.wait_dma2 semaphore(%arg12 : memref<!tpu.dma_semaphore, #tpu.memory_space<semaphore_mem>>) src(%dma_wait3A_43 : memref<128xi32, #tpu.memory_space<hbm>>) dst(%arg5 : memref<128xi32, #tpu.memory_space<vmem>>)
    %dma_wait3A_44 = arith.constant 1 : i32
    %dma_wait3A_45 = tpu.memref_slice %arg3[%dma_wait3A_44, %multiple_of3A_39] : memref<2x320000xi32, #tpu.memory_space<hbm>> -> memref<1x128xi32, #tpu.memory_space<hbm>>
    %dma_wait3A_46 = tpu.memref_squeeze %dma_wait3A_45 : memref<1x128xi32, #tpu.memory_space<hbm>> -> memref<128xi32, #tpu.memory_space<hbm>>
    %dma_wait3A_47 = tpu.memref_slice %arg3[%dma_wait3A_44, %multiple_of3A_39] : memref<2x320000xi32, #tpu.memory_space<hbm>> -> memref<1x128xi32, #tpu.memory_space<hbm>>
    %dma_wait3A_48 = tpu.memref_squeeze %dma_wait3A_47 : memref<1x128xi32, #tpu.memory_space<hbm>> -> memref<128xi32, #tpu.memory_space<hbm>>
    tpu.wait_dma2 semaphore(%arg12 : memref<!tpu.dma_semaphore, #tpu.memory_space<semaphore_mem>>) src(%dma_wait3A_48 : memref<128xi32, #tpu.memory_space<hbm>>) dst(%arg7 : memref<128xi32, #tpu.memory_space<vmem>>)
    %dma_start3A_49 = arith.constant 0 : i32
    %dma_start3A_50 = arith.constant 0 : i32
    %dma_start3A_51 = tpu.memref_slice %arg2[%dma_start3A_49, %dma_start3A_50] : memref<10000x128xf32, #tpu.memory_space<hbm>> -> memref<10000x128xf32, #tpu.memory_space<hbm>>
    tpu.enqueue_indirect_dma source(%dma_start3A_51 : memref<10000x128xf32, #tpu.memory_space<hbm>>) target(%arg9 : memref<128x128xf32, #tpu.memory_space<vmem>>) offsets(%arg5 : memref<128xi32, #tpu.memory_space<vmem>>) semaphore(%arg14 : memref<!tpu.dma_semaphore, #tpu.memory_space<semaphore_mem>>)
    %scan3A_52 = arith.constant 0 : i32
    %scan3A_53 = arith.constant 0 : i32
    %scan3A_54 = arith.constant 39 : i32
    %scan3A_55 = arith.addi %scan3A_53, %scan3A_54 : i32
    %scan3A_56 = arith.constant 1 : i32
    scf.for %scan3A_76 = %scan3A_53 to %scan3A_55 step %scan3A_56  : i32 {
      %mul3A_77 = arith.constant 2 : i32
      %mul3A_78 = arith.muli %mul3A_77, %scan3A_76 : i32
      %gt3A_79 = arith.constant 0 : i32
      %gt3A_80 = arith.cmpi sgt, %scan3A_76, %gt3A_79 : i32
      %convert_element_type3A_81 = arith.extui %gt3A_80 : i1 to i32
      %cond3A_82 = arith.constant 0 : i32
      %cond3A_83 = arith.cmpi ne, %convert_element_type3A_81, %cond3A_82 : i32
      scf.if %cond3A_83 {
        %dma_wait3A_140 = arith.constant 0 : i32
        %dma_wait3A_141 = arith.constant 0 : i32
        %dma_wait3A_142 = tpu.memref_slice %arg11[%dma_wait3A_140, %dma_wait3A_141] : memref<10000x128xf32, #tpu.memory_space<vmem_shared>> -> memref<10000x128xf32, #tpu.memory_space<vmem_shared>>
        tpu.wait_indirect_dma semaphore(%arg17 : memref<!tpu.dma_semaphore, #tpu.memory_space<semaphore_mem>>) src(%arg10 : memref<128x128xf32, #tpu.memory_space<vmem>>) dst(%dma_wait3A_142 : memref<10000x128xf32, #tpu.memory_space<vmem_shared>>)
      } else {
      }
      %add3A_84 = arith.constant 1 : i32
      %add3A_85 = arith.addi %mul3A_78, %add3A_84 : i32
      %add3A_86 = arith.addi %add3A_17, %add3A_85 : i32
      %mul3A_87 = arith.constant 128 : i32
      %mul3A_88 = arith.muli %add3A_86, %mul3A_87 : i32
      %multiple_of3A_89 = tpu.assume_multiple %mul3A_88, 128 : i32
      %dma_start3A_90 = arith.constant 0 : i32
      %dma_start3A_91 = tpu.memref_slice %arg3[%dma_start3A_90, %multiple_of3A_89] : memref<2x320000xi32, #tpu.memory_space<hbm>> -> memref<1x128xi32, #tpu.memory_space<hbm>>
      %dma_start3A_92 = tpu.memref_squeeze %dma_start3A_91 : memref<1x128xi32, #tpu.memory_space<hbm>> -> memref<128xi32, #tpu.memory_space<hbm>>
      %dma_start3A_93 = tpu.memref_slice %arg3[%dma_start3A_90, %multiple_of3A_89] : memref<2x320000xi32, #tpu.memory_space<hbm>> -> memref<1x128xi32, #tpu.memory_space<hbm>>
      %dma_start3A_94 = tpu.memref_squeeze %dma_start3A_93 : memref<1x128xi32, #tpu.memory_space<hbm>> -> memref<128xi32, #tpu.memory_space<hbm>>
      tpu.enqueue_dma source(%dma_start3A_94 : memref<128xi32, #tpu.memory_space<hbm>>) target(%arg6 : memref<128xi32, #tpu.memory_space<vmem>>) target_semaphore(%arg13 : memref<!tpu.dma_semaphore, #tpu.memory_space<semaphore_mem>>)
      %dma_start3A_95 = arith.constant 1 : i32
      %dma_start3A_96 = tpu.memref_slice %arg3[%dma_start3A_95, %multiple_of3A_89] : memref<2x320000xi32, #tpu.memory_space<hbm>> -> memref<1x128xi32, #tpu.memory_space<hbm>>
      %dma_start3A_97 = tpu.memref_squeeze %dma_start3A_96 : memref<1x128xi32, #tpu.memory_space<hbm>> -> memref<128xi32, #tpu.memory_space<hbm>>
      %dma_start3A_98 = tpu.memref_slice %arg3[%dma_start3A_95, %multiple_of3A_89] : memref<2x320000xi32, #tpu.memory_space<hbm>> -> memref<1x128xi32, #tpu.memory_space<hbm>>
      %dma_start3A_99 = tpu.memref_squeeze %dma_start3A_98 : memref<1x128xi32, #tpu.memory_space<hbm>> -> memref<128xi32, #tpu.memory_space<hbm>>
      tpu.enqueue_dma source(%dma_start3A_99 : memref<128xi32, #tpu.memory_space<hbm>>) target(%arg8 : memref<128xi32, #tpu.memory_space<vmem>>) target_semaphore(%arg13 : memref<!tpu.dma_semaphore, #tpu.memory_space<semaphore_mem>>)
      %dma_wait3A_100 = arith.constant 0 : i32
      %dma_wait3A_101 = arith.constant 0 : i32
      %dma_wait3A_102 = tpu.memref_slice %arg2[%dma_wait3A_100, %dma_wait3A_101] : memref<10000x128xf32, #tpu.memory_space<hbm>> -> memref<10000x128xf32, #tpu.memory_space<hbm>>
      tpu.wait_indirect_dma semaphore(%arg14 : memref<!tpu.dma_semaphore, #tpu.memory_space<semaphore_mem>>) src(%dma_wait3A_102 : memref<10000x128xf32, #tpu.memory_space<hbm>>) dst(%arg9 : memref<128x128xf32, #tpu.memory_space<vmem>>)
      %dma_start3A_103 = arith.constant 0 : i32
      %dma_start3A_104 = arith.constant 0 : i32
      %dma_start3A_105 = tpu.memref_slice %arg11[%dma_start3A_103, %dma_start3A_104] : memref<10000x128xf32, #tpu.memory_space<vmem_shared>> -> memref<10000x128xf32, #tpu.memory_space<vmem_shared>>
      tpu.enqueue_indirect_dma source(%arg9 : memref<128x128xf32, #tpu.memory_space<vmem>>) target(%dma_start3A_105 : memref<10000x128xf32, #tpu.memory_space<vmem_shared>>) offsets(%arg7 : memref<128xi32, #tpu.memory_space<vmem>>) semaphore(%arg16 : memref<!tpu.dma_semaphore, #tpu.memory_space<semaphore_mem>>) {add = true}
      %add3A_106 = arith.constant 1 : i32
      %add3A_107 = arith.addi %mul3A_78, %add3A_106 : i32
      %add3A_108 = arith.addi %add3A_17, %add3A_107 : i32
      %mul3A_109 = arith.constant 128 : i32
      %mul3A_110 = arith.muli %add3A_108, %mul3A_109 : i32
      %multiple_of3A_111 = tpu.assume_multiple %mul3A_110, 128 : i32
      %dma_wait3A_112 = arith.constant 0 : i32
      %dma_wait3A_113 = tpu.memref_slice %arg3[%dma_wait3A_112, %multiple_of3A_111] : memref<2x320000xi32, #tpu.memory_space<hbm>> -> memref<1x128xi32, #tpu.memory_space<hbm>>
      %dma_wait3A_114 = tpu.memref_squeeze %dma_wait3A_113 : memref<1x128xi32, #tpu.memory_space<hbm>> -> memref<128xi32, #tpu.memory_space<hbm>>
      %dma_wait3A_115 = tpu.memref_slice %arg3[%dma_wait3A_112, %multiple_of3A_111] : memref<2x320000xi32, #tpu.memory_space<hbm>> -> memref<1x128xi32, #tpu.memory_space<hbm>>
      %dma_wait3A_116 = tpu.memref_squeeze %dma_wait3A_115 : memref<1x128xi32, #tpu.memory_space<hbm>> -> memref<128xi32, #tpu.memory_space<hbm>>
      tpu.wait_dma2 semaphore(%arg13 : memref<!tpu.dma_semaphore, #tpu.memory_space<semaphore_mem>>) src(%dma_wait3A_116 : memref<128xi32, #tpu.memory_space<hbm>>) dst(%arg6 : memref<128xi32, #tpu.memory_space<vmem>>)
      %dma_wait3A_117 = arith.constant 1 : i32
      %dma_wait3A_118 = tpu.memref_slice %arg3[%dma_wait3A_117, %multiple_of3A_111] : memref<2x320000xi32, #tpu.memory_space<hbm>> -> memref<1x128xi32, #tpu.memory_space<hbm>>
      %dma_wait3A_119 = tpu.memref_squeeze %dma_wait3A_118 : memref<1x128xi32, #tpu.memory_space<hbm>> -> memref<128xi32, #tpu.memory_space<hbm>>
      %dma_wait3A_120 = tpu.memref_slice %arg3[%dma_wait3A_117, %multiple_of3A_111] : memref<2x320000xi32, #tpu.memory_space<hbm>> -> memref<1x128xi32, #tpu.memory_space<hbm>>
      %dma_wait3A_121 = tpu.memref_squeeze %dma_wait3A_120 : memref<1x128xi32, #tpu.memory_space<hbm>> -> memref<128xi32, #tpu.memory_space<hbm>>
      tpu.wait_dma2 semaphore(%arg13 : memref<!tpu.dma_semaphore, #tpu.memory_space<semaphore_mem>>) src(%dma_wait3A_121 : memref<128xi32, #tpu.memory_space<hbm>>) dst(%arg8 : memref<128xi32, #tpu.memory_space<vmem>>)
      %dma_start3A_122 = arith.constant 0 : i32
      %dma_start3A_123 = arith.constant 0 : i32
      %dma_start3A_124 = tpu.memref_slice %arg2[%dma_start3A_122, %dma_start3A_123] : memref<10000x128xf32, #tpu.memory_space<hbm>> -> memref<10000x128xf32, #tpu.memory_space<hbm>>
      tpu.enqueue_indirect_dma source(%dma_start3A_124 : memref<10000x128xf32, #tpu.memory_space<hbm>>) target(%arg10 : memref<128x128xf32, #tpu.memory_space<vmem>>) offsets(%arg6 : memref<128xi32, #tpu.memory_space<vmem>>) semaphore(%arg15 : memref<!tpu.dma_semaphore, #tpu.memory_space<semaphore_mem>>)
      %dma_wait3A_125 = arith.constant 0 : i32
      %dma_wait3A_126 = arith.constant 0 : i32
      %dma_wait3A_127 = tpu.memref_slice %arg11[%dma_wait3A_125, %dma_wait3A_126] : memref<10000x128xf32, #tpu.memory_space<vmem_shared>> -> memref<10000x128xf32, #tpu.memory_space<vmem_shared>>
      tpu.wait_indirect_dma semaphore(%arg16 : memref<!tpu.dma_semaphore, #tpu.memory_space<semaphore_mem>>) src(%arg9 : memref<128x128xf32, #tpu.memory_space<vmem>>) dst(%dma_wait3A_127 : memref<10000x128xf32, #tpu.memory_space<vmem_shared>>)
      %add3A_128 = arith.constant 2 : i32
      %add3A_129 = arith.addi %mul3A_78, %add3A_128 : i32
      %lt3A_130 = arith.cmpi slt, %add3A_129, %select_n3A : i32
      %convert_element_type3A_131 = arith.extui %lt3A_130 : i1 to i32
      %cond3A_132 = arith.constant 0 : i32
      %cond3A_133 = arith.cmpi ne, %convert_element_type3A_131, %cond3A_132 : i32
      scf.if %cond3A_133 {
        %add3A_140 = arith.constant 2 : i32
        %add3A_141 = arith.addi %mul3A_78, %add3A_140 : i32
        %add3A_142 = arith.addi %add3A_17, %add3A_141 : i32
        %mul3A_143 = arith.constant 128 : i32
        %mul3A_144 = arith.muli %add3A_142, %mul3A_143 : i32
        %multiple_of3A_145 = tpu.assume_multiple %mul3A_144, 128 : i32
        %dma_start3A_146 = arith.constant 0 : i32
        %dma_start3A_147 = tpu.memref_slice %arg3[%dma_start3A_146, %multiple_of3A_145] : memref<2x320000xi32, #tpu.memory_space<hbm>> -> memref<1x128xi32, #tpu.memory_space<hbm>>
        %dma_start3A_148 = tpu.memref_squeeze %dma_start3A_147 : memref<1x128xi32, #tpu.memory_space<hbm>> -> memref<128xi32, #tpu.memory_space<hbm>>
        %dma_start3A_149 = tpu.memref_slice %arg3[%dma_start3A_146, %multiple_of3A_145] : memref<2x320000xi32, #tpu.memory_space<hbm>> -> memref<1x128xi32, #tpu.memory_space<hbm>>
        %dma_start3A_150 = tpu.memref_squeeze %dma_start3A_149 : memref<1x128xi32, #tpu.memory_space<hbm>> -> memref<128xi32, #tpu.memory_space<hbm>>
        tpu.enqueue_dma source(%dma_start3A_150 : memref<128xi32, #tpu.memory_space<hbm>>) target(%arg5 : memref<128xi32, #tpu.memory_space<vmem>>) target_semaphore(%arg12 : memref<!tpu.dma_semaphore, #tpu.memory_space<semaphore_mem>>)
        %dma_start3A_151 = arith.constant 1 : i32
        %dma_start3A_152 = tpu.memref_slice %arg3[%dma_start3A_151, %multiple_of3A_145] : memref<2x320000xi32, #tpu.memory_space<hbm>> -> memref<1x128xi32, #tpu.memory_space<hbm>>
        %dma_start3A_153 = tpu.memref_squeeze %dma_start3A_152 : memref<1x128xi32, #tpu.memory_space<hbm>> -> memref<128xi32, #tpu.memory_space<hbm>>
        %dma_start3A_154 = tpu.memref_slice %arg3[%dma_start3A_151, %multiple_of3A_145] : memref<2x320000xi32, #tpu.memory_space<hbm>> -> memref<1x128xi32, #tpu.memory_space<hbm>>
        %dma_start3A_155 = tpu.memref_squeeze %dma_start3A_154 : memref<1x128xi32, #tpu.memory_space<hbm>> -> memref<128xi32, #tpu.memory_space<hbm>>
        tpu.enqueue_dma source(%dma_start3A_155 : memref<128xi32, #tpu.memory_space<hbm>>) target(%arg7 : memref<128xi32, #tpu.memory_space<vmem>>) target_semaphore(%arg12 : memref<!tpu.dma_semaphore, #tpu.memory_space<semaphore_mem>>)
        %add3A_156 = arith.constant 2 : i32
        %add3A_157 = arith.addi %mul3A_78, %add3A_156 : i32
        %add3A_158 = arith.addi %add3A_17, %add3A_157 : i32
        %mul3A_159 = arith.constant 128 : i32
        %mul3A_160 = arith.muli %add3A_158, %mul3A_159 : i32
        %multiple_of3A_161 = tpu.assume_multiple %mul3A_160, 128 : i32
        %dma_wait3A_162 = arith.constant 0 : i32
        %dma_wait3A_163 = tpu.memref_slice %arg3[%dma_wait3A_162, %multiple_of3A_161] : memref<2x320000xi32, #tpu.memory_space<hbm>> -> memref<1x128xi32, #tpu.memory_space<hbm>>
        %dma_wait3A_164 = tpu.memref_squeeze %dma_wait3A_163 : memref<1x128xi32, #tpu.memory_space<hbm>> -> memref<128xi32, #tpu.memory_space<hbm>>
        %dma_wait3A_165 = tpu.memref_slice %arg3[%dma_wait3A_162, %multiple_of3A_161] : memref<2x320000xi32, #tpu.memory_space<hbm>> -> memref<1x128xi32, #tpu.memory_space<hbm>>
        %dma_wait3A_166 = tpu.memref_squeeze %dma_wait3A_165 : memref<1x128xi32, #tpu.memory_space<hbm>> -> memref<128xi32, #tpu.memory_space<hbm>>
        tpu.wait_dma2 semaphore(%arg12 : memref<!tpu.dma_semaphore, #tpu.memory_space<semaphore_mem>>) src(%dma_wait3A_166 : memref<128xi32, #tpu.memory_space<hbm>>) dst(%arg5 : memref<128xi32, #tpu.memory_space<vmem>>)
        %dma_wait3A_167 = arith.constant 1 : i32
        %dma_wait3A_168 = tpu.memref_slice %arg3[%dma_wait3A_167, %multiple_of3A_161] : memref<2x320000xi32, #tpu.memory_space<hbm>> -> memref<1x128xi32, #tpu.memory_space<hbm>>
        %dma_wait3A_169 = tpu.memref_squeeze %dma_wait3A_168 : memref<1x128xi32, #tpu.memory_space<hbm>> -> memref<128xi32, #tpu.memory_space<hbm>>
        %dma_wait3A_170 = tpu.memref_slice %arg3[%dma_wait3A_167, %multiple_of3A_161] : memref<2x320000xi32, #tpu.memory_space<hbm>> -> memref<1x128xi32, #tpu.memory_space<hbm>>
        %dma_wait3A_171 = tpu.memref_squeeze %dma_wait3A_170 : memref<1x128xi32, #tpu.memory_space<hbm>> -> memref<128xi32, #tpu.memory_space<hbm>>
        tpu.wait_dma2 semaphore(%arg12 : memref<!tpu.dma_semaphore, #tpu.memory_space<semaphore_mem>>) src(%dma_wait3A_171 : memref<128xi32, #tpu.memory_space<hbm>>) dst(%arg7 : memref<128xi32, #tpu.memory_space<vmem>>)
        %dma_start3A_172 = arith.constant 0 : i32
        %dma_start3A_173 = arith.constant 0 : i32
        %dma_start3A_174 = tpu.memref_slice %arg2[%dma_start3A_172, %dma_start3A_173] : memref<10000x128xf32, #tpu.memory_space<hbm>> -> memref<10000x128xf32, #tpu.memory_space<hbm>>
        tpu.enqueue_indirect_dma source(%dma_start3A_174 : memref<10000x128xf32, #tpu.memory_space<hbm>>) target(%arg9 : memref<128x128xf32, #tpu.memory_space<vmem>>) offsets(%arg5 : memref<128xi32, #tpu.memory_space<vmem>>) semaphore(%arg14 : memref<!tpu.dma_semaphore, #tpu.memory_space<semaphore_mem>>)
      } else {
      }
      %dma_wait3A_134 = arith.constant 0 : i32
      %dma_wait3A_135 = arith.constant 0 : i32
      %dma_wait3A_136 = tpu.memref_slice %arg2[%dma_wait3A_134, %dma_wait3A_135] : memref<10000x128xf32, #tpu.memory_space<hbm>> -> memref<10000x128xf32, #tpu.memory_space<hbm>>
      tpu.wait_indirect_dma semaphore(%arg15 : memref<!tpu.dma_semaphore, #tpu.memory_space<semaphore_mem>>) src(%dma_wait3A_136 : memref<10000x128xf32, #tpu.memory_space<hbm>>) dst(%arg10 : memref<128x128xf32, #tpu.memory_space<vmem>>)
      %dma_start3A_137 = arith.constant 0 : i32
      %dma_start3A_138 = arith.constant 0 : i32
      %dma_start3A_139 = tpu.memref_slice %arg11[%dma_start3A_137, %dma_start3A_138] : memref<10000x128xf32, #tpu.memory_space<vmem_shared>> -> memref<10000x128xf32, #tpu.memory_space<vmem_shared>>
      tpu.enqueue_indirect_dma source(%arg10 : memref<128x128xf32, #tpu.memory_space<vmem>>) target(%dma_start3A_139 : memref<10000x128xf32, #tpu.memory_space<vmem_shared>>) offsets(%arg8 : memref<128xi32, #tpu.memory_space<vmem>>) semaphore(%arg17 : memref<!tpu.dma_semaphore, #tpu.memory_space<semaphore_mem>>) {add = true}
    }
    %scan3A_57 = arith.constant 39 : i32
    %dma_wait3A_58 = arith.constant 0 : i32
    %dma_wait3A_59 = arith.constant 0 : i32
    %dma_wait3A_60 = tpu.memref_slice %arg11[%dma_wait3A_58, %dma_wait3A_59] : memref<10000x128xf32, #tpu.memory_space<vmem_shared>> -> memref<10000x128xf32, #tpu.memory_space<vmem_shared>>
    tpu.wait_indirect_dma semaphore(%arg17 : memref<!tpu.dma_semaphore, #tpu.memory_space<semaphore_mem>>) src(%arg10 : memref<128x128xf32, #tpu.memory_space<vmem>>) dst(%dma_wait3A_60 : memref<10000x128xf32, #tpu.memory_space<vmem_shared>>)
    %gt3A = arith.constant 78 : i32
    %gt3A_61 = arith.cmpi sgt, %select_n3A, %gt3A : i32
    %convert_element_type3A_62 = arith.extui %gt3A_61 : i1 to i32
    %cond3A_63 = arith.constant 0 : i32
    %cond3A_64 = arith.cmpi ne, %convert_element_type3A_62, %cond3A_63 : i32
    scf.if %cond3A_64 {
      %dma_wait3A_76 = arith.constant 0 : i32
      %dma_wait3A_77 = arith.constant 0 : i32
      %dma_wait3A_78 = tpu.memref_slice %arg2[%dma_wait3A_76, %dma_wait3A_77] : memref<10000x128xf32, #tpu.memory_space<hbm>> -> memref<10000x128xf32, #tpu.memory_space<hbm>>
      tpu.wait_indirect_dma semaphore(%arg14 : memref<!tpu.dma_semaphore, #tpu.memory_space<semaphore_mem>>) src(%dma_wait3A_78 : memref<10000x128xf32, #tpu.memory_space<hbm>>) dst(%arg9 : memref<128x128xf32, #tpu.memory_space<vmem>>)
      "tpu.region"() ({
        %run_scoped3A = tpu.sem_alloc : memref<!tpu.dma_semaphore, #tpu.memory_space<semaphore_mem>>
        %dma_start3A_79 = arith.constant 0 : i32
        %dma_start3A_80 = arith.constant 0 : i32
        %dma_start3A_81 = tpu.memref_slice %arg11[%dma_start3A_79, %dma_start3A_80] : memref<10000x128xf32, #tpu.memory_space<vmem_shared>> -> memref<10000x128xf32, #tpu.memory_space<vmem_shared>>
        tpu.enqueue_indirect_dma source(%arg9 : memref<128x128xf32, #tpu.memory_space<vmem>>) target(%dma_start3A_81 : memref<10000x128xf32, #tpu.memory_space<vmem_shared>>) offsets(%arg7 : memref<128xi32, #tpu.memory_space<vmem>>) semaphore(%run_scoped3A : memref<!tpu.dma_semaphore, #tpu.memory_space<semaphore_mem>>) {add = true}
        %dma_wait3A_82 = arith.constant 0 : i32
        %dma_wait3A_83 = arith.constant 0 : i32
        %dma_wait3A_84 = tpu.memref_slice %arg11[%dma_wait3A_82, %dma_wait3A_83] : memref<10000x128xf32, #tpu.memory_space<vmem_shared>> -> memref<10000x128xf32, #tpu.memory_space<vmem_shared>>
        tpu.wait_indirect_dma semaphore(%run_scoped3A : memref<!tpu.dma_semaphore, #tpu.memory_space<semaphore_mem>>) src(%arg9 : memref<128x128xf32, #tpu.memory_space<vmem>>) dst(%dma_wait3A_84 : memref<10000x128xf32, #tpu.memory_space<vmem_shared>>)
        tpu.yield
      }) : () -> ()
    } else {
    }
    %barrier3A_65 = arith.constant 0 : index
    tpu.barrier barrier_id(%barrier3A_65)
    %lt3A_66 = arith.constant 15 : i32
    %lt3A_67 = arith.cmpi slt, %arg1, %lt3A_66 : i32
    %convert_element_type3A_68 = arith.extui %lt3A_67 : i1 to i32
    %cond3A_69 = arith.constant 0 : i32
    %cond3A_70 = arith.cmpi ne, %convert_element_type3A_68, %cond3A_69 : i32
    scf.if %cond3A_70 {
      "tpu.region"() ({
        %run_scoped3A = tpu.sem_alloc : memref<!tpu.dma_semaphore, #tpu.memory_space<semaphore_mem>>
        %dma_start3A_76 = arith.constant 0 : i32
        %dma_start3A_77 = tpu.memref_slice %arg4[%arg0, %multiple_of3A, %dma_start3A_76] : memref<2x10000x128xf32, #tpu.memory_space<hbm>> -> memref<1x624x128xf32, #tpu.memory_space<hbm>>
        %dma_start3A_78 = tpu.memref_squeeze %dma_start3A_77 : memref<1x624x128xf32, #tpu.memory_space<hbm>> -> memref<624x128xf32, #tpu.memory_space<hbm>>
        %dma_start3A_79 = arith.constant 0 : i32
        %dma_start3A_80 = tpu.memref_slice %arg11[%multiple_of3A, %dma_start3A_79] : memref<10000x128xf32, #tpu.memory_space<vmem_shared>> -> memref<624x128xf32, #tpu.memory_space<vmem_shared>>
        tpu.enqueue_dma source(%dma_start3A_80 : memref<624x128xf32, #tpu.memory_space<vmem_shared>>) target(%dma_start3A_78 : memref<624x128xf32, #tpu.memory_space<hbm>>) target_semaphore(%run_scoped3A : memref<!tpu.dma_semaphore, #tpu.memory_space<semaphore_mem>>)
        %dma_wait3A_81 = arith.constant 0 : i32
        %dma_wait3A_82 = tpu.memref_slice %arg4[%arg0, %multiple_of3A, %dma_wait3A_81] : memref<2x10000x128xf32, #tpu.memory_space<hbm>> -> memref<1x624x128xf32, #tpu.memory_space<hbm>>
        %dma_wait3A_83 = tpu.memref_squeeze %dma_wait3A_82 : memref<1x624x128xf32, #tpu.memory_space<hbm>> -> memref<624x128xf32, #tpu.memory_space<hbm>>
        %dma_wait3A_84 = arith.constant 0 : i32
        %dma_wait3A_85 = tpu.memref_slice %arg11[%multiple_of3A, %dma_wait3A_84] : memref<10000x128xf32, #tpu.memory_space<vmem_shared>> -> memref<624x128xf32, #tpu.memory_space<vmem_shared>>
        tpu.wait_dma2 semaphore(%run_scoped3A : memref<!tpu.dma_semaphore, #tpu.memory_space<semaphore_mem>>) src(%dma_wait3A_85 : memref<624x128xf32, #tpu.memory_space<vmem_shared>>) dst(%dma_wait3A_83 : memref<624x128xf32, #tpu.memory_space<hbm>>)
        tpu.yield
      }) : () -> ()
    } else {
    }
    %eq3A_71 = arith.constant 15 : i32
    %eq3A_72 = arith.cmpi eq, %arg1, %eq3A_71 : i32
    %convert_element_type3A_73 = arith.extui %eq3A_72 : i1 to i32
    %cond3A_74 = arith.constant 0 : i32
    %cond3A_75 = arith.cmpi ne, %convert_element_type3A_73, %cond3A_74 : i32
    scf.if %cond3A_75 {
      "tpu.region"() ({
        %run_scoped3A = tpu.sem_alloc : memref<!tpu.dma_semaphore, #tpu.memory_space<semaphore_mem>>
        %dma_start3A_76 = arith.constant 9360 : i32
        %dma_start3A_77 = arith.constant 0 : i32
        %dma_start3A_78 = tpu.memref_slice %arg4[%arg0, %dma_start3A_76, %dma_start3A_77] : memref<2x10000x128xf32, #tpu.memory_space<hbm>> -> memref<1x640x128xf32, #tpu.memory_space<hbm>>
        %dma_start3A_79 = tpu.memref_squeeze %dma_start3A_78 : memref<1x640x128xf32, #tpu.memory_space<hbm>> -> memref<640x128xf32, #tpu.memory_space<hbm>>
        %dma_start3A_80 = arith.constant 9360 : i32
        %dma_start3A_81 = arith.constant 0 : i32
        %dma_start3A_82 = tpu.memref_slice %arg11[%dma_start3A_80, %dma_start3A_81] : memref<10000x128xf32, #tpu.memory_space<vmem_shared>> -> memref<640x128xf32, #tpu.memory_space<vmem_shared>>
        tpu.enqueue_dma source(%dma_start3A_82 : memref<640x128xf32, #tpu.memory_space<vmem_shared>>) target(%dma_start3A_79 : memref<640x128xf32, #tpu.memory_space<hbm>>) target_semaphore(%run_scoped3A : memref<!tpu.dma_semaphore, #tpu.memory_space<semaphore_mem>>)
        %dma_wait3A_83 = arith.constant 9360 : i32
        %dma_wait3A_84 = arith.constant 0 : i32
        %dma_wait3A_85 = tpu.memref_slice %arg4[%arg0, %dma_wait3A_83, %dma_wait3A_84] : memref<2x10000x128xf32, #tpu.memory_space<hbm>> -> memref<1x640x128xf32, #tpu.memory_space<hbm>>
        %dma_wait3A_86 = tpu.memref_squeeze %dma_wait3A_85 : memref<1x640x128xf32, #tpu.memory_space<hbm>> -> memref<640x128xf32, #tpu.memory_space<hbm>>
        %dma_wait3A_87 = arith.constant 9360 : i32
        %dma_wait3A_88 = arith.constant 0 : i32
        %dma_wait3A_89 = tpu.memref_slice %arg11[%dma_wait3A_87, %dma_wait3A_88] : memref<10000x128xf32, #tpu.memory_space<vmem_shared>> -> memref<640x128xf32, #tpu.memory_space<vmem_shared>>
        tpu.wait_dma2 semaphore(%run_scoped3A : memref<!tpu.dma_semaphore, #tpu.memory_space<semaphore_mem>>) src(%dma_wait3A_89 : memref<640x128xf32, #tpu.memory_space<vmem_shared>>) dst(%dma_wait3A_86 : memref<640x128xf32, #tpu.memory_space<hbm>>)
        tpu.yield
      }) : () -> ()
    } else {
    }
    return
  }
}

module attributes {stable_mosaic.version = 14 : i64} {
  func.func @_tc1_body(%arg0: i32, %arg1: memref<2x2000x128xf32, #tpu.memory_space<vmem>>, %arg2: memref<2x2000x1xf32, #tpu.memory_space<vmem>>, %arg3: memref<2000x128xf32, #tpu.memory_space<vmem>>, %arg4: memref<128x128xf32, #tpu.memory_space<vmem>>, %arg5: memref<1x128xf32, #tpu.memory_space<vmem>>, %arg6: memref<128x128xf32, #tpu.memory_space<vmem>>, %arg7: memref<2000x128xf32, #tpu.memory_space<vmem>>) attributes {dimension_semantics = [#tpu.dimension_semantics<arbitrary>], iteration_bounds = array<i64: 5>, scalar_prefetch = 0 : i64, scratch_operands = 0 : i64, tpu.core_type = #tpu.core_type<tc>, window_params = [{transform_indices = @transform_0, window_bounds = array<i64: 2, 2000, 128>}, {transform_indices = @transform_1, window_bounds = array<i64: 2, 2000, 1>}, {transform_indices = @transform_2, window_bounds = array<i64: 2000, 128>}, {pipeline_mode = #tpu.pipeline_mode<synchronous>, transform_indices = @transform_3, window_bounds = array<i64: 128, 128>}, {pipeline_mode = #tpu.pipeline_mode<synchronous>, transform_indices = @transform_4, window_bounds = array<i64: 1, 128>}, {pipeline_mode = #tpu.pipeline_mode<synchronous>, transform_indices = @transform_5, window_bounds = array<i64: 128, 128>}, {transform_indices = @transform_6, window_bounds = array<i64: 2000, 128>}]} {
    %get3A = arith.constant 0 : index
    %get3A_0 = arith.constant 0 : index
    %get3A_1 = arith.constant 0 : index
    %get3A_2 = vector.load %arg1[%get3A, %get3A_0, %get3A_1] : memref<2x2000x128xf32, #tpu.memory_space<vmem>>, vector<2x2000x128xf32>
    %slice3A = vector.extract_strided_slice %get3A_2 {offsets = [0, 0, 0], sizes = [1, 2000, 128], strides = [1, 1, 1]} : vector<2x2000x128xf32> to vector<1x2000x128xf32>
    %squeeze3A = vector.shape_cast %slice3A : vector<1x2000x128xf32> to vector<2000x128xf32>
    %slice3A_3 = vector.extract_strided_slice %get3A_2 {offsets = [1, 0, 0], sizes = [1, 2000, 128], strides = [1, 1, 1]} : vector<2x2000x128xf32> to vector<1x2000x128xf32>
    %squeeze3A_4 = vector.shape_cast %slice3A_3 : vector<1x2000x128xf32> to vector<2000x128xf32>
    %add3A = arith.addf %squeeze3A, %squeeze3A_4 : vector<2000x128xf32>
    %get3A_5 = arith.constant 0 : index
    %get3A_6 = arith.constant 0 : index
    %get3A_7 = arith.constant 0 : index
    %get3A_8 = vector.load %arg2[%get3A_5, %get3A_6, %get3A_7] : memref<2x2000x1xf32, #tpu.memory_space<vmem>>, vector<2x2000x1xf32>
    %slice3A_9 = vector.extract_strided_slice %get3A_8 {offsets = [0, 0, 0], sizes = [1, 2000, 1], strides = [1, 1, 1]} : vector<2x2000x1xf32> to vector<1x2000x1xf32>
    %squeeze3A_10 = vector.shape_cast %slice3A_9 : vector<1x2000x1xf32> to vector<2000x1xf32>
    %slice3A_11 = vector.extract_strided_slice %get3A_8 {offsets = [1, 0, 0], sizes = [1, 2000, 1], strides = [1, 1, 1]} : vector<2x2000x1xf32> to vector<1x2000x1xf32>
    %squeeze3A_12 = vector.shape_cast %slice3A_11 : vector<1x2000x1xf32> to vector<2000x1xf32>
    %add3A_13 = arith.addf %squeeze3A_10, %squeeze3A_12 : vector<2000x1xf32>
    %max3A = arith.constant 1.000000e+00 : f32
    %max3A_14 = vector.broadcast %max3A : f32 to vector<2000x1xf32>
    %max3A_15 = arith.maximumf %add3A_13, %max3A_14 : vector<2000x1xf32>
    %div3A = vector.broadcast %max3A_15 : vector<2000x1xf32> to vector<2000x128xf32>
    %div3A_16 = arith.divf %add3A, %div3A : vector<2000x128xf32>
    %get3A_17 = arith.constant 0 : index
    %get3A_18 = arith.constant 0 : index
    %get3A_19 = vector.load %arg4[%get3A_17, %get3A_18] : memref<128x128xf32, #tpu.memory_space<vmem>>, vector<128x128xf32>
    %dot_general3A = arith.constant dense<0.000000e+00> : vector<2000x128xf32>
    %dot_general3A_20 = tpu.matmul %div3A_16, %get3A_19, %dot_general3A {dimension_numbers = #tpu.dot_dimension_numbers<[1], [0], [0], [1], [0, 0, 1, 1], [], []>, transpose_lhs_hint = false} : vector<2000x128xf32>, vector<128x128xf32>, vector<2000x128xf32> -> vector<2000x128xf32>
    %get3A_21 = arith.constant 0 : index
    %get3A_22 = arith.constant 0 : index
    %get3A_23 = vector.load %arg3[%get3A_21, %get3A_22] : memref<2000x128xf32, #tpu.memory_space<vmem>>, vector<2000x128xf32>
    %get3A_24 = arith.constant 0 : index
    %get3A_25 = arith.constant 0 : index
    %get3A_26 = vector.load %arg6[%get3A_24, %get3A_25] : memref<128x128xf32, #tpu.memory_space<vmem>>, vector<128x128xf32>
    %dot_general3A_27 = arith.constant dense<0.000000e+00> : vector<2000x128xf32>
    %dot_general3A_28 = tpu.matmul %get3A_23, %get3A_26, %dot_general3A_27 {dimension_numbers = #tpu.dot_dimension_numbers<[1], [0], [0], [1], [0, 0, 1, 1], [], []>, transpose_lhs_hint = false} : vector<2000x128xf32>, vector<128x128xf32>, vector<2000x128xf32> -> vector<2000x128xf32>
    %add3A_29 = arith.addf %dot_general3A_20, %dot_general3A_28 : vector<2000x128xf32>
    %get3A_30 = arith.constant 0 : index
    %get3A_31 = arith.constant 0 : index
    %get3A_32 = vector.load %arg5[%get3A_30, %get3A_31] : memref<1x128xf32, #tpu.memory_space<vmem>>, vector<1x128xf32>
    %add3A_33 = vector.broadcast %get3A_32 : vector<1x128xf32> to vector<2000x128xf32>
    %add3A_34 = arith.addf %add3A_29, %add3A_33 : vector<2000x128xf32>
    %max3A_35 = arith.constant 0.000000e+00 : f32
    %max3A_36 = vector.broadcast %max3A_35 : f32 to vector<2000x128xf32>
    %max3A_37 = arith.maximumf %add3A_34, %max3A_36 : vector<2000x128xf32>
    %swap3A = arith.constant 0 : index
    %swap3A_38 = arith.constant 0 : index
    %swap3A_39 = vector.load %arg7[%swap3A, %swap3A_38] : memref<2000x128xf32, #tpu.memory_space<vmem>>, vector<2000x128xf32>
    tpu.vector_store %arg7[%swap3A, %swap3A_38], %max3A_37 {strides = array<i32>} : memref<2000x128xf32, #tpu.memory_space<vmem>>, vector<2000x128xf32>,
    return
  }
  func.func @transform_0(%arg0: i32) -> (i32, i32, i32) {
    %c0_i32 = arith.constant 0 : i32
    %c0_i32_0 = arith.constant 0 : i32
    %c0_i32_1 = arith.constant 0 : i32
    return %c0_i32, %arg0, %c0_i32_0 : i32, i32, i32
  }
  func.func @transform_1(%arg0: i32) -> (i32, i32, i32) {
    %c0_i32 = arith.constant 0 : i32
    %c0_i32_0 = arith.constant 0 : i32
    %c0_i32_1 = arith.constant 0 : i32
    return %c0_i32, %arg0, %c0_i32_0 : i32, i32, i32
  }
  func.func @transform_2(%arg0: i32) -> (i32, i32) {
    %c0_i32 = arith.constant 0 : i32
    %c0_i32_0 = arith.constant 0 : i32
    return %arg0, %c0_i32 : i32, i32
  }
  func.func @transform_3(%arg0: i32) -> (i32, i32) {
    %c0_i32 = arith.constant 0 : i32
    %c0_i32_0 = arith.constant 0 : i32
    %c0_i32_1 = arith.constant 0 : i32
    return %c0_i32, %c0_i32_0 : i32, i32
  }
  func.func @transform_4(%arg0: i32) -> (i32, i32) {
    %c0_i32 = arith.constant 0 : i32
    %c0_i32_0 = arith.constant 0 : i32
    %c0_i32_1 = arith.constant 0 : i32
    return %c0_i32, %c0_i32_0 : i32, i32
  }
  func.func @transform_5(%arg0: i32) -> (i32, i32) {
    %c0_i32 = arith.constant 0 : i32
    %c0_i32_0 = arith.constant 0 : i32
    %c0_i32_1 = arith.constant 0 : i32
    return %c0_i32, %c0_i32_0 : i32, i32
  }
  func.func @transform_6(%arg0: i32) -> (i32, i32) {
    %c0_i32 = arith.constant 0 : i32
    %c0_i32_0 = arith.constant 0 : i32
    return %arg0, %c0_i32 : i32, i32
  }
}

module attributes {stable_mosaic.version = 14 : i64} {
  func.func @_tc2_body(%arg0: i32, %arg1: memref<2x2000x128xf32, #tpu.memory_space<vmem>>, %arg2: memref<2x2000x1xf32, #tpu.memory_space<vmem>>, %arg3: memref<2000x128xf32, #tpu.memory_space<vmem>>, %arg4: memref<128x128xf32, #tpu.memory_space<vmem>>, %arg5: memref<1x128xf32, #tpu.memory_space<vmem>>, %arg6: memref<128x128xf32, #tpu.memory_space<vmem>>, %arg7: memref<2000x128xf32, #tpu.memory_space<vmem>>) attributes {dimension_semantics = [#tpu.dimension_semantics<arbitrary>], iteration_bounds = array<i64: 5>, scalar_prefetch = 0 : i64, scratch_operands = 0 : i64, tpu.core_type = #tpu.core_type<tc>, window_params = [{transform_indices = @transform_0, window_bounds = array<i64: 2, 2000, 128>}, {transform_indices = @transform_1, window_bounds = array<i64: 2, 2000, 1>}, {transform_indices = @transform_2, window_bounds = array<i64: 2000, 128>}, {pipeline_mode = #tpu.pipeline_mode<synchronous>, transform_indices = @transform_3, window_bounds = array<i64: 128, 128>}, {pipeline_mode = #tpu.pipeline_mode<synchronous>, transform_indices = @transform_4, window_bounds = array<i64: 1, 128>}, {pipeline_mode = #tpu.pipeline_mode<synchronous>, transform_indices = @transform_5, window_bounds = array<i64: 128, 128>}, {transform_indices = @transform_6, window_bounds = array<i64: 2000, 128>}]} {
    %get3A = arith.constant 0 : index
    %get3A_0 = arith.constant 0 : index
    %get3A_1 = arith.constant 0 : index
    %get3A_2 = vector.load %arg1[%get3A, %get3A_0, %get3A_1] : memref<2x2000x128xf32, #tpu.memory_space<vmem>>, vector<2x2000x128xf32>
    %slice3A = vector.extract_strided_slice %get3A_2 {offsets = [0, 0, 0], sizes = [1, 2000, 128], strides = [1, 1, 1]} : vector<2x2000x128xf32> to vector<1x2000x128xf32>
    %squeeze3A = vector.shape_cast %slice3A : vector<1x2000x128xf32> to vector<2000x128xf32>
    %slice3A_3 = vector.extract_strided_slice %get3A_2 {offsets = [1, 0, 0], sizes = [1, 2000, 128], strides = [1, 1, 1]} : vector<2x2000x128xf32> to vector<1x2000x128xf32>
    %squeeze3A_4 = vector.shape_cast %slice3A_3 : vector<1x2000x128xf32> to vector<2000x128xf32>
    %add3A = arith.addf %squeeze3A, %squeeze3A_4 : vector<2000x128xf32>
    %get3A_5 = arith.constant 0 : index
    %get3A_6 = arith.constant 0 : index
    %get3A_7 = arith.constant 0 : index
    %get3A_8 = vector.load %arg2[%get3A_5, %get3A_6, %get3A_7] : memref<2x2000x1xf32, #tpu.memory_space<vmem>>, vector<2x2000x1xf32>
    %slice3A_9 = vector.extract_strided_slice %get3A_8 {offsets = [0, 0, 0], sizes = [1, 2000, 1], strides = [1, 1, 1]} : vector<2x2000x1xf32> to vector<1x2000x1xf32>
    %squeeze3A_10 = vector.shape_cast %slice3A_9 : vector<1x2000x1xf32> to vector<2000x1xf32>
    %slice3A_11 = vector.extract_strided_slice %get3A_8 {offsets = [1, 0, 0], sizes = [1, 2000, 1], strides = [1, 1, 1]} : vector<2x2000x1xf32> to vector<1x2000x1xf32>
    %squeeze3A_12 = vector.shape_cast %slice3A_11 : vector<1x2000x1xf32> to vector<2000x1xf32>
    %add3A_13 = arith.addf %squeeze3A_10, %squeeze3A_12 : vector<2000x1xf32>
    %max3A = arith.constant 1.000000e+00 : f32
    %max3A_14 = vector.broadcast %max3A : f32 to vector<2000x1xf32>
    %max3A_15 = arith.maximumf %add3A_13, %max3A_14 : vector<2000x1xf32>
    %div3A = vector.broadcast %max3A_15 : vector<2000x1xf32> to vector<2000x128xf32>
    %div3A_16 = arith.divf %add3A, %div3A : vector<2000x128xf32>
    %get3A_17 = arith.constant 0 : index
    %get3A_18 = arith.constant 0 : index
    %get3A_19 = vector.load %arg4[%get3A_17, %get3A_18] : memref<128x128xf32, #tpu.memory_space<vmem>>, vector<128x128xf32>
    %dot_general3A = arith.constant dense<0.000000e+00> : vector<2000x128xf32>
    %dot_general3A_20 = tpu.matmul %div3A_16, %get3A_19, %dot_general3A {dimension_numbers = #tpu.dot_dimension_numbers<[1], [0], [0], [1], [0, 0, 1, 1], [], []>, transpose_lhs_hint = false} : vector<2000x128xf32>, vector<128x128xf32>, vector<2000x128xf32> -> vector<2000x128xf32>
    %get3A_21 = arith.constant 0 : index
    %get3A_22 = arith.constant 0 : index
    %get3A_23 = vector.load %arg3[%get3A_21, %get3A_22] : memref<2000x128xf32, #tpu.memory_space<vmem>>, vector<2000x128xf32>
    %get3A_24 = arith.constant 0 : index
    %get3A_25 = arith.constant 0 : index
    %get3A_26 = vector.load %arg6[%get3A_24, %get3A_25] : memref<128x128xf32, #tpu.memory_space<vmem>>, vector<128x128xf32>
    %dot_general3A_27 = arith.constant dense<0.000000e+00> : vector<2000x128xf32>
    %dot_general3A_28 = tpu.matmul %get3A_23, %get3A_26, %dot_general3A_27 {dimension_numbers = #tpu.dot_dimension_numbers<[1], [0], [0], [1], [0, 0, 1, 1], [], []>, transpose_lhs_hint = false} : vector<2000x128xf32>, vector<128x128xf32>, vector<2000x128xf32> -> vector<2000x128xf32>
    %add3A_29 = arith.addf %dot_general3A_20, %dot_general3A_28 : vector<2000x128xf32>
    %get3A_30 = arith.constant 0 : index
    %get3A_31 = arith.constant 0 : index
    %get3A_32 = vector.load %arg5[%get3A_30, %get3A_31] : memref<1x128xf32, #tpu.memory_space<vmem>>, vector<1x128xf32>
    %add3A_33 = vector.broadcast %get3A_32 : vector<1x128xf32> to vector<2000x128xf32>
    %add3A_34 = arith.addf %add3A_29, %add3A_33 : vector<2000x128xf32>
    %swap3A = arith.constant 0 : index
    %swap3A_35 = arith.constant 0 : index
    %swap3A_36 = vector.load %arg7[%swap3A, %swap3A_35] : memref<2000x128xf32, #tpu.memory_space<vmem>>, vector<2000x128xf32>
    tpu.vector_store %arg7[%swap3A, %swap3A_35], %add3A_34 {strides = array<i32>} : memref<2000x128xf32, #tpu.memory_space<vmem>>, vector<2000x128xf32>,
    return
  }
  func.func @transform_0(%arg0: i32) -> (i32, i32, i32) {
    %c0_i32 = arith.constant 0 : i32
    %c0_i32_0 = arith.constant 0 : i32
    %c0_i32_1 = arith.constant 0 : i32
    return %c0_i32, %arg0, %c0_i32_0 : i32, i32, i32
  }
  func.func @transform_1(%arg0: i32) -> (i32, i32, i32) {
    %c0_i32 = arith.constant 0 : i32
    %c0_i32_0 = arith.constant 0 : i32
    %c0_i32_1 = arith.constant 0 : i32
    return %c0_i32, %arg0, %c0_i32_0 : i32, i32, i32
  }
  func.func @transform_2(%arg0: i32) -> (i32, i32) {
    %c0_i32 = arith.constant 0 : i32
    %c0_i32_0 = arith.constant 0 : i32
    return %arg0, %c0_i32 : i32, i32
  }
  func.func @transform_3(%arg0: i32) -> (i32, i32) {
    %c0_i32 = arith.constant 0 : i32
    %c0_i32_0 = arith.constant 0 : i32
    %c0_i32_1 = arith.constant 0 : i32
    return %c0_i32, %c0_i32_0 : i32, i32
  }
  func.func @transform_4(%arg0: i32) -> (i32, i32) {
    %c0_i32 = arith.constant 0 : i32
    %c0_i32_0 = arith.constant 0 : i32
    %c0_i32_1 = arith.constant 0 : i32
    return %c0_i32, %c0_i32_0 : i32, i32
  }
  func.func @transform_5(%arg0: i32) -> (i32, i32) {
    %c0_i32 = arith.constant 0 : i32
    %c0_i32_0 = arith.constant 0 : i32
    %c0_i32_1 = arith.constant 0 : i32
    return %c0_i32, %c0_i32_0 : i32, i32
  }
  func.func @transform_6(%arg0: i32) -> (i32, i32) {
    %c0_i32 = arith.constant 0 : i32
    %c0_i32_0 = arith.constant 0 : i32
    return %arg0, %c0_i32 : i32, i32
  }
}

</mosaic_0001>

<sc_bundles>
// kernel: kernel.6.cloned.1.call-start
scs
__scs_entry_jumppad:
0x0: {  	(pc) =	sbr.rel $0x88, $3  }
0x1: {  	(tag) =	ssettag $0x0;
	lr =	simm.s32 $0x1  }
0x2: {  	[smem:$0x3F99] =	sst lr;
	_ =	strace $0xD0000000  }
0x3: {  	_ = 	snop  }
0x4: {  	_ = 	snop  }
0x5: {  	_ = 	snop  }
0x6: {  	_ = 	snop  }
0x7: {  	_ = 	snop  }
__scs_overlays_trampoline_lowered:
0x8: {  	[smem:$0x3FA8] =	sst s0  }
0x9: {  	[smem:$0x3FA9] =	sst s1  }
0xa: {  	[smem:$0x3FAA] =	sst s2  }
0xb: {  	[smem:$0x3FAB] =	sst s3  }
0xc: {  	[smem:$0x3FAC] =	sst s4  }
0xd: {  	[smem:$0x3FAD] =	sst s5  }
0xe: {  	[smem:$0x3FAE] =	sst s6  }
0xf: {  	[smem:$0x3FAF] =	sst s7  }
0x10: {  	[smem:$0x3FB0] =	sst s8  }
0x11: {  	[smem:$0x3FB1] =	sst s9;
	s0 =	simm.s32 @!p0 $0x0  }
0x12: {  	s1 =	sld [smem:$0x3F97];
	s0 =	simm.s32 @p0 $0x1  }
0x13: {  	[smem:$0x3FB2] =	sst s0;
	s0 =	simm.s32 @!p1 $0x0  }
0x14: {  	s2 =	sld [smem:$0x3F96];
	s0 =	simm.s32 @p1 $0x1  }
0x15: {  	[smem:$0x3FB3] =	sst s0;
	s0 =	simm.s32 @!p2 $0x0  }
0x16: {  	s3 =	sld [smem:$0x3FDB];
	s0 =	simm.s32 @p2 $0x1  }
0x17: {  	s4 =	simm.s32 $0x1BF5;
	[smem:$0x3FB5] =	sst s0  }
0x18: {  	s0 =	sld [smem:$0x3F98];
	_ =	swait.ge [sflag:s4], $0x0  }
0x19: {  	s7 =	sld [smem:$0x3F99]  }
0x1a: {  	s8 =	sadd.s32 $0xFFFFE003, lr  }
0x1b: {  	s9 =	sadd.s32 $0xFFFFFEF7, lr;
	s5 =	simm.s32 $0xFFFFFFFF;
	p2 =	slt.u32 s8, $0xFFFFF086  }
0x1c: {  	p1 =	slt.u32 s9, $0xF7A;
	s5 =	simm.s32 @!p2 $0x0  }
0x1d: {  	s5 =	simm.s32 @p1 $0x1;
	p0 =	seq.s32 s7, s2  }
0x1e: {  	s7 =	smul.u32 @!p0 $0xF7A, s2;
	p2 =	seq.s32 @!p0 s5, $0x0  }
0x1f: {  	s9 =	smul.u32 $0xF7A, s1;
	s8 =	simm.s32 @!p0 $0x1BF5;
	p2 =	por !p2, p0  }
0x20: {  	[sflag:s8] =	ssyncset.s32 @!p0 $0xFFFFF086;
	s6 =	sadd.s32 @!p0 s3, s7;
	s7 =	simm.s32 @!p0 $0x108  }
0x21: {  	s3 =	sadd.s32 s3, s9;
	s6 =	sadd.s32 @!p0 $0x88, s6;
	s7 =	simm.s32 @p2 $0x1082  }
0x22: {  	[simem:s7], [sflag:s8] =	dma.local @!p0 [hbm:s6], $0xF7A  }
0x23: {  	s9 =	sor.u32 $0xD0000000, s2;
	s6 =	simm.s32 $0x108;
	_ =	swait.ge @!p0 [sflag:s8], $0x0  }
0x24: {  	s3 =	sadd.s32 $0x88, s3;
	s6 =	simm.s32 @!p1 $0x1082;
	[sflag:s4] =	ssyncset.s32 $0xFFFFF086  }
0x25: {  	[simem:s6], [sflag:s4] =	dma.local [hbm:s3], $0xF7A  }
0x26: {  	[smem:$0x3F99] =	sst s1;
	(tag) =	ssettag s2;
	_ =	strace s9  }
0x27: {  	s1 =	sld [smem:$0x3FA9]  }
0x28: {  	s2 =	sld [smem:$0x3FAA]  }
0x29: {  	s4 =	sld [smem:$0x3FAC]  }
0x2a: {  	p0 =	seq.s32 s5, $0x0;
	s5 =	sld [smem:$0x3FAD]  }
0x2b: {  	s6 =	sld [smem:$0x3FAE]  }
0x2c: {  	s7 =	sld [smem:$0x3FAF]  }
0x2d: {  	s3 =	simm.s32 $0x108;
	s8 =	sld [smem:$0x3FB0]  }
0x2e: {  	s3 =	simm.s32 @!p0 $0x1082;
	s9 =	sld [smem:$0x3FB1]  }
0x2f: {  	lr =	sadd.s32 s0, s3;
	s0 =	sld [smem:$0x3FA8]  }
0x30: {  	s3 =	sld [smem:$0x3FAB]  }
0x31: {  	[smem:$0x3FB4] =	sst s10  }
0x32: {  	s10 =	sld [smem:$0x3FB2];
	_ =	sdelay $0x3  }
0x33: {  	p0 =	seq.s32 s10, $0x1;
	s10 =	sld [smem:$0x3FB4];
	_ =	sdelay $0x3  }
0x34: {  	[smem:$0x3FB4] =	sst s10  }
0x35: {  	s10 =	sld [smem:$0x3FB3];
	_ =	sdelay $0x3  }
0x36: {  	p1 =	seq.s32 s10, $0x1;
	s10 =	sld [smem:$0x3FB4];
	_ =	sdelay $0x3  }
0x37: {  	[smem:$0x3FB4] =	sst s10  }
0x38: {  	s10 =	sld [smem:$0x3FB5]  }
0x39: {  	_ = 	snop;
	(pc) =	sbr.ind lr, $3  }
0x3a: {  	_ = 	snop  }
0x3b: {  	_ = 	snop  }
0x3c: {  	p2 =	seq.s32 s10, $0x1;
	s10 =	sld [smem:$0x3FB4]  }
0x3d: {  	_ =	shalt  }
0x3e: {  	_ =	shalt  }
0x3f: {  	_ =	shalt  }
0x40: {  	_ =	shalt  }
0x41: {  	_ =	shalt  }
0x42: {  	_ =	shalt  }
0x43: {  	_ =	shalt  }
0x44: {  	_ =	shalt  }
0x45: {  	_ =	shalt  }
0x46: {  	_ =	shalt  }
0x47: {  	_ =	shalt  }
0x48: {  	_ =	shalt  }
0x49: {  	_ =	shalt  }
0x4a: {  	_ =	shalt  }
0x4b: {  	_ =	shalt  }
0x4c: {  	_ =	shalt  }
0x4d: {  	_ =	shalt  }
0x4e: {  	_ =	shalt  }
0x4f: {  	_ =	shalt  }
0x50: {  	_ =	shalt  }
0x51: {  	_ =	shalt  }
0x52: {  	_ =	shalt  }
0x53: {  	_ =	shalt  }
0x54: {  	_ =	shalt  }
0x55: {  	_ =	shalt  }
0x56: {  	_ =	shalt  }
0x57: {  	_ =	shalt  }
0x58: {  	_ =	shalt  }
0x59: {  	_ =	shalt  }
0x5a: {  	_ =	shalt  }
0x5b: {  	_ =	shalt  }
0x5c: {  	_ =	shalt  }
0x5d: {  	_ =	shalt  }
0x5e: {  	_ =	shalt  }
0x5f: {  	_ =	shalt  }
0x60: {  	_ =	shalt  }
0x61: {  	_ =	shalt  }
0x62: {  	_ =	shalt  }
0x63: {  	_ =	shalt  }
0x64: {  	_ =	shalt  }
0x65: {  	_ =	shalt  }
0x66: {  	_ =	shalt  }
0x67: {  	_ =	shalt  }
0x68: {  	_ =	shalt  }
0x69: {  	_ =	shalt  }
0x6a: {  	_ =	shalt  }
0x6b: {  	_ =	shalt  }
0x6c: {  	_ =	shalt  }
0x6d: {  	_ =	shalt  }
0x6e: {  	_ =	shalt  }
0x6f: {  	_ =	shalt  }
0x70: {  	_ =	shalt  }
0x71: {  	_ =	shalt  }
0x72: {  	_ =	shalt  }
0x73: {  	_ =	shalt  }
0x74: {  	_ =	shalt  }
0x75: {  	_ =	shalt  }
0x76: {  	_ =	shalt  }
0x77: {  	_ =	shalt  }
0x78: {  	_ =	shalt  }
0x79: {  	_ =	shalt  }
0x7a: {  	_ =	shalt  }
0x7b: {  	_ =	shalt  }
0x7c: {  	_ =	shalt  }
0x7d: {  	_ =	shalt  }
0x7e: {  	_ =	shalt  }
0x7f: {  	_ =	shalt  }
0x80: {  	_ =	shalt  }
0x81: {  	_ =	shalt  }
0x82: {  	_ =	shalt  }
0x83: {  	_ =	shalt  }
0x84: {  	_ =	shalt  }
0x85: {  	_ =	shalt  }
0x86: {  	_ =	shalt  }
0x87: {  	_ =	shalt  }
.Lfunc_end0:
.L_simem_size_0:
called_computation_lowered:
.L_overlay_start_0:
0x88: {  	s2 =	sld [smem:$0x3FD9]  }
0x89: {  	s3 =	sld [smem:$0x3FFE];
	_ =	sdelay $0x1  }
0x8a: {  	s1 =	srdreg.scid  }
0x8b: {  	s0 =	sand.u32 $0x1, s1  }
0x8c: {  	s17 =	sshll.u32 s0, $0xA;
	s2 =	sadd.s32 s3, s2  }
0x8d: {  	s2 =	sadd.s32 s2, s17  }
0x8e: {  	[smem:$0x3FC0] =	sst s2  }
0x8f: {  	_ = 	snop  }
0x90: {  	s2 =	sld [smem:$0x3FC9]  }
0x91: {  	s18 =	sld [smem:$0x3FC8]  }
0x92: {  	s4 =	sld [smem:$0x3FD0];
	(tm) =	ssettm $0x1  }
0x93: {  	s5 =	sld [smem:$0x3FFB];
	_ =	sdelay $0x3  }
0x94: {  	_ =	strace s5  }
0x95: {  	s5 =	sld [smem:$0x3FFC];
	_ =	sdelay $0x3  }
0x96: {  	_ =	strace s5  }
0x97: {  	s5 =	sld [smem:$0x3FFD];
	_ =	sdelay $0x3  }
0x98: {  	_ =	strace s5  }
0x99: {  	_ =	strace $0x8FFFFFFF  }
0x9a: {  	s19 =	sld [smem:$0x3FDB];
	_ =	sdelay $0x1  }
0x9b: {  	s6 =	simm.s32 $_scs_section_size  }
0x9c: {  	s7 =	simm.s32 $_size__tile_overlayer_lowered;
	s8 =	simm.s32 $_tile_overlayer_lowered  }
0x9d: {  	s22 =	simm.s32 $0x1BFF;
	s21 =	sshll.u32 s8, $0x1;
	s5 =	sadd.s32 s6, s19  }
0x9e: {  	s9 =	simm.s32 $0x0;
	s20 =	sshll.u32 s7, $0x1;
	s7 =	sadd.s32 s21, s5  }
0x9f: {  	[timem:s9], [sflag:s22] =	dma.local [hbm:s7], s20  }
0xa0: {  	_ =	swait.ge [sflag:s22], s20  }
0xa1: {  	s6 =	ssub.s32 $0x0, s20;
	[sflag:s22] =	ssyncset.done $0x0  }
0xa2: {  	[sflag:s22] =	ssyncadd.s32 s6;
	_ =	sdelay $0x1  }
0xa3: {  	s23 =	simm.s32 $0x1B8B  }
0xa4: {  	_ =	swait.ge [sflag:s23], $0x1  }
0xa5: {  	[sflag:s23] =	ssyncset.done $0x0  }
0xa6: {  	s25 =	simm.s32 $0x1B8E;
	s24 =	sld [smem:$0x3FFE];
	[sflag:s23] =	ssyncadd.s32 $0xFFFFFFFF  }
0xa7: {  	s26 =	simm.s32 $execute0_lowered;
	[smem:$0x3FD2] =	sst s25  }
0xa8: {  	s7 =	sshll.u32 s26, $0x1;
	_ =	strace $0x80000046;
	[dreg:$0x1] =	wrdreg $0xFFFFFFFF  }
0xa9: {  	s28 =	simm.s32 $_size_execute0_lowered;
	s5 =	sadd.s32 s5, s7;
	[dreg:$0x0] =	wrdreg $0x0  }
0xaa: {  	s7 =	sshll.u32 s28, $0x1;
	[dreg:$0x2] =	wrdreg s5  }
0xab: {  	[dreg:$0x3] =	wrdreg s7  }
0xac: {  	[dreg:$0x4] =	wrdreg $0xC0  }
0xad: {  	_ =	task [dreg:s9], $0x5FFFF  }
0xae: {  	[dreg:$0x1] =	wrdreg $0xFFFFFFFF  }
0xaf: {  	[dreg:$0x0] =	wrdreg $0x60  }
0xb0: {  	[dreg:$0x2] =	wrdreg s2  }
0xb1: {  	[dreg:$0x3] =	wrdreg s18  }
0xb2: {  	[dreg:$0x4] =	wrdreg s24  }
0xb3: {  	[dreg:$0x5] =	wrdreg s4  }
0xb4: {  	[dreg:$0x6] =	wrdreg $0x82000  }
0xb5: {  	[dreg:$0x7] =	wrdreg $0x1E3000  }
0xb6: {  	[dreg:$0x8] =	wrdreg $0x9  }
0xb7: {  	_ =	task.clear_ibuf [dreg:s9], $0x9FFFF;
	_ =	strace $0x90000046  }
0xb8: {  	s29 =	simm.s32 $0x9;
	_ =	strace $0x80000048  }
0xb9: {  	_ =	swait.ge [sflag:s29], $0x1  }
0xba: {  	[sflag:s29] =	ssyncadd.s32 $0xFFFFFFFF  }
0xbb: {  	_ =	strace $0x90000048  }
0xbc: {  	_ =	sfence  }
0xbd: {  	s30 =	sld [smem:$0x0];
	_ =	sdelay $0x2  }
0xbe: {  	s31 =	sshll.u32 s1, $0xD;
	s1 =	sshrl.u32 s1, $0x2  }
0xbf: {  	s3 =	sand.u32 $0x4000, s31;
	s1 =	sadd.s32 s1, s30  }
0xc0: {  	s0 =	sor.u32 s3, s0;
	s1 =	sshll.u32 s1, $0x11  }
0xc1: {  	s0 =	sor.u32 s1, s0  }
0xc2: {  	s0 =	sadd.s32 $0x8F2B, s0  }
0xc3: {  	[sflag:s0] =	ssyncadd.remote.s32 $0x1  }
0xc4: {  	_ =	sfence.sel $0xFFFF  }
0xc5: {  	[dreg:$0x0] =	wrdreg $0xFFFFFFFF;
	(pc) =	sbr.abs _section_cstart, $3  }
0xc6: {  	[dreg:$0x1] =	wrdreg $0xFFFFFFFF  }
0xc7: {  	_ =	task.clear_ibuf [dreg:s9], $0x2FFFF;
	_ =	strace $0x9FFFFFFF  }
0xc8: {  	(tm) =	ssettm $0x7FFFFFFF  }
0xc9: {  	_ =	shalt  }
tec
execute0_lowered:
.L_overlay_start_1:
0x0: {  	(tag) =	ssettag $0x1  }
0x1: {  	s0 =	rddreg [dreg:$0x0]  }
0x2: {  	s1 =	rddreg [dreg:$0x1]  }
0x3: {  	s3 =	rddreg [dreg:$0x2]  }
0x4: {  	s5 =	rddreg [dreg:$0x3]  }
0x5: {  	s2 =	rddreg [dreg:$0x4]  }
0x6: {  	s15 =	rddreg [dreg:$0x5];
	s4 =	simm.s32 $0x0;
	s16 =	stileid.u32  }
0x7: {  	s6 =	srdreg.scid;
	s28 =	simm.s32 $0x80;
	s29 =	simm.s32 $0x200  }
0x8: {  	s30 =	simm.s32 $0x180;
	s31 =	simm.s32 $0x3;
	[smem:$0x7FF] =	sst s4  }
0x9: {  	s7 =	smul.u32 $0x4E000, s16;
	s3 =	sadd.s32 $0x2200, s3;
	s8 =	sand.u32 $0x1, s6  }
0xa: {  	s22 =	sshll.u32 s16, $0x1;
	s11 =	sadd.s32 $0x124800, s2;
	s14 =	sadd.s32 $0x128800, s2  }
0xb: {  	s13 =	sadd.s32 $0x12C800, s2;
	s18 =	smul.u32 $0x13800, s16;
	p0 =	slt.u32 s16, $0x2  }
0xc: {  	s21 =	sshll.u32 s16, $0xA;
	p1 =	sne.s32 s16, $0xF;
	p2 =	seq.s32 s16, $0xF  }
0xd: {  	p4 =	sgt.u32 s16, $0x1;
	_ =	strace $0x80000047;
	s9 =	ssub.s32 $0x2, s8  }
0xe: {  	s12 =	sor.u32 s8, s22;
	[dreg:$0xb] =	wrdreg s14;
	s17 =	smul.u32 $0x138800, s8  }
0xf: {  	[dreg:$0xc] =	wrdreg s13;
	s14 =	sadd.s32 $0x130800, s2;
	s19 =	smul.u32 $0x2800, s8  }
0x10: {  	s22 =	smul.u32 $0x1380, s16;
	p3 =	sgt.u32 @p1 s16, $0x9;
	s7 =	sshrl.u32 s7, $0x2  }
0x11: {  	s10 =	sshrl.u32 s9, $0x1;
	s26 =	smul.u32 $0x4E, s12;
	s12 =	smin.u32 s12, $0x4  }
0x12: {  	[dreg:$0xd] =	wrdreg s14;
	p3 =	por p3, !p1;
	s6 =	sadd.s32 s7, s2  }
0x13: {  	s9 =	ssub.s32 s9, s10;
	s13 =	sadd.s32 s18, s17;
	s14 =	sadd.s32 s21, s19  }
0x14: {  	s10 =	sshrl.u32 s17, $0x3;
	s17 =	simm.s32 $0x4F;
	s7 =	sadd.s32 $0x4000, s6  }
0x15: {  	s23 =	sadd.s32 $0x8000, s6;
	s24 =	sadd.s32 $0xC000, s6;
	[dreg:$0x7] =	wrdreg s7  }
0x16: {  	s25 =	sadd.s32 $0x10000, s6;
	s13 =	sshrl.u32 s13, $0x3;
	[dreg:$0x8] =	wrdreg s23  }
0x17: {  	s20 =	sshrl.u32 s14, $0x3;
	s17 =	simm.s32 @!p0 $0x4E;
	[dreg:$0x9] =	wrdreg s24  }
0x18: {  	p0 =	sne.s32 s16, $0x0;
	[dreg:$0xa] =	wrdreg s25;
	s7 =	sadd.s32 s12, s26  }
0x19: {  	s13 =	sadd.s32 s3, s13;
	s5 =	sadd.s32 s5, s20;
	s3 =	sadd.s32 s3, s10  }
0x1a: {  	s23 =	smul.u32 $0x9C0, s8;
	s24 =	sadd.s32 $0x134800, s2;
	s26 =	sshll.u32 s12, $0x5  }
0x1b: {  	s8 =	simm.s32 $0x4;
	s10 =	simm.s32 $0x7;
	[dreg:$0xe] =	wrdreg s13  }
0x1c: {  	s12 =	simm.s32 $0x0;
	s7 =	sshll.u32 s7, $0x5;
	[dreg:$0xf] =	wrdreg s5  }
0x1d: {  	[dreg:$0x10] =	wrdreg s24;
	s5 =	sadd.s32 s21, s15;
	s21 =	sadd.s32 $0x24900, s3  }
0x1e: {  	s24 =	simm.s32 $0x100;
	s3 =	simm.s32 $0x4200;
	s18 =	sadd.s32 s1, s7  }
0x1f: {  	s1 =	sadd.s32 s22, s1;
	s22 =	smax.u32 s9, $0x1;
	s7 =	simm.s32 $0x5  }
0x20: {  	v0 =	vlaneseq.u32;
	s9 =	simm.s32 $0x6;
	s1 =	sadd.s32 s23, s1;
	s25 =	sadd.s32 $0x10, s18  }
0x21: {  	v1 =	vimm.f32 $0.0e+00;
	v2 =	vor.u32 $0x10, v0;
	[dreg:$0x11] =	wrdreg s25;
	s23 =	sadd.s32 s26, s1;
	s25 =	sshrl.u32 @!p3 s5, $0x3  }
0x22: {  	v3 =	vor.u32 $0x20, v0;
	v4 =	vor.u32 $0x30, v0;
	v5 =	vor.u32 $0x40, v0;
	s26 =	simm.s32 $0x1;
	s1 =	simm.s32 $0x1BA80;
	s5 =	simm.s32 $0x2  }
.LBB2_1:
0x23: {  	s13 =	simm.s32 $0x0;
	s14 =	simm.s32 $0x200  }
.LBB2_2:
0x24: {  	p5 =	sne.s32 s14, $0xFE00;
	[tilespmem:s13+$0x270] =	vst v1  }
0x25: {  	[tilespmem:s13+$0x200] =	vst v1  }
0x26: {  	[tilespmem:s13+$0x210] =	vst v1  }
.Ltmp0:
0x27: {  	[tilespmem:s13+$0x220] =	vst v1;
	(pc) =	sbr.rel @p5 .LBB2_2-.Ltmp0, $4  }
0x28: {  	[tilespmem:s13+$0x230] =	vst v1  }
0x29: {  	[tilespmem:s13+$0x240] =	vst v1  }
0x2a: {  	[tilespmem:s13+$0x250] =	vst v1  }
0x2b: {  	[tilespmem:s13+$0x260] =	vst v1;
	s13 =	sshra.s32 s14, $0x2;
	s14 =	sadd.s32 $0x200, s14  }
0x2c: {  	[tilespmem:s13+$0x270] =	vst v1  }
0x2d: {  	[tilespmem:s13+$0x200] =	vst v1  }
0x2e: {  	[tilespmem:s13+$0x210] =	vst v1  }
0x2f: {  	[tilespmem:s13+$0x220] =	vst v1  }
0x30: {  	[tilespmem:s13+$0x230] =	vst v1  }
0x31: {  	[tilespmem:s13+$0x240] =	vst v1  }
0x32: {  	[tilespmem:s13+$0x250] =	vst v1  }
0x33: {  	[tilespmem:s13+$0x260] =	vst v1;
	s13 =	simm.s32 @p2 $0x200;
	s14 =	simm.s32 @p2 $0x7  }
0x34: {  	[spmem:s11] =	stream.linear.scatter @p2 [tilespmem:s13], [sflag:$0x7], $0x4000, $0x38;
	[tilespmem:$0x1E580] =	vst v63  }
0x35: {  	_ =	swait.ge @p2 [sflag:s14], $0x4000  }
0x36: {  	[sflag:s14] =	ssyncset.done @p2 $0x0  }
0x37: {  	s16 =	rddreg [dreg:$0xb];
	[sflag:s14] =	ssyncadd.s32 @p2 $0xFFFFC000  }
0x38: {  	[spmem:s16] =	stream.linear.scatter @p2 [tilespmem:s13], [sflag:$0x7], $0x4000, $0x38;
	[tilespmem:$0x1E580] =	vst v63  }
0x39: {  	_ =	swait.ge @p2 [sflag:s14], $0x4000  }
0x3a: {  	[sflag:s14] =	ssyncset.done @p2 $0x0  }
0x3b: {  	s16 =	rddreg [dreg:$0xc];
	[sflag:s14] =	ssyncadd.s32 @p2 $0xFFFFC000  }
0x3c: {  	[spmem:s16] =	stream.linear.scatter @p2 [tilespmem:s13], [sflag:$0x7], $0x4000, $0x38;
	[tilespmem:$0x1E580] =	vst v63  }
0x3d: {  	_ =	swait.ge @p2 [sflag:s14], $0x4000  }
0x3e: {  	[sflag:s14] =	ssyncset.done @p2 $0x0  }
0x3f: {  	s16 =	rddreg [dreg:$0xd];
	[sflag:s14] =	ssyncadd.s32 @p2 $0xFFFFC000  }
0x40: {  	[spmem:s16] =	stream.linear.scatter @p2 [tilespmem:s13], [sflag:$0x7], $0x4000, $0x38;
	[tilespmem:$0x1E580] =	vst v63  }
0x41: {  	_ =	swait.ge @p2 [sflag:s14], $0x4000  }
0x42: {  	[sflag:s14] =	ssyncset.done @p2 $0x0  }
0x43: {  	s16 =	rddreg [dreg:$0x10];
	[sflag:s14] =	ssyncadd.s32 @p2 $0xFFFFC000  }
0x44: {  	[spmem:s16] =	stream.linear.scatter @p2 [tilespmem:s13], [sflag:$0x7], $0x4000, $0x38;
	[tilespmem:$0x1E580] =	vst v63  }
0x45: {  	_ =	swait.ge @p2 [sflag:s14], $0x4000  }
0x46: {  	[sflag:s14] =	ssyncset.done @p2 $0x0  }
0x47: {  	s13 =	simm.s32 @!p2 $0x200;
	[sflag:s14] =	ssyncadd.s32 @p2 $0xFFFFC000;
	s14 =	simm.s32 @!p2 $0x7  }
0x48: {  	[spmem:s6] =	stream.linear.scatter @!p2 [tilespmem:s13], [sflag:$0x7], $0x4000, $0x38;
	[tilespmem:$0x1E580] =	vst v63  }
0x49: {  	_ =	swait.ge @!p2 [sflag:s14], $0x4000  }
0x4a: {  	[sflag:s14] =	ssyncset.done @!p2 $0x0  }
0x4b: {  	s16 =	rddreg [dreg:$0x7];
	[sflag:s14] =	ssyncadd.s32 @!p2 $0xFFFFC000  }
0x4c: {  	[spmem:s16] =	stream.linear.scatter @!p2 [tilespmem:s13], [sflag:$0x7], $0x4000, $0x38;
	[tilespmem:$0x1E580] =	vst v63  }
0x4d: {  	_ =	swait.ge @!p2 [sflag:s14], $0x4000  }
0x4e: {  	[sflag:s14] =	ssyncset.done @!p2 $0x0  }
0x4f: {  	s16 =	rddreg [dreg:$0x8];
	[sflag:s14] =	ssyncadd.s32 @!p2 $0xFFFFC000  }
0x50: {  	[spmem:s16] =	stream.linear.scatter @!p2 [tilespmem:s13], [sflag:$0x7], $0x4000, $0x38;
	[tilespmem:$0x1E580] =	vst v63  }
0x51: {  	_ =	swait.ge @!p2 [sflag:s14], $0x4000  }
0x52: {  	[sflag:s14] =	ssyncset.done @!p2 $0x0  }
0x53: {  	s16 =	rddreg [dreg:$0x9];
	[sflag:s14] =	ssyncadd.s32 @!p2 $0xFFFFC000  }
0x54: {  	[spmem:s16] =	stream.linear.scatter @!p2 [tilespmem:s13], [sflag:$0x7], $0x4000, $0x38;
	[tilespmem:$0x1E580] =	vst v63  }
0x55: {  	_ =	swait.ge @!p2 [sflag:s14], $0x4000  }
0x56: {  	[sflag:s14] =	ssyncset.done @!p2 $0x0  }
0x57: {  	s16 =	rddreg [dreg:$0xa];
	[sflag:s14] =	ssyncadd.s32 @!p2 $0xFFFFC000  }
0x58: {  	[spmem:s16] =	stream.linear.scatter @!p2 [tilespmem:s13], [sflag:$0x7], $0x3800, $0x38;
	[tilespmem:$0x1E580] =	vst v63  }
0x59: {  	_ =	swait.ge @!p2 [sflag:s14], $0x3800  }
0x5a: {  	[sflag:s14] =	ssyncset.done @!p2 $0x0  }
0x5b: {  	s13 =	simm.s32 $0x0;
	[sflag:s14] =	ssyncadd.s32 @!p2 $0xFFFFC800;
	s14 =	simm.s32 $0x200  }
.LBB2_4:
0x5c: {  	p5 =	sne.s32 s14, $0x9E00;
	[tilespmem:s13+$0x1BAF0] =	vst v1  }
0x5d: {  	[tilespmem:s13+$0x1BA80] =	vst v1  }
0x5e: {  	[tilespmem:s13+$0x1BA90] =	vst v1  }
.Ltmp1:
0x5f: {  	[tilespmem:s13+$0x1BAA0] =	vst v1;
	(pc) =	sbr.rel @p5 .LBB2_4-.Ltmp1, $4  }
0x60: {  	[tilespmem:s13+$0x1BAB0] =	vst v1  }
0x61: {  	[tilespmem:s13+$0x1BAC0] =	vst v1  }
0x62: {  	[tilespmem:s13+$0x1BAD0] =	vst v1  }
0x63: {  	[tilespmem:s13+$0x1BAE0] =	vst v1;
	s13 =	sshra.s32 s14, $0x2;
	s14 =	sadd.s32 $0x200, s14  }
0x64: {  	[tilespmem:s13+$0x1BAF0] =	vst v1  }
0x65: {  	[tilespmem:s13+$0x1BA80] =	vst v1  }
0x66: {  	[tilespmem:s13+$0x1BA90] =	vst v1  }
0x67: {  	[tilespmem:s13+$0x1BAA0] =	vst v1  }
0x68: {  	[tilespmem:s13+$0x1BAB0] =	vst v1  }
0x69: {  	[tilespmem:s13+$0x1BAC0] =	vst v1  }
0x6a: {  	[tilespmem:s13+$0x1BAD0] =	vst v1  }
0x6b: {  	[tilespmem:s13+$0x1BAE0] =	vst v1  }
0x6c: {  	[tilespmem:$0x1E280] =	vst v0  }
0x6d: {  	[tilespmem:$0x1E290] =	vst v2  }
0x6e: {  	[tilespmem:$0x1E2A0] =	vst v3  }
0x6f: {  	[tilespmem:$0x1E2B0] =	vst v4  }
0x70: {  	s13 =	simm.s32 @!p0 $0x200;
	[tilespmem:$0x1E2C0] =	vst v5  }
0x71: {  	[spmem:s15] =	stream.linear.scatter @!p0 [tilespmem:s13], [sflag:$0x7], $0x2800, $0x38;
	[tilespmem:$0x1E580] =	vst v63  }
0x72: {  	s13 =	simm.s32 @!p0 $0x7  }
0x73: {  	_ =	swait.ge @!p0 [sflag:s13], $0x2800  }
0x74: {  	[sflag:s13] =	ssyncset.done @!p0 $0x0  }
0x75: {  	[sflag:s13] =	ssyncadd.s32 @!p0 $0xFFFFD800  }
0x76: {  	s13 =	simm.s32 $0x0;
	[bflag:$0x0] =	sbarrier.arrive $0xFFFF  }
0x77: {  	[tilespmem:s13], [sflag:$0x1] =	stream.linear.gather [hbm4b:s18+s13], $0x80, $0x38;
	[tilespmem:$0x1E580] =	vst v63  }
0x78: {  	s14 =	rddreg [dreg:$0x11]  }
0x79: {  	[tilespmem:s24], [sflag:$0x1] =	stream.linear.gather [hbm4b:s14+s13], $0x80, $0x38;
	[tilespmem:$0x1E580] =	vst v63  }
0x7a: {  	_ =	swait.ge [sflag:s26], $0x80  }
0x7b: {  	[sflag:s26] =	ssyncset.done $0x0  }
0x7c: {  	[sflag:s26] =	ssyncadd.s32 $0xFFFFFF80  }
0x7d: {  	_ =	swait.ge [sflag:s26], $0x80  }
0x7e: {  	[sflag:s26] =	ssyncset.done $0x0  }
0x7f: {  	s20 =	smov.u32 s15;
	s14 =	simm.s32 $0x2;
	[sflag:s26] =	ssyncadd.s32 $0xFFFFFF80  }
0x80: {  	[tilespmem:s29], [sflag:$0x3] =	stream.indirect.gather [hbm4b:s0+s28], $0x80, s13, s28, $0xb8;
	[tilespmem:$0x1E580] =	vst v63  }
.LBB2_6:
0x81: {  	p5 =	seq.s32 s13, $0x0  }
0x82: {  	s15 =	simm.s32 @!p5 $0x6  }
0x83: {  	_ =	swait.ge @!p5 [sflag:s15], $0x4000  }
0x84: {  	s16 =	sadd.s32 s13, s23;
	[sflag:s15] =	ssyncset.done @!p5 $0x0  }
0x85: {  	s19 =	sadd.s32 $0x20, s16;
	[sflag:s15] =	ssyncadd.s32 @!p5 $0xFFFFC000  }
0x86: {  	[tilespmem:s28], [sflag:$0x2] =	stream.linear.gather [hbm4b:s19+s4], $0x80, $0x38;
	[tilespmem:$0x1E580] =	vst v63  }
0x87: {  	s19 =	sadd.s32 $0x30, s16  }
0x88: {  	[tilespmem:s30], [sflag:$0x2] =	stream.linear.gather [hbm4b:s19+s4], $0x80, $0x38;
	[tilespmem:$0x1E580] =	vst v63  }
0x89: {  	_ =	swait.ge [sflag:s31], $0x4000  }
0x8a: {  	[sflag:s31] =	ssyncset.done $0x0  }
0x8b: {  	[sflag:s31] =	ssyncadd.s32 $0xFFFFC000  }
0x8c: {  	[spmem:s2] =	stream.indirect.scatter.add.f32 [tilespmem:s29], [sflag:$0x5], $0x80, s24, s28, $0xb8;
	[tilespmem:$0x1E580] =	vst v63  }
0x8d: {  	v6 =	vld [tilespmem:$0x100];
	_ =	sdelay $0x4  }
0x8e: {  	(xrf1) =	vunique.msk.u32 $0xffff, v6;
	_ =	sdelay $0xd  }
0x8f: {  	_, v7, vm0 =	vpop (xrf1);
	_ =	sdelay $0x3  }
0x90: {  	v7 =	vcvt.s32.f32 v7;
	_ =	sdelay $0x1  }
0x91: {  	[tilespmem:v6+s1+$0x0] =	vst.idx.add.f32.msk vm0, v7  }
0x92: {  	v6 =	vld [tilespmem:$0x110];
	_ =	sdelay $0x4  }
0x93: {  	(xrf1) =	vunique.msk.u32 $0xffff, v6;
	_ =	sdelay $0xd  }
0x94: {  	_, v7, vm0 =	vpop (xrf1);
	_ =	sdelay $0x3  }
0x95: {  	v7 =	vcvt.s32.f32 v7;
	_ =	sdelay $0x1  }
0x96: {  	[tilespmem:v6+s1+$0x0] =	vst.idx.add.f32.msk vm0, v7  }
0x97: {  	v6 =	vld [tilespmem:$0x120];
	_ =	sdelay $0x4  }
0x98: {  	(xrf1) =	vunique.msk.u32 $0xffff, v6;
	_ =	sdelay $0xd  }
0x99: {  	_, v7, vm0 =	vpop (xrf1);
	_ =	sdelay $0x3  }
0x9a: {  	v7 =	vcvt.s32.f32 v7;
	_ =	sdelay $0x1  }
0x9b: {  	[tilespmem:v6+s1+$0x0] =	vst.idx.add.f32.msk vm0, v7  }
0x9c: {  	v6 =	vld [tilespmem:$0x130];
	_ =	sdelay $0x4  }
0x9d: {  	(xrf1) =	vunique.msk.u32 $0xffff, v6;
	_ =	sdelay $0xd  }
0x9e: {  	_, v7, vm0 =	vpop (xrf1);
	_ =	sdelay $0x3  }
0x9f: {  	v7 =	vcvt.s32.f32 v7;
	_ =	sdelay $0x1  }
0xa0: {  	[tilespmem:v6+s1+$0x0] =	vst.idx.add.f32.msk vm0, v7  }
0xa1: {  	v6 =	vld [tilespmem:$0x140];
	_ =	sdelay $0x4  }
0xa2: {  	(xrf1) =	vunique.msk.u32 $0xffff, v6;
	_ =	sdelay $0xd  }
0xa3: {  	_, v7, vm0 =	vpop (xrf1);
	_ =	sdelay $0x3  }
0xa4: {  	v7 =	vcvt.s32.f32 v7;
	_ =	sdelay $0x1  }
0xa5: {  	[tilespmem:v6+s1+$0x0] =	vst.idx.add.f32.msk vm0, v7  }
0xa6: {  	v6 =	vld [tilespmem:$0x150];
	_ =	sdelay $0x4  }
0xa7: {  	(xrf1) =	vunique.msk.u32 $0xffff, v6;
	_ =	sdelay $0xd  }
0xa8: {  	_, v7, vm0 =	vpop (xrf1);
	_ =	sdelay $0x3  }
0xa9: {  	v7 =	vcvt.s32.f32 v7;
	_ =	sdelay $0x1  }
0xaa: {  	[tilespmem:v6+s1+$0x0] =	vst.idx.add.f32.msk vm0, v7  }
0xab: {  	v6 =	vld [tilespmem:$0x160];
	_ =	sdelay $0x4  }
0xac: {  	(xrf1) =	vunique.msk.u32 $0xffff, v6;
	_ =	sdelay $0xd  }
0xad: {  	_, v7, vm0 =	vpop (xrf1);
	_ =	sdelay $0x3  }
0xae: {  	v7 =	vcvt.s32.f32 v7;
	_ =	sdelay $0x1  }
0xaf: {  	[tilespmem:v6+s1+$0x0] =	vst.idx.add.f32.msk vm0, v7  }
0xb0: {  	v6 =	vld [tilespmem:$0x170];
	_ =	sdelay $0x4  }
0xb1: {  	(xrf1) =	vunique.msk.u32 $0xffff, v6;
	_ =	sdelay $0xd  }
0xb2: {  	_, v7, vm0 =	vpop (xrf1);
	_ =	sdelay $0x3  }
0xb3: {  	v7 =	vcvt.s32.f32 v7;
	_ =	sdelay $0x1  }
0xb4: {  	[tilespmem:v6+s1+$0x0] =	vst.idx.add.f32.msk vm0, v7  }
0xb5: {  	_ =	swait.ge [sflag:s5], $0x80  }
0xb6: {  	[sflag:s5] =	ssyncset.done $0x0  }
0xb7: {  	[sflag:s5] =	ssyncadd.s32 $0xFFFFFF80  }
0xb8: {  	_ =	swait.ge [sflag:s5], $0x80  }
0xb9: {  	[sflag:s5] =	ssyncset.done $0x0  }
0xba: {  	[sflag:s5] =	ssyncadd.s32 $0xFFFFFF80  }
0xbb: {  	[tilespmem:s3], [sflag:$0x4] =	stream.indirect.gather [hbm4b:s0+s28], $0x80, s28, s28, $0xb8;
	[tilespmem:$0x1E580] =	vst v63  }
0xbc: {  	p5 =	sge.u32 s14, s17;
	_ =	swait.ge [sflag:s7], $0x4000  }
0xbd: {  	s15 =	sadd.s32 @!p5 s13, s23;
	[sflag:s7] =	ssyncset.done $0x0  }
0xbe: {  	s16 =	sadd.s32 @!p5 $0x40, s15;
	s19 =	simm.s32 @!p5 $0x0;
	[sflag:s7] =	ssyncadd.s32 $0xFFFFC000  }
0xbf: {  	[tilespmem:s19], [sflag:$0x1] =	stream.linear.gather @!p5 [hbm4b:s16+s19], $0x80, $0x38;
	[tilespmem:$0x1E580] =	vst v63  }
0xc0: {  	s15 =	sadd.s32 @!p5 $0x50, s15;
	s16 =	simm.s32 @!p5 $0x100  }
0xc1: {  	[tilespmem:s16], [sflag:$0x1] =	stream.linear.gather @!p5 [hbm4b:s15+s19], $0x80, $0x38;
	[tilespmem:$0x1E580] =	vst v63  }
0xc2: {  	s15 =	simm.s32 @!p5 $0x1  }
0xc3: {  	_ =	swait.ge @!p5 [sflag:s15], $0x80  }
0xc4: {  	[sflag:s15] =	ssyncset.done @!p5 $0x0  }
0xc5: {  	[sflag:s15] =	ssyncadd.s32 @!p5 $0xFFFFFF80  }
0xc6: {  	_ =	swait.ge @!p5 [sflag:s15], $0x80  }
0xc7: {  	[sflag:s15] =	ssyncset.done @!p5 $0x0  }
0xc8: {  	s16 =	simm.s32 @!p5 $0x200;
	[sflag:s15] =	ssyncadd.s32 @!p5 $0xFFFFFF80;
	s15 =	simm.s32 @!p5 $0x80  }
0xc9: {  	[tilespmem:s16], [sflag:$0x3] =	stream.indirect.gather @!p5 [hbm4b:s0+s15], $0x80, s19, s15, $0xb8;
	[tilespmem:$0x1E580] =	vst v63  }
0xca: {  	_ =	swait.ge [sflag:s8], $0x4000  }
0xcb: {  	[sflag:s8] =	ssyncset.done $0x0  }
0xcc: {  	[sflag:s8] =	ssyncadd.s32 $0xFFFFC000  }
0xcd: {  	[spmem:s2] =	stream.indirect.scatter.add.f32 [tilespmem:s3], [sflag:$0x6], $0x80, s30, s28, $0xb8;
	[tilespmem:$0x1E580] =	vst v63  }
0xce: {  	v6 =	vld [tilespmem:$0x180];
	_ =	sdelay $0x4  }
0xcf: {  	(xrf1) =	vunique.msk.u32 $0xffff, v6;
	_ =	sdelay $0xd  }
0xd0: {  	_, v7, vm0 =	vpop (xrf1);
	_ =	sdelay $0x3  }
0xd1: {  	v7 =	vcvt.s32.f32 v7;
	_ =	sdelay $0x1  }
0xd2: {  	[tilespmem:v6+s1+$0x0] =	vst.idx.add.f32.msk vm0, v7  }
0xd3: {  	v6 =	vld [tilespmem:$0x190];
	_ =	sdelay $0x4  }
0xd4: {  	(xrf1) =	vunique.msk.u32 $0xffff, v6;
	_ =	sdelay $0xd  }
0xd5: {  	_, v7, vm0 =	vpop (xrf1);
	_ =	sdelay $0x3  }
0xd6: {  	v7 =	vcvt.s32.f32 v7;
	_ =	sdelay $0x1  }
0xd7: {  	[tilespmem:v6+s1+$0x0] =	vst.idx.add.f32.msk vm0, v7  }
0xd8: {  	v6 =	vld [tilespmem:$0x1A0];
	_ =	sdelay $0x4  }
0xd9: {  	(xrf1) =	vunique.msk.u32 $0xffff, v6;
	_ =	sdelay $0xd  }
0xda: {  	_, v7, vm0 =	vpop (xrf1);
	_ =	sdelay $0x3  }
0xdb: {  	v7 =	vcvt.s32.f32 v7;
	_ =	sdelay $0x1  }
0xdc: {  	[tilespmem:v6+s1+$0x0] =	vst.idx.add.f32.msk vm0, v7  }
0xdd: {  	v6 =	vld [tilespmem:$0x1B0];
	_ =	sdelay $0x4  }
0xde: {  	(xrf1) =	vunique.msk.u32 $0xffff, v6;
	_ =	sdelay $0xd  }
0xdf: {  	_, v7, vm0 =	vpop (xrf1);
	_ =	sdelay $0x3  }
0xe0: {  	v7 =	vcvt.s32.f32 v7;
	_ =	sdelay $0x1  }
0xe1: {  	[tilespmem:v6+s1+$0x0] =	vst.idx.add.f32.msk vm0, v7  }
0xe2: {  	v6 =	vld [tilespmem:$0x1C0];
	_ =	sdelay $0x4  }
0xe3: {  	(xrf1) =	vunique.msk.u32 $0xffff, v6;
	_ =	sdelay $0xd  }
0xe4: {  	_, v7, vm0 =	vpop (xrf1);
	_ =	sdelay $0x3  }
0xe5: {  	v7 =	vcvt.s32.f32 v7;
	_ =	sdelay $0x1  }
0xe6: {  	[tilespmem:v6+s1+$0x0] =	vst.idx.add.f32.msk vm0, v7  }
0xe7: {  	v6 =	vld [tilespmem:$0x1D0];
	_ =	sdelay $0x4  }
0xe8: {  	(xrf1) =	vunique.msk.u32 $0xffff, v6;
	_ =	sdelay $0xd  }
0xe9: {  	_, v7, vm0 =	vpop (xrf1);
	_ =	sdelay $0x3  }
0xea: {  	v7 =	vcvt.s32.f32 v7;
	_ =	sdelay $0x1  }
0xeb: {  	[tilespmem:v6+s1+$0x0] =	vst.idx.add.f32.msk vm0, v7  }
0xec: {  	v6 =	vld [tilespmem:$0x1E0];
	_ =	sdelay $0x4  }
0xed: {  	(xrf1) =	vunique.msk.u32 $0xffff, v6;
	_ =	sdelay $0xd  }
0xee: {  	_, v7, vm0 =	vpop (xrf1);
	_ =	sdelay $0x3  }
0xef: {  	v7 =	vcvt.s32.f32 v7;
	_ =	sdelay $0x1  }
0xf0: {  	[tilespmem:v6+s1+$0x0] =	vst.idx.add.f32.msk vm0, v7  }
0xf1: {  	v6 =	vld [tilespmem:$0x1F0];
	_ =	sdelay $0x4  }
0xf2: {  	(xrf1) =	vunique.msk.u32 $0xffff, v6;
	_ =	sdelay $0xd  }
0xf3: {  	s13 =	sadd.s32 $0x40, s13;
	_, v7, vm0 =	vpop (xrf1)  }
0xf4: {  	p5 =	sne.s32 s13, $0x9C0  }
.Ltmp2:
0xf5: {  	_ = 	snop;
	(pc) =	sbr.rel @p5 .LBB2_6-.Ltmp2, $3  }
0xf6: {  	_ = 	snop  }
0xf7: {  	v7 =	vcvt.s32.f32 v7;
	_ =	sdelay $0x1  }
0xf8: {  	s14 =	sadd.s32 $0x2, s14;
	[tilespmem:v6+s1+$0x0] =	vst.idx.add.f32.msk vm0, v7  }
0xf9: {  	_ =	swait.ge [sflag:s9], $0x4000  }
0xfa: {  	[sflag:s9] =	ssyncset.done $0x0  }
0xfb: {  	s13 =	simm.s32 @!p4 $0x3;
	[sflag:s9] =	ssyncadd.s32 $0xFFFFC000  }
0xfc: {  	_ =	swait.ge @!p4 [sflag:s13], $0x4000  }
0xfd: {  	s14 =	simm.s32 @!p4 $0x100;
	[sflag:s13] =	ssyncset.done @!p4 $0x0  }
0xfe: {  	s15 =	simm.s32 @!p4 $0x200;
	[sflag:s13] =	ssyncadd.s32 @!p4 $0xFFFFC000;
	s13 =	simm.s32 @!p4 $0x80  }
0xff: {  	[spmem:s2] =	stream.indirect.scatter.add.f32 @!p4 [tilespmem:s15], [sflag:$0x7], $0x80, s14, s13, $0xb8;
	[tilespmem:$0x1E580] =	vst v63  }
0x100: {  	s13 =	simm.s32 @!p4 $0x7  }
0x101: {  	_ =	swait.ge @!p4 [sflag:s13], $0x4000  }
0x102: {  	[sflag:s13] =	ssyncset.done @!p4 $0x0  }
0x103: {  	[sflag:s13] =	ssyncadd.s32 @!p4 $0xFFFFC000  }
0x104: {  	v6 =	vld @!p4 [tilespmem:$0x100];
	_ =	sdelay $0x4  }
0x105: {  	(xrf1) =	vunique.msk.u32 @!p4 $0xffff, v6;
	_ =	sdelay $0xd  }
0x106: {  	_, v7, vm0 =	vpop @!p4 (xrf1);
	_ =	sdelay $0x3  }
0x107: {  	v7 =	vcvt.s32.f32 @!p4 v7  }
0x108: {  	s13 =	simm.s32 @!p4 $0x1BA80  }
0x109: {  	[tilespmem:v6+s13+$0x0] =	vst.idx.add.f32.msk @!p4 vm0, v7  }
0x10a: {  	v6 =	vld @!p4 [tilespmem:$0x110];
	_ =	sdelay $0x4  }
0x10b: {  	(xrf1) =	vunique.msk.u32 @!p4 $0xffff, v6;
	_ =	sdelay $0xd  }
0x10c: {  	_, v7, vm0 =	vpop @!p4 (xrf1);
	_ =	sdelay $0x3  }
0x10d: {  	v7 =	vcvt.s32.f32 @!p4 v7;
	_ =	sdelay $0x1  }
0x10e: {  	[tilespmem:v6+s13+$0x0] =	vst.idx.add.f32.msk @!p4 vm0, v7  }
0x10f: {  	v6 =	vld @!p4 [tilespmem:$0x120];
	_ =	sdelay $0x4  }
0x110: {  	(xrf1) =	vunique.msk.u32 @!p4 $0xffff, v6;
	_ =	sdelay $0xd  }
0x111: {  	_, v7, vm0 =	vpop @!p4 (xrf1);
	_ =	sdelay $0x3  }
0x112: {  	v7 =	vcvt.s32.f32 @!p4 v7;
	_ =	sdelay $0x1  }
0x113: {  	[tilespmem:v6+s13+$0x0] =	vst.idx.add.f32.msk @!p4 vm0, v7  }
0x114: {  	v6 =	vld @!p4 [tilespmem:$0x130];
	_ =	sdelay $0x4  }
0x115: {  	(xrf1) =	vunique.msk.u32 @!p4 $0xffff, v6;
	_ =	sdelay $0xd  }
0x116: {  	_, v7, vm0 =	vpop @!p4 (xrf1);
	_ =	sdelay $0x3  }
0x117: {  	v7 =	vcvt.s32.f32 @!p4 v7;
	_ =	sdelay $0x1  }
0x118: {  	[tilespmem:v6+s13+$0x0] =	vst.idx.add.f32.msk @!p4 vm0, v7  }
0x119: {  	v6 =	vld @!p4 [tilespmem:$0x140];
	_ =	sdelay $0x4  }
0x11a: {  	(xrf1) =	vunique.msk.u32 @!p4 $0xffff, v6;
	_ =	sdelay $0xd  }
0x11b: {  	_, v7, vm0 =	vpop @!p4 (xrf1);
	_ =	sdelay $0x3  }
0x11c: {  	v7 =	vcvt.s32.f32 @!p4 v7;
	_ =	sdelay $0x1  }
0x11d: {  	[tilespmem:v6+s13+$0x0] =	vst.idx.add.f32.msk @!p4 vm0, v7  }
0x11e: {  	v6 =	vld @!p4 [tilespmem:$0x150];
	_ =	sdelay $0x4  }
0x11f: {  	(xrf1) =	vunique.msk.u32 @!p4 $0xffff, v6;
	_ =	sdelay $0xd  }
0x120: {  	_, v7, vm0 =	vpop @!p4 (xrf1);
	_ =	sdelay $0x3  }
0x121: {  	v7 =	vcvt.s32.f32 @!p4 v7;
	_ =	sdelay $0x1  }
0x122: {  	[tilespmem:v6+s13+$0x0] =	vst.idx.add.f32.msk @!p4 vm0, v7  }
0x123: {  	v6 =	vld @!p4 [tilespmem:$0x160];
	_ =	sdelay $0x4  }
0x124: {  	(xrf1) =	vunique.msk.u32 @!p4 $0xffff, v6;
	_ =	sdelay $0xd  }
0x125: {  	_, v7, vm0 =	vpop @!p4 (xrf1);
	_ =	sdelay $0x3  }
0x126: {  	v7 =	vcvt.s32.f32 @!p4 v7;
	_ =	sdelay $0x1  }
0x127: {  	[tilespmem:v6+s13+$0x0] =	vst.idx.add.f32.msk @!p4 vm0, v7  }
0x128: {  	v6 =	vld @!p4 [tilespmem:$0x170];
	_ =	sdelay $0x4  }
0x129: {  	(xrf1) =	vunique.msk.u32 @!p4 $0xffff, v6;
	_ =	sdelay $0xd  }
0x12a: {  	_, v7, vm0 =	vpop @!p4 (xrf1);
	_ =	sdelay $0x3  }
0x12b: {  	v7 =	vcvt.s32.f32 @!p4 v7;
	_ =	sdelay $0x1  }
0x12c: {  	s16 =	simm.s32 $0x50;
	s19 =	simm.s32 $0x1E280;
	[tilespmem:v6+s13+$0x0] =	vst.idx.add.f32.msk @!p4 vm0, v7  }
0x12d: {  	[spmem:s20] =	stream.indirect.scatter.add.f32 [tilespmem:s1], [sflag:$0x7], $0x80, s19, s16, $0xb8;
	[tilespmem:$0x1E580] =	vst v63  }
0x12e: {  	_ =	swait.ge [sflag:s10], $0x2800  }
0x12f: {  	[sflag:s10] =	ssyncset.done $0x0  }
0x130: {  	s13 =	stileid.u32;
	[sflag:s10] =	ssyncadd.s32 $0xFFFFD800  }
0x131: {  	s13 =	sshll.u32 @p1 s13, $0x6;
	[bflag:$0x0] =	sbarrier.arrive $0xFFFF  }
0x132: {  	s14 =	sshrl.u32 @p1 s6, $0x3;
	s13 =	sor.u32 @p1 $0x1C07, s13;
	s16 =	rddreg [dreg:$0xe]  }
0x133: {  	[hbm:s16], [sflag:s13] =	dma.local @p1 [spmem:s14], $0x2700  }
0x134: {  	s14 =	simm.s32 @p1 $0x7  }
0x135: {  	_ =	swait.ge @p1 [sflag:s14], $0x2700  }
0x136: {  	[sflag:s14] =	ssyncset.done @p1 $0x0  }
0x137: {  	[sflag:s14] =	ssyncadd.s32 @p1 $0xFFFFD900;
	s14 =	rddreg [dreg:$0xf]  }
0x138: {  	[hbm:s14], [sflag:s13] =	dma.local @!p3 [spmem:s25], $0x80  }
0x139: {  	s13 =	simm.s32 @!p3 $0x7  }
0x13a: {  	s12 =	sadd.s32 $0x1, s12;
	_ =	swait.ge @!p3 [sflag:s13], $0x80  }
0x13b: {  	p5 =	sne.s32 s12, s22;
	[sflag:s13] =	ssyncset.done @!p3 $0x0  }
0x13c: {  	s14 =	simm.s32 @!p1 $0x1FC7;
	[sflag:s13] =	ssyncadd.s32 @!p3 $0xFFFFFF80;
	s13 =	sshrl.u32 @!p1 s11, $0x3  }
0x13d: {  	[hbm:s21], [sflag:s14] =	dma.local @!p1 [spmem:s13], $0x2800  }
.Ltmp3:
0x13e: {  	_ = 	snop;
	(pc) =	sbr.rel @p5 .LBB2_1-.Ltmp3, $4  }
0x13f: {  	s13 =	simm.s32 @!p1 $0x7  }
0x140: {  	_ =	swait.ge @!p1 [sflag:s13], $0x2800  }
0x141: {  	[sflag:s13] =	ssyncset.done @!p1 $0x0  }
0x142: {  	s15 =	smov.u32 s20;
	[sflag:s13] =	ssyncadd.s32 @!p1 $0xFFFFD800  }
0x143: {  	_ =	sfence.sel $0x180000  }
0x144: {  	[bflag:$0x0] =	sbarrier.arrive $0xFFFF  }
0x145: {  	_ =	strace $0x90000047  }
0x146: {  	[bflag:$0x2] =	sbarrier.arrive $0xFFFF  }
0x147: {  	s0 =	rddreg [dreg:$0x6]  }
0x148: {  	s0 =	sadd.s32 @!p0 $0x100000, s0  }
0x149: {  	[sflag:s0] =	ssyncadd.tile.s32 @!p0 $0x1;
	_ =	shalt  }
.Lfunc_end2:
_tile_overlayer_lowered:
.L_overlay_start_2:
0x14a: {  	(tag) =	ssettag $0x2  }
0x14b: {  	s0 =	rddreg [dreg:$0x0];
	s2 =	stileid.u32  }
0x14c: {  	s1 =	rddreg [dreg:$0x1];
	p0 =	sne.s32 s2, $0x0  }
0x14d: {  	s3 =	rddreg [dreg:$0x2];
	[bflag:$0x3] =	sbarrier.arrive $0xFFFF;
	s2 =	simm.s32 @!p0 $0x1C07  }
0x14e: {  	[timem:s3], [sflag:s2] =	dma.local @!p0 [hbm:s0], s1  }
0x14f: {  	s0 =	simm.s32 @!p0 $0x7  }
0x150: {  	_ =	swait.ge @!p0 [sflag:s0], s1  }
0x151: {  	s1 =	ssub.s32 @!p0 $0x0, s1;
	[sflag:s0] =	ssyncset.done @!p0 $0x0  }
0x152: {  	[sflag:s0] =	ssyncadd.s32 @!p0 s1  }
0x153: {  	[bflag:$0x3] =	sbarrier.arrive $0xFFFF  }
0x154: {  	_ =	shalt  }

// kernel: kernel.9.cloned.1.call-start
scs
__scs_entry_jumppad:
0x0: {  	(pc) =	sbr.rel $0x88, $3  }
0x1: {  	(tag) =	ssettag $0x0;
	lr =	simm.s32 $0x1  }
0x2: {  	[smem:$0x3F99] =	sst lr;
	_ =	strace $0xD0000000  }
0x3: {  	_ = 	snop  }
0x4: {  	_ = 	snop  }
0x5: {  	_ = 	snop  }
0x6: {  	_ = 	snop  }
0x7: {  	_ = 	snop  }
__scs_overlays_trampoline_lowered:
0x8: {  	[smem:$0x3FA8] =	sst s0  }
0x9: {  	[smem:$0x3FA9] =	sst s1  }
0xa: {  	[smem:$0x3FAA] =	sst s2  }
0xb: {  	[smem:$0x3FAB] =	sst s3  }
0xc: {  	[smem:$0x3FAC] =	sst s4  }
0xd: {  	[smem:$0x3FAD] =	sst s5  }
0xe: {  	[smem:$0x3FAE] =	sst s6  }
0xf: {  	[smem:$0x3FAF] =	sst s7  }
0x10: {  	[smem:$0x3FB0] =	sst s8  }
0x11: {  	[smem:$0x3FB1] =	sst s9;
	s0 =	simm.s32 @!p0 $0x0  }
0x12: {  	s1 =	sld [smem:$0x3F97];
	s0 =	simm.s32 @p0 $0x1  }
0x13: {  	[smem:$0x3FB2] =	sst s0;
	s0 =	simm.s32 @!p1 $0x0  }
0x14: {  	s2 =	sld [smem:$0x3F96];
	s0 =	simm.s32 @p1 $0x1  }
0x15: {  	[smem:$0x3FB3] =	sst s0;
	s0 =	simm.s32 @!p2 $0x0  }
0x16: {  	s3 =	sld [smem:$0x3FDB];
	s0 =	simm.s32 @p2 $0x1  }
0x17: {  	s4 =	simm.s32 $0x1BF5;
	[smem:$0x3FB5] =	sst s0  }
0x18: {  	s0 =	sld [smem:$0x3F98];
	_ =	swait.ge [sflag:s4], $0x0  }
0x19: {  	s7 =	sld [smem:$0x3F99]  }
0x1a: {  	s8 =	sadd.s32 $0xFFFFE003, lr  }
0x1b: {  	s9 =	sadd.s32 $0xFFFFFEF7, lr;
	s5 =	simm.s32 $0xFFFFFFFF;
	p2 =	slt.u32 s8, $0xFFFFF086  }
0x1c: {  	p1 =	slt.u32 s9, $0xF7A;
	s5 =	simm.s32 @!p2 $0x0  }
0x1d: {  	s5 =	simm.s32 @p1 $0x1;
	p0 =	seq.s32 s7, s2  }
0x1e: {  	s7 =	smul.u32 @!p0 $0xF7A, s2;
	p2 =	seq.s32 @!p0 s5, $0x0  }
0x1f: {  	s9 =	smul.u32 $0xF7A, s1;
	s8 =	simm.s32 @!p0 $0x1BF5;
	p2 =	por !p2, p0  }
0x20: {  	[sflag:s8] =	ssyncset.s32 @!p0 $0xFFFFF086;
	s6 =	sadd.s32 @!p0 s3, s7;
	s7 =	simm.s32 @!p0 $0x108  }
0x21: {  	s3 =	sadd.s32 s3, s9;
	s6 =	sadd.s32 @!p0 $0x88, s6;
	s7 =	simm.s32 @p2 $0x1082  }
0x22: {  	[simem:s7], [sflag:s8] =	dma.local @!p0 [hbm:s6], $0xF7A  }
0x23: {  	s9 =	sor.u32 $0xD0000000, s2;
	s6 =	simm.s32 $0x108;
	_ =	swait.ge @!p0 [sflag:s8], $0x0  }
0x24: {  	s3 =	sadd.s32 $0x88, s3;
	s6 =	simm.s32 @!p1 $0x1082;
	[sflag:s4] =	ssyncset.s32 $0xFFFFF086  }
0x25: {  	[simem:s6], [sflag:s4] =	dma.local [hbm:s3], $0xF7A  }
0x26: {  	[smem:$0x3F99] =	sst s1;
	(tag) =	ssettag s2;
	_ =	strace s9  }
0x27: {  	s1 =	sld [smem:$0x3FA9]  }
0x28: {  	s2 =	sld [smem:$0x3FAA]  }
0x29: {  	s4 =	sld [smem:$0x3FAC]  }
0x2a: {  	p0 =	seq.s32 s5, $0x0;
	s5 =	sld [smem:$0x3FAD]  }
0x2b: {  	s6 =	sld [smem:$0x3FAE]  }
0x2c: {  	s7 =	sld [smem:$0x3FAF]  }
0x2d: {  	s3 =	simm.s32 $0x108;
	s8 =	sld [smem:$0x3FB0]  }
0x2e: {  	s3 =	simm.s32 @!p0 $0x1082;
	s9 =	sld [smem:$0x3FB1]  }
0x2f: {  	lr =	sadd.s32 s0, s3;
	s0 =	sld [smem:$0x3FA8]  }
0x30: {  	s3 =	sld [smem:$0x3FAB]  }
0x31: {  	[smem:$0x3FB4] =	sst s10  }
0x32: {  	s10 =	sld [smem:$0x3FB2];
	_ =	sdelay $0x3  }
0x33: {  	p0 =	seq.s32 s10, $0x1;
	s10 =	sld [smem:$0x3FB4];
	_ =	sdelay $0x3  }
0x34: {  	[smem:$0x3FB4] =	sst s10  }
0x35: {  	s10 =	sld [smem:$0x3FB3];
	_ =	sdelay $0x3  }
0x36: {  	p1 =	seq.s32 s10, $0x1;
	s10 =	sld [smem:$0x3FB4];
	_ =	sdelay $0x3  }
0x37: {  	[smem:$0x3FB4] =	sst s10  }
0x38: {  	s10 =	sld [smem:$0x3FB5]  }
0x39: {  	_ = 	snop;
	(pc) =	sbr.ind lr, $3  }
0x3a: {  	_ = 	snop  }
0x3b: {  	_ = 	snop  }
0x3c: {  	p2 =	seq.s32 s10, $0x1;
	s10 =	sld [smem:$0x3FB4]  }
0x3d: {  	_ =	shalt  }
0x3e: {  	_ =	shalt  }
0x3f: {  	_ =	shalt  }
0x40: {  	_ =	shalt  }
0x41: {  	_ =	shalt  }
0x42: {  	_ =	shalt  }
0x43: {  	_ =	shalt  }
0x44: {  	_ =	shalt  }
0x45: {  	_ =	shalt  }
0x46: {  	_ =	shalt  }
0x47: {  	_ =	shalt  }
0x48: {  	_ =	shalt  }
0x49: {  	_ =	shalt  }
0x4a: {  	_ =	shalt  }
0x4b: {  	_ =	shalt  }
0x4c: {  	_ =	shalt  }
0x4d: {  	_ =	shalt  }
0x4e: {  	_ =	shalt  }
0x4f: {  	_ =	shalt  }
0x50: {  	_ =	shalt  }
0x51: {  	_ =	shalt  }
0x52: {  	_ =	shalt  }
0x53: {  	_ =	shalt  }
0x54: {  	_ =	shalt  }
0x55: {  	_ =	shalt  }
0x56: {  	_ =	shalt  }
0x57: {  	_ =	shalt  }
0x58: {  	_ =	shalt  }
0x59: {  	_ =	shalt  }
0x5a: {  	_ =	shalt  }
0x5b: {  	_ =	shalt  }
0x5c: {  	_ =	shalt  }
0x5d: {  	_ =	shalt  }
0x5e: {  	_ =	shalt  }
0x5f: {  	_ =	shalt  }
0x60: {  	_ =	shalt  }
0x61: {  	_ =	shalt  }
0x62: {  	_ =	shalt  }
0x63: {  	_ =	shalt  }
0x64: {  	_ =	shalt  }
0x65: {  	_ =	shalt  }
0x66: {  	_ =	shalt  }
0x67: {  	_ =	shalt  }
0x68: {  	_ =	shalt  }
0x69: {  	_ =	shalt  }
0x6a: {  	_ =	shalt  }
0x6b: {  	_ =	shalt  }
0x6c: {  	_ =	shalt  }
0x6d: {  	_ =	shalt  }
0x6e: {  	_ =	shalt  }
0x6f: {  	_ =	shalt  }
0x70: {  	_ =	shalt  }
0x71: {  	_ =	shalt  }
0x72: {  	_ =	shalt  }
0x73: {  	_ =	shalt  }
0x74: {  	_ =	shalt  }
0x75: {  	_ =	shalt  }
0x76: {  	_ =	shalt  }
0x77: {  	_ =	shalt  }
0x78: {  	_ =	shalt  }
0x79: {  	_ =	shalt  }
0x7a: {  	_ =	shalt  }
0x7b: {  	_ =	shalt  }
0x7c: {  	_ =	shalt  }
0x7d: {  	_ =	shalt  }
0x7e: {  	_ =	shalt  }
0x7f: {  	_ =	shalt  }
0x80: {  	_ =	shalt  }
0x81: {  	_ =	shalt  }
0x82: {  	_ =	shalt  }
0x83: {  	_ =	shalt  }
0x84: {  	_ =	shalt  }
0x85: {  	_ =	shalt  }
0x86: {  	_ =	shalt  }
0x87: {  	_ =	shalt  }
.Lfunc_end0:
.L_simem_size_0:
called_computation.1_lowered:
.L_overlay_start_0:
0x88: {  	s2 =	sld [smem:$0x3FD9]  }
0x89: {  	s3 =	sld [smem:$0x3FFE];
	_ =	sdelay $0x1  }
0x8a: {  	s1 =	srdreg.scid  }
0x8b: {  	s0 =	sand.u32 $0x1, s1  }
0x8c: {  	s17 =	sshll.u32 s0, $0xA;
	s2 =	sadd.s32 s3, s2  }
0x8d: {  	s2 =	sadd.s32 s2, s17  }
0x8e: {  	[smem:$0x3FC0] =	sst s2  }
0x8f: {  	_ = 	snop  }
0x90: {  	s2 =	sld [smem:$0x3FC8]  }
0x91: {  	s18 =	sld [smem:$0x3FD0];
	(tm) =	ssettm $0x1  }
0x92: {  	s4 =	sld [smem:$0x3FFB];
	_ =	sdelay $0x3  }
0x93: {  	_ =	strace s4  }
0x94: {  	s4 =	sld [smem:$0x3FFC];
	_ =	sdelay $0x3  }
0x95: {  	_ =	strace s4  }
0x96: {  	s4 =	sld [smem:$0x3FFD];
	_ =	sdelay $0x3  }
0x97: {  	_ =	strace s4  }
0x98: {  	_ =	strace $0x8FFFFFFF  }
0x99: {  	s19 =	sld [smem:$0x3FDB];
	_ =	sdelay $0x1  }
0x9a: {  	s5 =	simm.s32 $_scs_section_size  }
0x9b: {  	s6 =	simm.s32 $_size__tile_overlayer_lowered;
	s7 =	simm.s32 $_tile_overlayer_lowered  }
0x9c: {  	s22 =	simm.s32 $0x1BFF;
	s21 =	sshll.u32 s7, $0x1;
	s4 =	sadd.s32 s5, s19  }
0x9d: {  	s8 =	simm.s32 $0x0;
	s20 =	sshll.u32 s6, $0x1;
	s6 =	sadd.s32 s21, s4  }
0x9e: {  	[timem:s8], [sflag:s22] =	dma.local [hbm:s6], s20  }
0x9f: {  	_ =	swait.ge [sflag:s22], s20  }
0xa0: {  	s5 =	ssub.s32 $0x0, s20;
	[sflag:s22] =	ssyncset.done $0x0  }
0xa1: {  	[sflag:s22] =	ssyncadd.s32 s5;
	_ =	sdelay $0x1  }
0xa2: {  	s23 =	simm.s32 $0x1B8B  }
0xa3: {  	_ =	swait.ge [sflag:s23], $0x1  }
0xa4: {  	[sflag:s23] =	ssyncset.done $0x0  }
0xa5: {  	s25 =	simm.s32 $0x1B8E;
	s24 =	sld [smem:$0x3FFE];
	[sflag:s23] =	ssyncadd.s32 $0xFFFFFFFF  }
0xa6: {  	s26 =	simm.s32 $execute0_lowered;
	[smem:$0x3FD2] =	sst s25  }
0xa7: {  	s6 =	sshll.u32 s26, $0x1;
	_ =	strace $0x80000049;
	[dreg:$0x1] =	wrdreg $0xFFFFFFFF  }
0xa8: {  	s28 =	simm.s32 $_size_execute0_lowered;
	s4 =	sadd.s32 s4, s6;
	[dreg:$0x0] =	wrdreg $0x0  }
0xa9: {  	s6 =	sshll.u32 s28, $0x1;
	[dreg:$0x2] =	wrdreg s4  }
0xaa: {  	[dreg:$0x3] =	wrdreg s6  }
0xab: {  	[dreg:$0x4] =	wrdreg $0xC0  }
0xac: {  	_ =	task [dreg:s8], $0x5FFFF  }
0xad: {  	[dreg:$0x1] =	wrdreg $0xFFFFFFFF  }
0xae: {  	[dreg:$0x0] =	wrdreg $0x60  }
0xaf: {  	[dreg:$0x2] =	wrdreg s18  }
0xb0: {  	[dreg:$0x3] =	wrdreg s2  }
0xb1: {  	[dreg:$0x4] =	wrdreg s24  }
0xb2: {  	[dreg:$0x5] =	wrdreg $0x82000  }
0xb3: {  	[dreg:$0x6] =	wrdreg $0x9  }
0xb4: {  	_ =	task.clear_ibuf [dreg:s8], $0x7FFFF;
	_ =	strace $0x90000049  }
0xb5: {  	s29 =	simm.s32 $0x9;
	_ =	strace $0x8000004B  }
0xb6: {  	_ =	swait.ge [sflag:s29], $0x1  }
0xb7: {  	[sflag:s29] =	ssyncadd.s32 $0xFFFFFFFF  }
0xb8: {  	_ =	strace $0x9000004B  }
0xb9: {  	_ =	sfence  }
0xba: {  	s30 =	sld [smem:$0x0];
	_ =	sdelay $0x2  }
0xbb: {  	s31 =	sshll.u32 s1, $0xD;
	s1 =	sshrl.u32 s1, $0x2  }
0xbc: {  	s3 =	sand.u32 $0x4000, s31;
	s1 =	sadd.s32 s1, s30  }
0xbd: {  	s0 =	sor.u32 s3, s0;
	s1 =	sshll.u32 s1, $0x11  }
0xbe: {  	s0 =	sor.u32 s1, s0  }
0xbf: {  	s0 =	sadd.s32 $0x8F2B, s0  }
0xc0: {  	[sflag:s0] =	ssyncadd.remote.s32 $0x1  }
0xc1: {  	_ =	sfence.sel $0xFFFF  }
0xc2: {  	[dreg:$0x0] =	wrdreg $0xFFFFFFFF;
	(pc) =	sbr.abs _section_cstart, $3  }
0xc3: {  	[dreg:$0x1] =	wrdreg $0xFFFFFFFF  }
0xc4: {  	_ =	task.clear_ibuf [dreg:s8], $0x2FFFF;
	_ =	strace $0x9FFFFFFF  }
0xc5: {  	(tm) =	ssettm $0x7FFFFFFF  }
tec
execute0_lowered:
.L_overlay_start_1:
0x0: {  	(tag) =	ssettag $0x1  }
0x1: {  	s1 =	rddreg [dreg:$0x0]  }
0x2: {  	s0 =	rddreg [dreg:$0x1]  }
0x3: {  	s2 =	rddreg [dreg:$0x2]  }
0x4: {  	s3 =	rddreg [dreg:$0x3];
	s4 =	simm.s32 $0x0;
	s5 =	srdreg.scid  }
0x5: {  	s13 =	stileid.u32;
	s28 =	simm.s32 $0x1;
	s29 =	simm.s32 $0x80  }
0x6: {  	s30 =	simm.s32 $0x200;
	s31 =	simm.s32 $0x180;
	s10 =	smul.u32 $0x4E000, s13  }
0x7: {  	[smem:$0x7FF] =	sst s4;
	s6 =	sand.u32 $0x1, s5;
	s17 =	smul.u32 $0x13800, s13  }
0x8: {  	s2 =	sadd.s32 $0x2200, s2;
	s11 =	sshll.u32 s13, $0x1;
	s23 =	smul.u32 $0x1380, s13  }
0x9: {  	p0 =	slt.u32 s13, $0x2;
	p1 =	sgt.u32 s13, $0x1;
	_ =	strace $0x8000004A  }
0xa: {  	s7 =	ssub.s32 $0x2, s6;
	s24 =	smul.u32 $0x9C0, s6;
	s5 =	sshrl.u32 s10, $0x2  }
0xb: {  	s8 =	sshrl.u32 s7, $0x1;
	s10 =	sadd.s32 $0x124800, s3;
	s5 =	sadd.s32 s5, s3  }
0xc: {  	s7 =	ssub.s32 s7, s8;
	s8 =	sor.u32 s6, s11;
	s9 =	sadd.s32 $0x4000, s5  }
0xd: {  	s11 =	smul.u32 $0x138800, s6;
	s12 =	sadd.s32 $0x8000, s5;
	[dreg:$0x5] =	wrdreg s9  }
0xe: {  	s6 =	simm.s32 $0x6;
	s14 =	sadd.s32 $0xC000, s5;
	[dreg:$0x6] =	wrdreg s12  }
0xf: {  	s15 =	sadd.s32 $0x10000, s5;
	s16 =	smul.u32 $0x4E, s8;
	[dreg:$0x7] =	wrdreg s14  }
0x10: {  	s8 =	smin.u32 s8, $0x4;
	[dreg:$0x8] =	wrdreg s15;
	s12 =	sadd.s32 $0x128800, s3  }
0x11: {  	s14 =	sadd.s32 $0x12C800, s3;
	s15 =	sadd.s32 $0x10, s0;
	[dreg:$0x9] =	wrdreg s12  }
0x12: {  	s25 =	sshll.u32 s8, $0x5;
	s9 =	sadd.s32 s8, s16;
	[dreg:$0xa] =	wrdreg s14  }
0x13: {  	s12 =	sadd.s32 s17, s11;
	s11 =	sshrl.u32 s11, $0x3;
	s8 =	simm.s32 $0x7  }
0x14: {  	s9 =	sshll.u32 s9, $0x5;
	s12 =	sshrl.u32 s12, $0x3;
	s11 =	sadd.s32 s2, s11  }
0x15: {  	s18 =	sadd.s32 s0, s9;
	s19 =	sadd.s32 s9, s15;
	s17 =	sadd.s32 $0x20, s9  }
0x16: {  	s2 =	sadd.s32 s2, s12;
	s22 =	sadd.s32 $0x40, s9;
	[dreg:$0xb] =	wrdreg s18  }
0x17: {  	s26 =	sadd.s32 $0x24900, s11;
	s9 =	simm.s32 $0x0;
	[dreg:$0xc] =	wrdreg s19  }
0x18: {  	[dreg:$0xd] =	wrdreg s2;
	s20 =	sadd.s32 s0, s17;
	s21 =	sadd.s32 s17, s15  }
0x19: {  	s18 =	sadd.s32 s22, s15;
	s19 =	sadd.s32 s0, s22;
	s0 =	sadd.s32 s23, s0  }
0x1a: {  	s23 =	sadd.s32 $0x134800, s3;
	[dreg:$0x10] =	wrdreg s26;
	s26 =	simm.s32 $0x100  }
.Ltmp0:
0x1b: {  	s2 =	simm.s32 $0x4200;
	[dreg:$0xe] =	wrdreg s20;
	(pc) =	sbr.rel .LBB2_1-.Ltmp0, $4  }
0x1c: {  	s15 =	simm.s32 $0x5;
	[dreg:$0xf] =	wrdreg s21;
	s20 =	sadd.s32 $0x130800, s3  }
0x1d: {  	s0 =	sadd.s32 s24, s0;
	s21 =	simm.s32 $0x4F;
	s24 =	simm.s32 $0x2  }
0x1e: {  	s22 =	sadd.s32 s25, s0;
	s21 =	simm.s32 @!p0 $0x4E;
	s25 =	smax.u32 s7, $0x1  }
0x1f: {  	v0 =	vimm.f32 $0.0e+00;
	p0 =	seq.s32 s13, $0xF;
	s0 =	simm.s32 $0x3;
	s7 =	simm.s32 $0x4  }
.LBB2_9:
0x20: {  	s11 =	sshrl.u32 s10, $0x3;
	s12 =	rddreg [dreg:$0x10];
	s13 =	simm.s32 $0x1FC7  }
0x21: {  	[hbm:s12], [sflag:s13] =	dma.local [spmem:s11], $0x2800  }
0x22: {  	_ =	swait.ge [sflag:s8], $0x2800  }
0x23: {  	[sflag:s8] =	ssyncset.done $0x0  }
0x24: {  	[sflag:s8] =	ssyncadd.s32 $0xFFFFD800  }
.LBB2_10:
0x25: {  	s9 =	sadd.s32 $0x1, s9  }
0x26: {  	p2 =	sne.s32 s9, s25  }
.Ltmp1:
0x27: {  	_ = 	snop;
	(pc) =	sbr.rel @!p2 .LBB2_11-.Ltmp1, $1  }
0x28: {  	_ =	sdelay $0x3  }
.LBB2_1:
0x29: {  	s11 =	simm.s32 $0x0;
	s12 =	simm.s32 $0x200  }
.LBB2_2:
0x2a: {  	p2 =	sne.s32 s12, $0xFE00;
	[tilespmem:s11+$0x270] =	vst v0  }
0x2b: {  	[tilespmem:s11+$0x200] =	vst v0  }
0x2c: {  	[tilespmem:s11+$0x210] =	vst v0  }
.Ltmp2:
0x2d: {  	[tilespmem:s11+$0x220] =	vst v0;
	(pc) =	sbr.rel @p2 .LBB2_2-.Ltmp2, $4  }
0x2e: {  	[tilespmem:s11+$0x230] =	vst v0  }
0x2f: {  	[tilespmem:s11+$0x240] =	vst v0  }
0x30: {  	[tilespmem:s11+$0x250] =	vst v0  }
0x31: {  	[tilespmem:s11+$0x260] =	vst v0;
	s11 =	sshra.s32 s12, $0x2;
	s12 =	sadd.s32 $0x200, s12  }
0x32: {  	[tilespmem:s11+$0x270] =	vst v0  }
0x33: {  	[tilespmem:s11+$0x200] =	vst v0  }
0x34: {  	[tilespmem:s11+$0x210] =	vst v0  }
0x35: {  	[tilespmem:s11+$0x220] =	vst v0  }
0x36: {  	[tilespmem:s11+$0x230] =	vst v0  }
0x37: {  	[tilespmem:s11+$0x240] =	vst v0  }
0x38: {  	[tilespmem:s11+$0x250] =	vst v0  }
0x39: {  	[tilespmem:s11+$0x260] =	vst v0;
	s11 =	simm.s32 @p0 $0x200;
	s12 =	simm.s32 @p0 $0x7  }
0x3a: {  	[spmem:s10] =	stream.linear.scatter @p0 [tilespmem:s11], [sflag:$0x7], $0x4000, $0x38;
	[tilespmem:$0x1BA80] =	vst v63  }
0x3b: {  	_ =	swait.ge @p0 [sflag:s12], $0x4000  }
0x3c: {  	[sflag:s12] =	ssyncset.done @p0 $0x0  }
0x3d: {  	s13 =	rddreg [dreg:$0x9];
	[sflag:s12] =	ssyncadd.s32 @p0 $0xFFFFC000  }
0x3e: {  	[spmem:s13] =	stream.linear.scatter @p0 [tilespmem:s11], [sflag:$0x7], $0x4000, $0x38;
	[tilespmem:$0x1BA80] =	vst v63  }
0x3f: {  	_ =	swait.ge @p0 [sflag:s12], $0x4000  }
0x40: {  	[sflag:s12] =	ssyncset.done @p0 $0x0  }
0x41: {  	s13 =	rddreg [dreg:$0xa];
	[sflag:s12] =	ssyncadd.s32 @p0 $0xFFFFC000  }
0x42: {  	[spmem:s13] =	stream.linear.scatter @p0 [tilespmem:s11], [sflag:$0x7], $0x4000, $0x38;
	[tilespmem:$0x1BA80] =	vst v63  }
0x43: {  	_ =	swait.ge @p0 [sflag:s12], $0x4000  }
0x44: {  	[sflag:s12] =	ssyncset.done @p0 $0x0  }
0x45: {  	[sflag:s12] =	ssyncadd.s32 @p0 $0xFFFFC000  }
0x46: {  	[spmem:s20] =	stream.linear.scatter @p0 [tilespmem:s11], [sflag:$0x7], $0x4000, $0x38;
	[tilespmem:$0x1BA80] =	vst v63  }
0x47: {  	_ =	swait.ge @p0 [sflag:s12], $0x4000  }
0x48: {  	[sflag:s12] =	ssyncset.done @p0 $0x0  }
0x49: {  	[sflag:s12] =	ssyncadd.s32 @p0 $0xFFFFC000  }
0x4a: {  	[spmem:s23] =	stream.linear.scatter @p0 [tilespmem:s11], [sflag:$0x7], $0x4000, $0x38;
	[tilespmem:$0x1BA80] =	vst v63  }
0x4b: {  	_ =	swait.ge @p0 [sflag:s12], $0x4000  }
0x4c: {  	[sflag:s12] =	ssyncset.done @p0 $0x0  }
0x4d: {  	s11 =	simm.s32 @!p0 $0x200;
	[sflag:s12] =	ssyncadd.s32 @p0 $0xFFFFC000;
	s12 =	simm.s32 @!p0 $0x7  }
0x4e: {  	[spmem:s5] =	stream.linear.scatter @!p0 [tilespmem:s11], [sflag:$0x7], $0x4000, $0x38;
	[tilespmem:$0x1BA80] =	vst v63  }
0x4f: {  	_ =	swait.ge @!p0 [sflag:s12], $0x4000  }
0x50: {  	[sflag:s12] =	ssyncset.done @!p0 $0x0  }
0x51: {  	s13 =	rddreg [dreg:$0x5];
	[sflag:s12] =	ssyncadd.s32 @!p0 $0xFFFFC000  }
0x52: {  	[spmem:s13] =	stream.linear.scatter @!p0 [tilespmem:s11], [sflag:$0x7], $0x4000, $0x38;
	[tilespmem:$0x1BA80] =	vst v63  }
0x53: {  	_ =	swait.ge @!p0 [sflag:s12], $0x4000  }
0x54: {  	[sflag:s12] =	ssyncset.done @!p0 $0x0  }
0x55: {  	s13 =	rddreg [dreg:$0x6];
	[sflag:s12] =	ssyncadd.s32 @!p0 $0xFFFFC000  }
0x56: {  	[spmem:s13] =	stream.linear.scatter @!p0 [tilespmem:s11], [sflag:$0x7], $0x4000, $0x38;
	[tilespmem:$0x1BA80] =	vst v63  }
0x57: {  	_ =	swait.ge @!p0 [sflag:s12], $0x4000  }
0x58: {  	[sflag:s12] =	ssyncset.done @!p0 $0x0  }
0x59: {  	s13 =	rddreg [dreg:$0x7];
	[sflag:s12] =	ssyncadd.s32 @!p0 $0xFFFFC000  }
0x5a: {  	[spmem:s13] =	stream.linear.scatter @!p0 [tilespmem:s11], [sflag:$0x7], $0x4000, $0x38;
	[tilespmem:$0x1BA80] =	vst v63  }
0x5b: {  	_ =	swait.ge @!p0 [sflag:s12], $0x4000  }
0x5c: {  	[sflag:s12] =	ssyncset.done @!p0 $0x0  }
0x5d: {  	s13 =	rddreg [dreg:$0x8];
	[sflag:s12] =	ssyncadd.s32 @!p0 $0xFFFFC000  }
0x5e: {  	[spmem:s13] =	stream.linear.scatter @!p0 [tilespmem:s11], [sflag:$0x7], $0x3800, $0x38;
	[tilespmem:$0x1BA80] =	vst v63  }
0x5f: {  	_ =	swait.ge @!p0 [sflag:s12], $0x3800  }
0x60: {  	[sflag:s12] =	ssyncset.done @!p0 $0x0  }
0x61: {  	[sflag:s12] =	ssyncadd.s32 @!p0 $0xFFFFC800  }
0x62: {  	[bflag:$0x0] =	sbarrier.arrive $0xFFFF  }
0x63: {  	s11 =	simm.s32 $0x0;
	s14 =	rddreg [dreg:$0xb]  }
0x64: {  	[tilespmem:s11], [sflag:$0x1] =	stream.linear.gather [hbm4b:s14+s11], $0x80, $0x38;
	[tilespmem:$0x1BA80] =	vst v63  }
0x65: {  	s16 =	rddreg [dreg:$0xc]  }
0x66: {  	[tilespmem:s26], [sflag:$0x1] =	stream.linear.gather [hbm4b:s16+s11], $0x80, $0x38;
	[tilespmem:$0x1BA80] =	vst v63  }
0x67: {  	_ =	swait.ge [sflag:s28], $0x80  }
0x68: {  	[sflag:s28] =	ssyncset.done $0x0  }
0x69: {  	[sflag:s28] =	ssyncadd.s32 $0xFFFFFF80  }
0x6a: {  	_ =	swait.ge [sflag:s28], $0x80  }
0x6b: {  	[sflag:s28] =	ssyncset.done $0x0  }
0x6c: {  	[sflag:s28] =	ssyncadd.s32 $0xFFFFFF80  }
0x6d: {  	[tilespmem:s30], [sflag:$0x3] =	stream.indirect.gather [hbm4b:s1+s29], $0x80, s11, s29, $0xb8;
	[tilespmem:$0x1BA80] =	vst v63  }
0x6e: {  	s17 =	rddreg [dreg:$0xe]  }
0x6f: {  	[tilespmem:s29], [sflag:$0x2] =	stream.linear.gather [hbm4b:s17+s11], $0x80, $0x38;
	[tilespmem:$0x1BA80] =	vst v63  }
0x70: {  	s13 =	rddreg [dreg:$0xf]  }
0x71: {  	[tilespmem:s31], [sflag:$0x2] =	stream.linear.gather [hbm4b:s13+s11], $0x80, $0x38;
	[tilespmem:$0x1BA80] =	vst v63  }
0x72: {  	_ =	swait.ge [sflag:s0], $0x4000  }
0x73: {  	[sflag:s0] =	ssyncset.done $0x0  }
0x74: {  	[sflag:s0] =	ssyncadd.s32 $0xFFFFC000  }
0x75: {  	[spmem:s3] =	stream.indirect.scatter.add.f32 [tilespmem:s30], [sflag:$0x5], $0x80, s26, s29, $0xb8;
	[tilespmem:$0x1BA80] =	vst v63  }
0x76: {  	_ =	swait.ge [sflag:s24], $0x80  }
0x77: {  	[sflag:s24] =	ssyncset.done $0x0  }
0x78: {  	[sflag:s24] =	ssyncadd.s32 $0xFFFFFF80  }
0x79: {  	_ =	swait.ge [sflag:s24], $0x80  }
0x7a: {  	[sflag:s24] =	ssyncset.done $0x0  }
0x7b: {  	[sflag:s24] =	ssyncadd.s32 $0xFFFFFF80  }
0x7c: {  	[tilespmem:s2], [sflag:$0x4] =	stream.indirect.gather [hbm4b:s1+s29], $0x80, s29, s29, $0xb8;
	[tilespmem:$0x1BA80] =	vst v63  }
0x7d: {  	_ =	swait.ge [sflag:s15], $0x4000  }
0x7e: {  	[sflag:s15] =	ssyncset.done $0x0  }
0x7f: {  	[sflag:s15] =	ssyncadd.s32 $0xFFFFC000  }
0x80: {  	[tilespmem:s11], [sflag:$0x1] =	stream.linear.gather [hbm4b:s19+s11], $0x80, $0x38;
	[tilespmem:$0x1BA80] =	vst v63  }
0x81: {  	_ = 	snop  }
0x82: {  	[tilespmem:s26], [sflag:$0x1] =	stream.linear.gather [hbm4b:s18+s11], $0x80, $0x38;
	[tilespmem:$0x1BA80] =	vst v63  }
0x83: {  	_ =	swait.ge [sflag:s28], $0x80  }
0x84: {  	[sflag:s28] =	ssyncset.done $0x0  }
0x85: {  	[sflag:s28] =	ssyncadd.s32 $0xFFFFFF80  }
0x86: {  	_ =	swait.ge [sflag:s28], $0x80  }
0x87: {  	[sflag:s28] =	ssyncset.done $0x0  }
0x88: {  	s14 =	simm.s32 $0x4;
	[sflag:s28] =	ssyncadd.s32 $0xFFFFFF80  }
0x89: {  	[tilespmem:s30], [sflag:$0x3] =	stream.indirect.gather [hbm4b:s1+s29], $0x80, s11, s29, $0xb8;
	[tilespmem:$0x1BA80] =	vst v63  }
0x8a: {  	_ =	swait.ge [sflag:s14], $0x4000  }
0x8b: {  	[sflag:s14] =	ssyncset.done $0x0  }
0x8c: {  	[sflag:s14] =	ssyncadd.s32 $0xFFFFC000  }
0x8d: {  	[spmem:s3] =	stream.indirect.scatter.add.f32 [tilespmem:s2], [sflag:$0x6], $0x80, s31, s29, $0xb8;
	[tilespmem:$0x1BA80] =	vst v63  }
0x8e: {  	_ =	swait.ge [sflag:s6], $0x4000  }
0x8f: {  	s16 =	sadd.s32 $0x0, s22;
	[sflag:s6] =	ssyncset.done $0x0  }
0x90: {  	s17 =	sadd.s32 $0x60, s16;
	[sflag:s6] =	ssyncadd.s32 $0xFFFFC000  }
0x91: {  	[tilespmem:s29], [sflag:$0x2] =	stream.linear.gather [hbm4b:s17+s4], $0x80, $0x38;
	[tilespmem:$0x1BA80] =	vst v63  }
0x92: {  	s11 =	sadd.s32 $0x70, s16  }
0x93: {  	[tilespmem:s31], [sflag:$0x2] =	stream.linear.gather [hbm4b:s11+s4], $0x80, $0x38;
	[tilespmem:$0x1BA80] =	vst v63  }
0x94: {  	_ =	swait.ge [sflag:s0], $0x4000  }
0x95: {  	[sflag:s0] =	ssyncset.done $0x0  }
0x96: {  	[sflag:s0] =	ssyncadd.s32 $0xFFFFC000  }
0x97: {  	[spmem:s3] =	stream.indirect.scatter.add.f32 [tilespmem:s30], [sflag:$0x5], $0x80, s26, s29, $0xb8;
	[tilespmem:$0x1BA80] =	vst v63  }
0x98: {  	_ =	swait.ge [sflag:s24], $0x80  }
0x99: {  	[sflag:s24] =	ssyncset.done $0x0  }
0x9a: {  	[sflag:s24] =	ssyncadd.s32 $0xFFFFFF80  }
0x9b: {  	_ =	swait.ge [sflag:s24], $0x80  }
0x9c: {  	[sflag:s24] =	ssyncset.done $0x0  }
0x9d: {  	[sflag:s24] =	ssyncadd.s32 $0xFFFFFF80  }
0x9e: {  	[tilespmem:s2], [sflag:$0x4] =	stream.indirect.gather [hbm4b:s1+s29], $0x80, s29, s29, $0xb8;
	[tilespmem:$0x1BA80] =	vst v63  }
0x9f: {  	p2 =	sle.u32 s21, $0x4;
	_ =	swait.ge [sflag:s15], $0x4000  }
0xa0: {  	s11 =	sadd.s32 @!p2 $0x0, s22;
	[sflag:s15] =	ssyncset.done $0x0  }
0xa1: {  	s13 =	simm.s32 @!p2 $0x0;
	s12 =	sadd.s32 @!p2 $0x80, s11;
	[sflag:s15] =	ssyncadd.s32 $0xFFFFC000  }
0xa2: {  	[tilespmem:s13], [sflag:$0x1] =	stream.linear.gather @!p2 [hbm4b:s12+s13], $0x80, $0x38;
	[tilespmem:$0x1BA80] =	vst v63  }
0xa3: {  	s11 =	sadd.s32 @!p2 $0x90, s11;
	s12 =	simm.s32 @!p2 $0x100  }
0xa4: {  	[tilespmem:s12], [sflag:$0x1] =	stream.linear.gather @!p2 [hbm4b:s11+s13], $0x80, $0x38;
	[tilespmem:$0x1BA80] =	vst v63  }
0xa5: {  	s11 =	simm.s32 @!p2 $0x1  }
0xa6: {  	_ =	swait.ge @!p2 [sflag:s11], $0x80  }
0xa7: {  	[sflag:s11] =	ssyncset.done @!p2 $0x0  }
0xa8: {  	[sflag:s11] =	ssyncadd.s32 @!p2 $0xFFFFFF80  }
0xa9: {  	_ =	swait.ge @!p2 [sflag:s11], $0x80  }
0xaa: {  	[sflag:s11] =	ssyncset.done @!p2 $0x0  }
0xab: {  	s12 =	simm.s32 @!p2 $0x200;
	[sflag:s11] =	ssyncadd.s32 @!p2 $0xFFFFFF80;
	s11 =	simm.s32 @!p2 $0x80  }
0xac: {  	[tilespmem:s12], [sflag:$0x3] =	stream.indirect.gather @!p2 [hbm4b:s1+s11], $0x80, s13, s11, $0xb8;
	[tilespmem:$0x1BA80] =	vst v63  }
0xad: {  	_ =	swait.ge [sflag:s7], $0x4000  }
0xae: {  	[sflag:s7] =	ssyncset.done $0x0  }
0xaf: {  	s11 =	simm.s32 $0x40;
	s12 =	simm.s32 $0x6;
	[sflag:s7] =	ssyncadd.s32 $0xFFFFC000  }
.LBB2_4:
0xb0: {  	[spmem:s3] =	stream.indirect.scatter.add.f32 [tilespmem:s2], [sflag:$0x6], $0x80, s31, s29, $0xb8;
	[tilespmem:$0x1BA80] =	vst v63  }
0xb1: {  	s13 =	smov.u32 s11;
	s11 =	sadd.s32 $0x40, s11;
	_ =	swait.ge [sflag:s6], $0x4000  }
0xb2: {  	s14 =	sadd.s32 s13, s22;
	p2 =	sne.s32 s11, $0x980;
	[sflag:s6] =	ssyncset.done $0x0  }
0xb3: {  	s16 =	sadd.s32 $0x60, s14;
	[sflag:s6] =	ssyncadd.s32 $0xFFFFC000  }
0xb4: {  	[tilespmem:s29], [sflag:$0x2] =	stream.linear.gather [hbm4b:s16+s4], $0x80, $0x38;
	[tilespmem:$0x1BA80] =	vst v63  }
0xb5: {  	s14 =	sadd.s32 $0x70, s14  }
0xb6: {  	[tilespmem:s31], [sflag:$0x2] =	stream.linear.gather [hbm4b:s14+s4], $0x80, $0x38;
	[tilespmem:$0x1BA80] =	vst v63  }
0xb7: {  	_ =	swait.ge [sflag:s0], $0x4000  }
0xb8: {  	[sflag:s0] =	ssyncset.done $0x0  }
0xb9: {  	[sflag:s0] =	ssyncadd.s32 $0xFFFFC000  }
0xba: {  	[spmem:s3] =	stream.indirect.scatter.add.f32 [tilespmem:s30], [sflag:$0x5], $0x80, s26, s29, $0xb8;
	[tilespmem:$0x1BA80] =	vst v63  }
0xbb: {  	_ =	swait.ge [sflag:s24], $0x80  }
0xbc: {  	[sflag:s24] =	ssyncset.done $0x0  }
0xbd: {  	[sflag:s24] =	ssyncadd.s32 $0xFFFFFF80  }
0xbe: {  	_ =	swait.ge [sflag:s24], $0x80  }
0xbf: {  	[sflag:s24] =	ssyncset.done $0x0  }
0xc0: {  	[sflag:s24] =	ssyncadd.s32 $0xFFFFFF80  }
0xc1: {  	[tilespmem:s2], [sflag:$0x4] =	stream.indirect.gather [hbm4b:s1+s29], $0x80, s29, s29, $0xb8;
	[tilespmem:$0x1BA80] =	vst v63  }
0xc2: {  	p3 =	sge.u32 s12, s21;
	_ =	swait.ge [sflag:s15], $0x4000  }
0xc3: {  	s13 =	sadd.s32 @!p3 s13, s22;
	[sflag:s15] =	ssyncset.done $0x0  }
0xc4: {  	s16 =	simm.s32 @!p3 $0x0;
	s14 =	sadd.s32 @!p3 $0x80, s13;
	[sflag:s15] =	ssyncadd.s32 $0xFFFFC000  }
0xc5: {  	[tilespmem:s16], [sflag:$0x1] =	stream.linear.gather @!p3 [hbm4b:s14+s16], $0x80, $0x38;
	[tilespmem:$0x1BA80] =	vst v63  }
0xc6: {  	s17 =	simm.s32 @!p3 $0x1;
	s13 =	sadd.s32 @!p3 $0x90, s13;
	s14 =	simm.s32 @!p3 $0x100  }
0xc7: {  	[tilespmem:s14], [sflag:$0x1] =	stream.linear.gather @!p3 [hbm4b:s13+s16], $0x80, $0x38;
	[tilespmem:$0x1BA80] =	vst v63  }
0xc8: {  	_ =	swait.ge @!p3 [sflag:s17], $0x80  }
0xc9: {  	[sflag:s17] =	ssyncset.done @!p3 $0x0  }
0xca: {  	[sflag:s17] =	ssyncadd.s32 @!p3 $0xFFFFFF80  }
0xcb: {  	_ =	swait.ge @!p3 [sflag:s17], $0x80  }
0xcc: {  	s13 =	simm.s32 @!p3 $0x200;
	[sflag:s17] =	ssyncset.done @!p3 $0x0  }
.Ltmp3:
0xcd: {  	s14 =	simm.s32 @!p3 $0x80;
	[sflag:s17] =	ssyncadd.s32 @!p3 $0xFFFFFF80;
	(pc) =	sbr.rel @p2 .LBB2_4-.Ltmp3, $4  }
0xce: {  	[tilespmem:s13], [sflag:$0x3] =	stream.indirect.gather @!p3 [hbm4b:s1+s14], $0x80, s16, s14, $0xb8;
	[tilespmem:$0x1BA80] =	vst v63  }
0xcf: {  	_ =	swait.ge [sflag:s7], $0x4000  }
0xd0: {  	[sflag:s7] =	ssyncset.done $0x0  }
0xd1: {  	s12 =	sadd.s32 $0x2, s12;
	[sflag:s7] =	ssyncadd.s32 $0xFFFFC000  }
.Ltmp4:
0xd2: {  	(pc) =	sbr.rel @p1 .LBB2_7-.Ltmp4, $4  }
0xd3: {  	[spmem:s3] =	stream.indirect.scatter.add.f32 [tilespmem:s2], [sflag:$0x6], $0x80, s31, s29, $0xb8;
	[tilespmem:$0x1BA80] =	vst v63  }
0xd4: {  	_ =	swait.ge [sflag:s6], $0x4000  }
0xd5: {  	[sflag:s6] =	ssyncset.done $0x0  }
0xd6: {  	[sflag:s6] =	ssyncadd.s32 $0xFFFFC000  }
0xd7: {  	_ =	swait.ge [sflag:s0], $0x4000  }
0xd8: {  	[sflag:s0] =	ssyncset.done $0x0  }
0xd9: {  	[sflag:s0] =	ssyncadd.s32 $0xFFFFC000  }
0xda: {  	[spmem:s3] =	stream.indirect.scatter.add.f32 [tilespmem:s30], [sflag:$0x7], $0x80, s26, s29, $0xb8;
	[tilespmem:$0x1BA80] =	vst v63  }
.Ltmp5:
0xdb: {  	_ =	swait.ge [sflag:s8], $0x4000;
	(pc) =	sbr.rel .LBB2_8-.Ltmp5, $3  }
0xdc: {  	[sflag:s8] =	ssyncset.done $0x0  }
0xdd: {  	[sflag:s8] =	ssyncadd.s32 $0xFFFFC000  }
0xde: {  	[bflag:$0x0] =	sbarrier.arrive $0xFFFF;
	_ =	sdelay $0x1  }
.LBB2_7:
.Ltmp6:
0xdf: {  	(pc) =	sbr.rel @p0 .LBB2_9-.Ltmp6, $2  }
0xe0: {  	_ =	sdelay $0x1  }
0xe1: {  	[bflag:$0x0] =	sbarrier.arrive $0xFFFF;
	_ =	sdelay $0x1  }
.LBB2_8:
0xe2: {  	s11 =	stileid.u32  }
0xe3: {  	s12 =	sshrl.u32 s5, $0x3;
	s11 =	sshll.u32 s11, $0x6  }
.Ltmp7:
0xe4: {  	s13 =	rddreg [dreg:$0xd];
	s11 =	sor.u32 $0x1C07, s11;
	(pc) =	sbr.rel .LBB2_10-.Ltmp7, $4  }
0xe5: {  	[hbm:s13], [sflag:s11] =	dma.local [spmem:s12], $0x2700  }
0xe6: {  	_ =	swait.ge [sflag:s8], $0x2700  }
0xe7: {  	[sflag:s8] =	ssyncset.done $0x0  }
0xe8: {  	[sflag:s8] =	ssyncadd.s32 $0xFFFFD900  }
.LBB2_11:
0xe9: {  	_ =	sfence.sel $0x180000  }
0xea: {  	[bflag:$0x0] =	sbarrier.arrive $0xFFFF  }
0xeb: {  	_ =	strace $0x9000004A  }
0xec: {  	s0 =	stileid.u32;
	[bflag:$0x2] =	sbarrier.arrive $0xFFFF  }
0xed: {  	p0 =	sne.s32 s0, $0x0;
	s0 =	rddreg [dreg:$0x4]  }
0xee: {  	s0 =	sadd.s32 @!p0 $0x100000, s0  }
0xef: {  	[sflag:s0] =	ssyncadd.tile.s32 @!p0 $0x1;
	_ =	shalt  }
.Lfunc_end2:
_tile_overlayer_lowered:
.L_overlay_start_2:
0xf0: {  	(tag) =	ssettag $0x2  }
0xf1: {  	s0 =	rddreg [dreg:$0x0];
	s2 =	stileid.u32  }
0xf2: {  	s1 =	rddreg [dreg:$0x1];
	p0 =	sne.s32 s2, $0x0  }
0xf3: {  	s3 =	rddreg [dreg:$0x2];
	[bflag:$0x3] =	sbarrier.arrive $0xFFFF;
	s2 =	simm.s32 @!p0 $0x1C07  }
0xf4: {  	[timem:s3], [sflag:s2] =	dma.local @!p0 [hbm:s0], s1  }
0xf5: {  	s0 =	simm.s32 @!p0 $0x7  }
0xf6: {  	_ =	swait.ge @!p0 [sflag:s0], s1  }
0xf7: {  	s1 =	ssub.s32 @!p0 $0x0, s1;
	[sflag:s0] =	ssyncset.done @!p0 $0x0  }
0xf8: {  	[sflag:s0] =	ssyncadd.s32 @!p0 s1  }
0xf9: {  	[bflag:$0x3] =	sbarrier.arrive $0xFFFF  }
0xfa: {  	_ =	shalt  }

</sc_bundles>
